<compile_context>
chip_gen: v7x
topology: tpu7x:2x2x1
jax: 0.10.2.dev20260603
libtpu: 0.0.44.dev20260713+nightly
codegen_flags: <defaults>
</compile_context>

<pallas_src>
import functools

import jax
import jax.numpy as jnp
from jax import lax
from jax.experimental import pallas as pl
from jax.experimental.pallas import tpu as pltpu
from jax.experimental.pallas import tpu_sc as plsc

_B = 16384
_C = 1000
_NW = 32
_SPW = 256
_NSC = _SPW * _NW
_NTC = _B - _NSC
_F = 40
_NCHUNK = _C // _F
_NG = _SPW // 16
_SHIFT = 12.0
_L = 16

_mesh = plsc.VectorSubcoreMesh(core_axis_name="c", subcore_axis_name="s")


@functools.partial(
    pl.kernel,
    mesh=_mesh,
    compiler_params=pltpu.CompilerParams(
        needs_layout_passes=False, use_tc_tiling_on_sc=True),
    out_type=[
        jax.ShapeDtypeStruct((_NSC,), jnp.float32),
        jax.ShapeDtypeStruct((_NSC,), jnp.float32),
        jax.ShapeDtypeStruct((_NW, _L), jnp.float32),
    ],
    scratch_types=[
        pltpu.VMEM((_F, _SPW), jnp.float32),
        pltpu.VMEM((_F, _SPW), jnp.float32),
        pltpu.VMEM((_SPW,), jnp.int32),
        pltpu.VMEM((_C,), jnp.float32),
        pltpu.VMEM((_SPW,), jnp.float32),
        pltpu.VMEM((_SPW,), jnp.float32),
        pltpu.VMEM((_L,), jnp.float32),
        pltpu.SemaphoreType.DMA,
        pltpu.SemaphoreType.DMA,
    ],
)
def _sc_pass(xt_hbm, t_hbm, w_hbm, wt_out, s_out, a_out,
             buf0, buf1, tbuf, wbuf, wtbuf, sbuf, abuf, sem0, sem1):
    wid = lax.axis_index("s") * 2 + lax.axis_index("c")
    base = wid * _SPW
    bufs = (buf0, buf1)
    sems = (sem0, sem1)

    def chunk_copy(c, b):
        return pltpu.make_async_copy(
            xt_hbm.at[pl.ds(c * _F, _F), pl.ds(base, _SPW)], bufs[b], sems[b])

    chunk_copy(0, 0).start()
    chunk_copy(1, 1).start()

    pltpu.sync_copy(t_hbm.at[pl.ds(base, _SPW)], tbuf)
    pltpu.sync_copy(w_hbm, wbuf)

    lanes = lax.broadcasted_iota(jnp.int32, (_L,), 0)
    zero = jnp.zeros((_L,), jnp.float32)
    for g in range(_NG):
        sbuf[pl.ds(g * _L, _L)] = zero
        wtbuf[pl.ds(g * _L, _L)] = plsc.load_gather(
            wbuf, [tbuf[pl.ds(g * _L, _L)]])

    def do_chunk(c, buf, a):
        f0 = c * _F

        def group(gg, a_carry):
            acc = jnp.zeros((_L,), jnp.float32)
            for f in range(_F):
                acc = acc + jnp.exp(buf[f, pl.ds(gg * _L, _L)] - _SHIFT)
            plsc.addupdate(sbuf.at[pl.ds(gg * _L, _L)], acc)
            tv = tbuf[pl.ds(gg * _L, _L)]
            inb = (tv >= f0) & (tv < f0 + _F)
            loc = jnp.clip(tv - f0, 0, _F - 1)
            cols = lanes + gg * _L
            xv = plsc.load_gather(buf, [loc, cols])
            wt = wtbuf[pl.ds(gg * _L, _L)]
            return a_carry + jnp.where(inb, wt * (_SHIFT - xv), 0.0)

        return lax.fori_loop(0, _NG, group, a)

    def outer(g, a_carry):
        a = a_carry
        for b in range(2):
            c = 2 * g + b
            chunk_copy(c, b).wait()
            a = do_chunk(c, bufs[b], a)

            @pl.when(c + 2 < _NCHUNK)
            def _():
                chunk_copy(c + 2, b).start()
        return a

    a_final = lax.fori_loop(0, (_NCHUNK - 1) // 2, outer,
                            jnp.zeros((_L,), jnp.float32))
    chunk_copy(_NCHUNK - 1, 0).wait()
    a_final = do_chunk(_NCHUNK - 1, bufs[0], a_final)

    abuf[...] = a_final
    pltpu.sync_copy(wtbuf, wt_out.at[pl.ds(base, _SPW)])
    pltpu.sync_copy(sbuf, s_out.at[pl.ds(base, _SPW)])
    pltpu.sync_copy(abuf, a_out.at[wid])


_RT = 2048
_NBT = _NTC // _RT


def _tc_dense_body(x_ref, t_ref, w_ref, out_ref):
    x = x_ref[...]
    m = jnp.max(x, axis=0, keepdims=True)
    s = jnp.sum(jnp.exp(x - m), axis=0, keepdims=True)
    lse = m + jnp.log(s)
    rows = lax.broadcasted_iota(jnp.int32, (_C, _RT), 0)
    oh = rows == t_ref[...]
    xt = jnp.sum(jnp.where(oh, x, 0.0), axis=0, keepdims=True)
    wt = jnp.sum(jnp.where(oh, w_ref[...], 0.0), axis=0, keepdims=True)
    partial = jnp.sum(wt * (lse - xt), keepdims=True) * (1.0 / _B)

    @pl.when(pl.program_id(0) == 0)
    def _():
        out_ref[...] = jnp.zeros_like(out_ref)

    out_ref[...] += partial


_RC = 2048
_NBC = _NSC // _RC


def _combine_body(wt_ref, s_ref, a_ref, tc_ref, out_ref):
    partial = jnp.sum(wt_ref[...] * jnp.log(s_ref[...]), keepdims=True) * (1.0 / _B)

    @pl.when(pl.program_id(0) == 0)
    def _():
        out_ref[...] = (jnp.sum(a_ref[...], keepdims=True)[0] * (1.0 / _B)
                        + tc_ref[0])

    out_ref[...] += partial


def kernel(output, target, cls_weights, myLambda, embed):
    t32 = target.astype(jnp.int32)
    xt2 = output.T
    wt, s, a = _sc_pass(xt2, t32, cls_weights)
    tc_part = pl.pallas_call(
        _tc_dense_body,
        grid=(_NBT,),
        in_specs=[
            pl.BlockSpec((_C, _RT), lambda i: (0, _NSC // _RT + i)),
            pl.BlockSpec((1, _RT), lambda i: (0, _NSC // _RT + i)),
            pl.BlockSpec((_C, 1), lambda i: (0, 0)),
        ],
        out_specs=pl.BlockSpec((1, 1), lambda i: (0, 0)),
        out_shape=jax.ShapeDtypeStruct((1, 1), jnp.float32),
    )(xt2, t32.reshape(1, _B), cls_weights.reshape(_C, 1))
    out = pl.pallas_call(
        _combine_body,
        grid=(_NBC,),
        in_specs=[
            pl.BlockSpec((_RC,), lambda i: (i,)),
            pl.BlockSpec((_RC,), lambda i: (i,)),
            pl.BlockSpec((_NW, _L), lambda i: (0, 0)),
            pl.BlockSpec((1, 1), lambda i: (0, 0)),
        ],
        out_specs=pl.BlockSpec((1,), lambda i: (0,)),
        out_shape=jax.ShapeDtypeStruct((1,), jnp.float32),
    )(wt, s, a, tc_part)
    return out[0]

# --- scband reference (transcript-rebuilt; emitter-appended) ---
"""Pipeline reference for scband-nebloss-32581621907990 (READ-ONLY COPY).

The authoritative reference and input builder live on the scoring server;
editing this copy changes nothing except your own understanding.
"""

import jax, jax.numpy as jnp
import numpy as np


def setup_inputs(seed: int = 0) -> dict:
    key = jax.random.key(seed)
    k1, k2, k3, k4 = jax.random.split(key, 4)
    B, C, D = 16384, 1000, 128
    output = jax.random.normal(k1, (B, C), dtype=jnp.float32)
    target = jax.random.randint(k2, (B,), 0, C, dtype=jnp.int64)
    cls_weights = jax.random.uniform(k3, (C,), dtype=jnp.float32)
    myLambda = 200
    embed = jax.random.normal(k4, (B, D), dtype=jnp.float32)
    return {"output": output, "target": target, "cls_weights": cls_weights, "myLambda": myLambda, "embed": embed}


def reference(output, target, cls_weights, myLambda, embed):
    # CBCELoss(reduction='none') == weighted per-sample cross entropy:
    # loss_i = cls_weights[target_i] * (-log_softmax(output)_i[target_i])
    logp = jax.nn.log_softmax(output, axis=-1)
    nll = -jnp.take_along_axis(logp, target[:, None], axis=-1)[:, 0]
    loss = cls_weights[target] * nll
    # myLambda >= 200 branch of NEBLoss.forward:
    # p = 1 / len(loss); embed_loss = loss; return sum(p * embed_loss)
    p = 1.0 / loss.shape[0]
    embed_loss = loss
    return jnp.sum(p * embed_loss)

if __name__ == "__main__":
    import jax
    _d = setup_inputs()
    print(jax.jit(kernel)(*tuple(_d.values())))

</pallas_src>

<mosaic_0001>
#map = affine_map<(d0, d1) -> (0, 0)>
#map1 = affine_map<(d0, d1) -> (0)>
module attributes {stable_mosaic.version = 14 : i64} {
  func.func @_sc_pass(%arg0: i32, %arg1: i32, %arg2: memref<1000x16384xf32, #tpu.memory_space<hbm>>, %arg3: memref<16384xi32, #tpu.memory_space<hbm>>, %arg4: memref<1000xf32, #tpu.memory_space<hbm>>, %arg5: memref<8192xf32, #tpu.memory_space<hbm>>, %arg6: memref<8192xf32, #tpu.memory_space<hbm>>, %arg7: memref<32x16xf32, #tpu.memory_space<hbm>>, %arg8: memref<40x256xf32, #tpu.memory_space<vmem>>, %arg9: memref<40x256xf32, #tpu.memory_space<vmem>>, %arg10: memref<256xi32, #tpu.memory_space<vmem>>, %arg11: memref<1000xf32, #tpu.memory_space<vmem>>, %arg12: memref<256xf32, #tpu.memory_space<vmem>>, %arg13: memref<256xf32, #tpu.memory_space<vmem>>, %arg14: memref<16xf32, #tpu.memory_space<vmem>>, %arg15: memref<!tpu.dma_semaphore, #tpu.memory_space<semaphore_mem>>, %arg16: memref<!tpu.dma_semaphore, #tpu.memory_space<semaphore_mem>>) attributes {dimension_semantics = [#tpu.dimension_semantics<core_parallel>, #tpu.dimension_semantics<subcore_parallel>], iteration_bounds = array<i64: 2, 16>, scalar_prefetch = 0 : i64, scratch_operands = 9 : i64, tpu.core_type = #tpu.core_type<sc_vector_subcore>, window_params = [{transform_indices = #map}, {transform_indices = #map1}, {transform_indices = #map1}, {transform_indices = #map1}, {transform_indices = #map1}, {transform_indices = #map}]} {
    %mul3A = arith.constant 2 : i32
    %mul3A_0 = arith.muli %arg1, %mul3A : i32
    %add3A = arith.addi %mul3A_0, %arg0 : i32
    %mul3A_1 = arith.constant 256 : i32
    %mul3A_2 = arith.muli %add3A, %mul3A_1 : i32
    %dma_start3A = arith.constant 0 : i32
    %dma_start3A_3 = tpu.memref_slice %arg2[%dma_start3A, %mul3A_2] : memref<1000x16384xf32, #tpu.memory_space<hbm>> -> memref<40x256xf32, #tpu.memory_space<hbm>>
    %dma_start3A_4 = arith.constant 0 : i32
    %dma_start3A_5 = tpu.memref_slice %arg2[%dma_start3A_4, %mul3A_2] : memref<1000x16384xf32, #tpu.memory_space<hbm>> -> memref<40x256xf32, #tpu.memory_space<hbm>>
    tpu.enqueue_dma source(%dma_start3A_5 : memref<40x256xf32, #tpu.memory_space<hbm>>) target(%arg8 : memref<40x256xf32, #tpu.memory_space<vmem>>) target_semaphore(%arg15 : memref<!tpu.dma_semaphore, #tpu.memory_space<semaphore_mem>>)
    %dma_start3A_6 = arith.constant 40 : i32
    %dma_start3A_7 = tpu.memref_slice %arg2[%dma_start3A_6, %mul3A_2] : memref<1000x16384xf32, #tpu.memory_space<hbm>> -> memref<40x256xf32, #tpu.memory_space<hbm>>
    %dma_start3A_8 = arith.constant 40 : i32
    %dma_start3A_9 = tpu.memref_slice %arg2[%dma_start3A_8, %mul3A_2] : memref<1000x16384xf32, #tpu.memory_space<hbm>> -> memref<40x256xf32, #tpu.memory_space<hbm>>
    tpu.enqueue_dma source(%dma_start3A_9 : memref<40x256xf32, #tpu.memory_space<hbm>>) target(%arg9 : memref<40x256xf32, #tpu.memory_space<vmem>>) target_semaphore(%arg16 : memref<!tpu.dma_semaphore, #tpu.memory_space<semaphore_mem>>)
    "tpu.region"() ({
      %run_scoped3A = tpu.sem_alloc : memref<!tpu.dma_semaphore, #tpu.memory_space<semaphore_mem>>
      %dma_start3A_138 = tpu.memref_slice %arg3[%mul3A_2] : memref<16384xi32, #tpu.memory_space<hbm>> -> memref<256xi32, #tpu.memory_space<hbm>>
      %dma_start3A_139 = tpu.memref_slice %arg3[%mul3A_2] : memref<16384xi32, #tpu.memory_space<hbm>> -> memref<256xi32, #tpu.memory_space<hbm>>
      tpu.enqueue_dma source(%dma_start3A_139 : memref<256xi32, #tpu.memory_space<hbm>>) target(%arg10 : memref<256xi32, #tpu.memory_space<vmem>>) target_semaphore(%run_scoped3A : memref<!tpu.dma_semaphore, #tpu.memory_space<semaphore_mem>>)
      %dma_wait3A_140 = tpu.memref_slice %arg3[%mul3A_2] : memref<16384xi32, #tpu.memory_space<hbm>> -> memref<256xi32, #tpu.memory_space<hbm>>
      %dma_wait3A_141 = tpu.memref_slice %arg3[%mul3A_2] : memref<16384xi32, #tpu.memory_space<hbm>> -> memref<256xi32, #tpu.memory_space<hbm>>
      tpu.wait_dma2 semaphore(%run_scoped3A : memref<!tpu.dma_semaphore, #tpu.memory_space<semaphore_mem>>) src(%dma_wait3A_141 : memref<256xi32, #tpu.memory_space<hbm>>) dst(%arg10 : memref<256xi32, #tpu.memory_space<vmem>>)
      tpu.yield
    }) : () -> ()
    "tpu.region"() ({
      %run_scoped3A = tpu.sem_alloc : memref<!tpu.dma_semaphore, #tpu.memory_space<semaphore_mem>>
      tpu.enqueue_dma source(%arg4 : memref<1000xf32, #tpu.memory_space<hbm>>) target(%arg11 : memref<1000xf32, #tpu.memory_space<vmem>>) target_semaphore(%run_scoped3A : memref<!tpu.dma_semaphore, #tpu.memory_space<semaphore_mem>>)
      tpu.wait_dma2 semaphore(%run_scoped3A : memref<!tpu.dma_semaphore, #tpu.memory_space<semaphore_mem>>) src(%arg4 : memref<1000xf32, #tpu.memory_space<hbm>>) dst(%arg11 : memref<1000xf32, #tpu.memory_space<vmem>>)
      tpu.yield
    }) : () -> ()
    %iota3A = tpu.iota {dimensions = array<i32: 0>} : vector<16xi32>
    %broadcast_in_dim3A = arith.constant 0.000000e+00 : f32
    %broadcast_in_dim3A_10 = vector.broadcast %broadcast_in_dim3A : f32 to vector<16xf32>
    %swap3A = arith.constant 0 : index
    %swap3A_11 = tpu.vector_load %arg13[%swap3A] {strides = array<i32>} : memref<256xf32, #tpu.memory_space<vmem>>, vector<16xf32>,
    tpu.vector_store %arg13[%swap3A], %broadcast_in_dim3A_10 {strides = array<i32>} : memref<256xf32, #tpu.memory_space<vmem>>, vector<16xf32>,
    %get3A = arith.constant 0 : index
    %get3A_12 = tpu.vector_load %arg10[%get3A] {strides = array<i32>} : memref<256xi32, #tpu.memory_space<vmem>>, vector<16xi32>,
    %gather3A = tpu.vector_load_idx %arg11[%get3A_12] : memref<1000xf32, #tpu.memory_space<vmem>>[vector<16xi32>], vector<16xf32>,
    %swap3A_13 = arith.constant 0 : index
    %swap3A_14 = tpu.vector_load %arg12[%swap3A_13] {strides = array<i32>} : memref<256xf32, #tpu.memory_space<vmem>>, vector<16xf32>,
    tpu.vector_store %arg12[%swap3A_13], %gather3A {strides = array<i32>} : memref<256xf32, #tpu.memory_space<vmem>>, vector<16xf32>,
    %swap3A_15 = arith.constant 16 : index
    %swap3A_16 = tpu.vector_load %arg13[%swap3A_15] {strides = array<i32>} : memref<256xf32, #tpu.memory_space<vmem>>, vector<16xf32>,
    tpu.vector_store %arg13[%swap3A_15], %broadcast_in_dim3A_10 {strides = array<i32>} : memref<256xf32, #tpu.memory_space<vmem>>, vector<16xf32>,
    %get3A_17 = arith.constant 16 : index
    %get3A_18 = tpu.vector_load %arg10[%get3A_17] {strides = array<i32>} : memref<256xi32, #tpu.memory_space<vmem>>, vector<16xi32>,
    %gather3A_19 = tpu.vector_load_idx %arg11[%get3A_18] : memref<1000xf32, #tpu.memory_space<vmem>>[vector<16xi32>], vector<16xf32>,
    %swap3A_20 = arith.constant 16 : index
    %swap3A_21 = tpu.vector_load %arg12[%swap3A_20] {strides = array<i32>} : memref<256xf32, #tpu.memory_space<vmem>>, vector<16xf32>,
    tpu.vector_store %arg12[%swap3A_20], %gather3A_19 {strides = array<i32>} : memref<256xf32, #tpu.memory_space<vmem>>, vector<16xf32>,
    %swap3A_22 = arith.constant 32 : index
    %swap3A_23 = tpu.vector_load %arg13[%swap3A_22] {strides = array<i32>} : memref<256xf32, #tpu.memory_space<vmem>>, vector<16xf32>,
    tpu.vector_store %arg13[%swap3A_22], %broadcast_in_dim3A_10 {strides = array<i32>} : memref<256xf32, #tpu.memory_space<vmem>>, vector<16xf32>,
    %get3A_24 = arith.constant 32 : index
    %get3A_25 = tpu.vector_load %arg10[%get3A_24] {strides = array<i32>} : memref<256xi32, #tpu.memory_space<vmem>>, vector<16xi32>,
    %gather3A_26 = tpu.vector_load_idx %arg11[%get3A_25] : memref<1000xf32, #tpu.memory_space<vmem>>[vector<16xi32>], vector<16xf32>,
    %swap3A_27 = arith.constant 32 : index
    %swap3A_28 = tpu.vector_load %arg12[%swap3A_27] {strides = array<i32>} : memref<256xf32, #tpu.memory_space<vmem>>, vector<16xf32>,
    tpu.vector_store %arg12[%swap3A_27], %gather3A_26 {strides = array<i32>} : memref<256xf32, #tpu.memory_space<vmem>>, vector<16xf32>,
    %swap3A_29 = arith.constant 48 : index
    %swap3A_30 = tpu.vector_load %arg13[%swap3A_29] {strides = array<i32>} : memref<256xf32, #tpu.memory_space<vmem>>, vector<16xf32>,
    tpu.vector_store %arg13[%swap3A_29], %broadcast_in_dim3A_10 {strides = array<i32>} : memref<256xf32, #tpu.memory_space<vmem>>, vector<16xf32>,
    %get3A_31 = arith.constant 48 : index
    %get3A_32 = tpu.vector_load %arg10[%get3A_31] {strides = array<i32>} : memref<256xi32, #tpu.memory_space<vmem>>, vector<16xi32>,
    %gather3A_33 = tpu.vector_load_idx %arg11[%get3A_32] : memref<1000xf32, #tpu.memory_space<vmem>>[vector<16xi32>], vector<16xf32>,
    %swap3A_34 = arith.constant 48 : index
    %swap3A_35 = tpu.vector_load %arg12[%swap3A_34] {strides = array<i32>} : memref<256xf32, #tpu.memory_space<vmem>>, vector<16xf32>,
    tpu.vector_store %arg12[%swap3A_34], %gather3A_33 {strides = array<i32>} : memref<256xf32, #tpu.memory_space<vmem>>, vector<16xf32>,
    %swap3A_36 = arith.constant 64 : index
    %swap3A_37 = tpu.vector_load %arg13[%swap3A_36] {strides = array<i32>} : memref<256xf32, #tpu.memory_space<vmem>>, vector<16xf32>,
    tpu.vector_store %arg13[%swap3A_36], %broadcast_in_dim3A_10 {strides = array<i32>} : memref<256xf32, #tpu.memory_space<vmem>>, vector<16xf32>,
    %get3A_38 = arith.constant 64 : index
    %get3A_39 = tpu.vector_load %arg10[%get3A_38] {strides = array<i32>} : memref<256xi32, #tpu.memory_space<vmem>>, vector<16xi32>,
    %gather3A_40 = tpu.vector_load_idx %arg11[%get3A_39] : memref<1000xf32, #tpu.memory_space<vmem>>[vector<16xi32>], vector<16xf32>,
    %swap3A_41 = arith.constant 64 : index
    %swap3A_42 = tpu.vector_load %arg12[%swap3A_41] {strides = array<i32>} : memref<256xf32, #tpu.memory_space<vmem>>, vector<16xf32>,
    tpu.vector_store %arg12[%swap3A_41], %gather3A_40 {strides = array<i32>} : memref<256xf32, #tpu.memory_space<vmem>>, vector<16xf32>,
    %swap3A_43 = arith.constant 80 : index
    %swap3A_44 = tpu.vector_load %arg13[%swap3A_43] {strides = array<i32>} : memref<256xf32, #tpu.memory_space<vmem>>, vector<16xf32>,
    tpu.vector_store %arg13[%swap3A_43], %broadcast_in_dim3A_10 {strides = array<i32>} : memref<256xf32, #tpu.memory_space<vmem>>, vector<16xf32>,
    %get3A_45 = arith.constant 80 : index
    %get3A_46 = tpu.vector_load %arg10[%get3A_45] {strides = array<i32>} : memref<256xi32, #tpu.memory_space<vmem>>, vector<16xi32>,
    %gather3A_47 = tpu.vector_load_idx %arg11[%get3A_46] : memref<1000xf32, #tpu.memory_space<vmem>>[vector<16xi32>], vector<16xf32>,
    %swap3A_48 = arith.constant 80 : index
    %swap3A_49 = tpu.vector_load %arg12[%swap3A_48] {strides = array<i32>} : memref<256xf32, #tpu.memory_space<vmem>>, vector<16xf32>,
    tpu.vector_store %arg12[%swap3A_48], %gather3A_47 {strides = array<i32>} : memref<256xf32, #tpu.memory_space<vmem>>, vector<16xf32>,
    %swap3A_50 = arith.constant 96 : index
    %swap3A_51 = tpu.vector_load %arg13[%swap3A_50] {strides = array<i32>} : memref<256xf32, #tpu.memory_space<vmem>>, vector<16xf32>,
    tpu.vector_store %arg13[%swap3A_50], %broadcast_in_dim3A_10 {strides = array<i32>} : memref<256xf32, #tpu.memory_space<vmem>>, vector<16xf32>,
    %get3A_52 = arith.constant 96 : index
    %get3A_53 = tpu.vector_load %arg10[%get3A_52] {strides = array<i32>} : memref<256xi32, #tpu.memory_space<vmem>>, vector<16xi32>,
    %gather3A_54 = tpu.vector_load_idx %arg11[%get3A_53] : memref<1000xf32, #tpu.memory_space<vmem>>[vector<16xi32>], vector<16xf32>,
    %swap3A_55 = arith.constant 96 : index
    %swap3A_56 = tpu.vector_load %arg12[%swap3A_55] {strides = array<i32>} : memref<256xf32, #tpu.memory_space<vmem>>, vector<16xf32>,
    tpu.vector_store %arg12[%swap3A_55], %gather3A_54 {strides = array<i32>} : memref<256xf32, #tpu.memory_space<vmem>>, vector<16xf32>,
    %swap3A_57 = arith.constant 112 : index
    %swap3A_58 = tpu.vector_load %arg13[%swap3A_57] {strides = array<i32>} : memref<256xf32, #tpu.memory_space<vmem>>, vector<16xf32>,
    tpu.vector_store %arg13[%swap3A_57], %broadcast_in_dim3A_10 {strides = array<i32>} : memref<256xf32, #tpu.memory_space<vmem>>, vector<16xf32>,
    %get3A_59 = arith.constant 112 : index
    %get3A_60 = tpu.vector_load %arg10[%get3A_59] {strides = array<i32>} : memref<256xi32, #tpu.memory_space<vmem>>, vector<16xi32>,
    %gather3A_61 = tpu.vector_load_idx %arg11[%get3A_60] : memref<1000xf32, #tpu.memory_space<vmem>>[vector<16xi32>], vector<16xf32>,
    %swap3A_62 = arith.constant 112 : index
    %swap3A_63 = tpu.vector_load %arg12[%swap3A_62] {strides = array<i32>} : memref<256xf32, #tpu.memory_space<vmem>>, vector<16xf32>,
    tpu.vector_store %arg12[%swap3A_62], %gather3A_61 {strides = array<i32>} : memref<256xf32, #tpu.memory_space<vmem>>, vector<16xf32>,
    %swap3A_64 = arith.constant 128 : index
    %swap3A_65 = tpu.vector_load %arg13[%swap3A_64] {strides = array<i32>} : memref<256xf32, #tpu.memory_space<vmem>>, vector<16xf32>,
    tpu.vector_store %arg13[%swap3A_64], %broadcast_in_dim3A_10 {strides = array<i32>} : memref<256xf32, #tpu.memory_space<vmem>>, vector<16xf32>,
    %get3A_66 = arith.constant 128 : index
    %get3A_67 = tpu.vector_load %arg10[%get3A_66] {strides = array<i32>} : memref<256xi32, #tpu.memory_space<vmem>>, vector<16xi32>,
    %gather3A_68 = tpu.vector_load_idx %arg11[%get3A_67] : memref<1000xf32, #tpu.memory_space<vmem>>[vector<16xi32>], vector<16xf32>,
    %swap3A_69 = arith.constant 128 : index
    %swap3A_70 = tpu.vector_load %arg12[%swap3A_69] {strides = array<i32>} : memref<256xf32, #tpu.memory_space<vmem>>, vector<16xf32>,
    tpu.vector_store %arg12[%swap3A_69], %gather3A_68 {strides = array<i32>} : memref<256xf32, #tpu.memory_space<vmem>>, vector<16xf32>,
    %swap3A_71 = arith.constant 144 : index
    %swap3A_72 = tpu.vector_load %arg13[%swap3A_71] {strides = array<i32>} : memref<256xf32, #tpu.memory_space<vmem>>, vector<16xf32>,
    tpu.vector_store %arg13[%swap3A_71], %broadcast_in_dim3A_10 {strides = array<i32>} : memref<256xf32, #tpu.memory_space<vmem>>, vector<16xf32>,
    %get3A_73 = arith.constant 144 : index
    %get3A_74 = tpu.vector_load %arg10[%get3A_73] {strides = array<i32>} : memref<256xi32, #tpu.memory_space<vmem>>, vector<16xi32>,
    %gather3A_75 = tpu.vector_load_idx %arg11[%get3A_74] : memref<1000xf32, #tpu.memory_space<vmem>>[vector<16xi32>], vector<16xf32>,
    %swap3A_76 = arith.constant 144 : index
    %swap3A_77 = tpu.vector_load %arg12[%swap3A_76] {strides = array<i32>} : memref<256xf32, #tpu.memory_space<vmem>>, vector<16xf32>,
    tpu.vector_store %arg12[%swap3A_76], %gather3A_75 {strides = array<i32>} : memref<256xf32, #tpu.memory_space<vmem>>, vector<16xf32>,
    %swap3A_78 = arith.constant 160 : index
    %swap3A_79 = tpu.vector_load %arg13[%swap3A_78] {strides = array<i32>} : memref<256xf32, #tpu.memory_space<vmem>>, vector<16xf32>,
    tpu.vector_store %arg13[%swap3A_78], %broadcast_in_dim3A_10 {strides = array<i32>} : memref<256xf32, #tpu.memory_space<vmem>>, vector<16xf32>,
    %get3A_80 = arith.constant 160 : index
    %get3A_81 = tpu.vector_load %arg10[%get3A_80] {strides = array<i32>} : memref<256xi32, #tpu.memory_space<vmem>>, vector<16xi32>,
    %gather3A_82 = tpu.vector_load_idx %arg11[%get3A_81] : memref<1000xf32, #tpu.memory_space<vmem>>[vector<16xi32>], vector<16xf32>,
    %swap3A_83 = arith.constant 160 : index
    %swap3A_84 = tpu.vector_load %arg12[%swap3A_83] {strides = array<i32>} : memref<256xf32, #tpu.memory_space<vmem>>, vector<16xf32>,
    tpu.vector_store %arg12[%swap3A_83], %gather3A_82 {strides = array<i32>} : memref<256xf32, #tpu.memory_space<vmem>>, vector<16xf32>,
    %swap3A_85 = arith.constant 176 : index
    %swap3A_86 = tpu.vector_load %arg13[%swap3A_85] {strides = array<i32>} : memref<256xf32, #tpu.memory_space<vmem>>, vector<16xf32>,
    tpu.vector_store %arg13[%swap3A_85], %broadcast_in_dim3A_10 {strides = array<i32>} : memref<256xf32, #tpu.memory_space<vmem>>, vector<16xf32>,
    %get3A_87 = arith.constant 176 : index
    %get3A_88 = tpu.vector_load %arg10[%get3A_87] {strides = array<i32>} : memref<256xi32, #tpu.memory_space<vmem>>, vector<16xi32>,
    %gather3A_89 = tpu.vector_load_idx %arg11[%get3A_88] : memref<1000xf32, #tpu.memory_space<vmem>>[vector<16xi32>], vector<16xf32>,
    %swap3A_90 = arith.constant 176 : index
    %swap3A_91 = tpu.vector_load %arg12[%swap3A_90] {strides = array<i32>} : memref<256xf32, #tpu.memory_space<vmem>>, vector<16xf32>,
    tpu.vector_store %arg12[%swap3A_90], %gather3A_89 {strides = array<i32>} : memref<256xf32, #tpu.memory_space<vmem>>, vector<16xf32>,
    %swap3A_92 = arith.constant 192 : index
    %swap3A_93 = tpu.vector_load %arg13[%swap3A_92] {strides = array<i32>} : memref<256xf32, #tpu.memory_space<vmem>>, vector<16xf32>,
    tpu.vector_store %arg13[%swap3A_92], %broadcast_in_dim3A_10 {strides = array<i32>} : memref<256xf32, #tpu.memory_space<vmem>>, vector<16xf32>,
    %get3A_94 = arith.constant 192 : index
    %get3A_95 = tpu.vector_load %arg10[%get3A_94] {strides = array<i32>} : memref<256xi32, #tpu.memory_space<vmem>>, vector<16xi32>,
    %gather3A_96 = tpu.vector_load_idx %arg11[%get3A_95] : memref<1000xf32, #tpu.memory_space<vmem>>[vector<16xi32>], vector<16xf32>,
    %swap3A_97 = arith.constant 192 : index
    %swap3A_98 = tpu.vector_load %arg12[%swap3A_97] {strides = array<i32>} : memref<256xf32, #tpu.memory_space<vmem>>, vector<16xf32>,
    tpu.vector_store %arg12[%swap3A_97], %gather3A_96 {strides = array<i32>} : memref<256xf32, #tpu.memory_space<vmem>>, vector<16xf32>,
    %swap3A_99 = arith.constant 208 : index
    %swap3A_100 = tpu.vector_load %arg13[%swap3A_99] {strides = array<i32>} : memref<256xf32, #tpu.memory_space<vmem>>, vector<16xf32>,
    tpu.vector_store %arg13[%swap3A_99], %broadcast_in_dim3A_10 {strides = array<i32>} : memref<256xf32, #tpu.memory_space<vmem>>, vector<16xf32>,
    %get3A_101 = arith.constant 208 : index
    %get3A_102 = tpu.vector_load %arg10[%get3A_101] {strides = array<i32>} : memref<256xi32, #tpu.memory_space<vmem>>, vector<16xi32>,
    %gather3A_103 = tpu.vector_load_idx %arg11[%get3A_102] : memref<1000xf32, #tpu.memory_space<vmem>>[vector<16xi32>], vector<16xf32>,
    %swap3A_104 = arith.constant 208 : index
    %swap3A_105 = tpu.vector_load %arg12[%swap3A_104] {strides = array<i32>} : memref<256xf32, #tpu.memory_space<vmem>>, vector<16xf32>,
    tpu.vector_store %arg12[%swap3A_104], %gather3A_103 {strides = array<i32>} : memref<256xf32, #tpu.memory_space<vmem>>, vector<16xf32>,
    %swap3A_106 = arith.constant 224 : index
    %swap3A_107 = tpu.vector_load %arg13[%swap3A_106] {strides = array<i32>} : memref<256xf32, #tpu.memory_space<vmem>>, vector<16xf32>,
    tpu.vector_store %arg13[%swap3A_106], %broadcast_in_dim3A_10 {strides = array<i32>} : memref<256xf32, #tpu.memory_space<vmem>>, vector<16xf32>,
    %get3A_108 = arith.constant 224 : index
    %get3A_109 = tpu.vector_load %arg10[%get3A_108] {strides = array<i32>} : memref<256xi32, #tpu.memory_space<vmem>>, vector<16xi32>,
    %gather3A_110 = tpu.vector_load_idx %arg11[%get3A_109] : memref<1000xf32, #tpu.memory_space<vmem>>[vector<16xi32>], vector<16xf32>,
    %swap3A_111 = arith.constant 224 : index
    %swap3A_112 = tpu.vector_load %arg12[%swap3A_111] {strides = array<i32>} : memref<256xf32, #tpu.memory_space<vmem>>, vector<16xf32>,
    tpu.vector_store %arg12[%swap3A_111], %gather3A_110 {strides = array<i32>} : memref<256xf32, #tpu.memory_space<vmem>>, vector<16xf32>,
    %swap3A_113 = arith.constant 240 : index
    %swap3A_114 = tpu.vector_load %arg13[%swap3A_113] {strides = array<i32>} : memref<256xf32, #tpu.memory_space<vmem>>, vector<16xf32>,
    tpu.vector_store %arg13[%swap3A_113], %broadcast_in_dim3A_10 {strides = array<i32>} : memref<256xf32, #tpu.memory_space<vmem>>, vector<16xf32>,
    %get3A_115 = arith.constant 240 : index
    %get3A_116 = tpu.vector_load %arg10[%get3A_115] {strides = array<i32>} : memref<256xi32, #tpu.memory_space<vmem>>, vector<16xi32>,
    %gather3A_117 = tpu.vector_load_idx %arg11[%get3A_116] : memref<1000xf32, #tpu.memory_space<vmem>>[vector<16xi32>], vector<16xf32>,
    %swap3A_118 = arith.constant 240 : index
    %swap3A_119 = tpu.vector_load %arg12[%swap3A_118] {strides = array<i32>} : memref<256xf32, #tpu.memory_space<vmem>>, vector<16xf32>,
    tpu.vector_store %arg12[%swap3A_118], %gather3A_117 {strides = array<i32>} : memref<256xf32, #tpu.memory_space<vmem>>, vector<16xf32>,
    %broadcast_in_dim3A_120 = arith.constant 0.000000e+00 : f32
    %broadcast_in_dim3A_121 = vector.broadcast %broadcast_in_dim3A_120 : f32 to vector<16xf32>
    %scan3A = arith.constant 0 : i32
    %scan3A_122 = arith.constant 12 : i32
    %scan3A_123 = arith.addi %scan3A, %scan3A_122 : i32
    %scan3A_124 = arith.constant 1 : i32
    %scan3A_125 = scf.for %scan3A_138 = %scan3A to %scan3A_123 step %scan3A_124 iter_args(%scan3A_139 = %broadcast_in_dim3A_121) -> (vector<16xf32>)  : i32 {
      %mul3A_140 = arith.constant 2 : i32
      %mul3A_141 = arith.muli %mul3A_140, %scan3A_138 : i32
      %add3A_142 = arith.constant 0 : i32
      %add3A_143 = arith.addi %mul3A_141, %add3A_142 : i32
      %mul3A_144 = arith.constant 40 : i32
      %mul3A_145 = arith.muli %add3A_143, %mul3A_144 : i32
      %dma_wait3A_146 = tpu.memref_slice %arg2[%mul3A_145, %mul3A_2] : memref<1000x16384xf32, #tpu.memory_space<hbm>> -> memref<40x256xf32, #tpu.memory_space<hbm>>
      %dma_wait3A_147 = tpu.memref_slice %arg2[%mul3A_145, %mul3A_2] : memref<1000x16384xf32, #tpu.memory_space<hbm>> -> memref<40x256xf32, #tpu.memory_space<hbm>>
      tpu.wait_dma2 semaphore(%arg15 : memref<!tpu.dma_semaphore, #tpu.memory_space<semaphore_mem>>) src(%dma_wait3A_147 : memref<40x256xf32, #tpu.memory_space<hbm>>) dst(%arg8 : memref<40x256xf32, #tpu.memory_space<vmem>>)
      %mul3A_148 = arith.constant 40 : i32
      %mul3A_149 = arith.muli %add3A_143, %mul3A_148 : i32
      %scan3A_150 = arith.constant 0 : i32
      %scan3A_151 = arith.constant 16 : i32
      %scan3A_152 = arith.addi %scan3A_150, %scan3A_151 : i32
      %scan3A_153 = arith.constant 1 : i32
      %scan3A_154 = scf.for %scan3A_183 = %scan3A_150 to %scan3A_152 step %scan3A_153 iter_args(%scan3A_184 = %scan3A_139) -> (vector<16xf32>)  : i32 {
        %broadcast_in_dim3A_185 = arith.constant 0.000000e+00 : f32
        %broadcast_in_dim3A_186 = vector.broadcast %broadcast_in_dim3A_185 : f32 to vector<16xf32>
        %mul3A_187 = arith.constant 16 : i32
        %mul3A_188 = arith.muli %scan3A_183, %mul3A_187 : i32
        %get3A_189 = arith.constant 0 : i32
        %get3A_190 = arith.index_cast %get3A_189 : i32 to index
        %get3A_191 = arith.index_cast %mul3A_188 : i32 to index
        %get3A_192 = tpu.vector_load %arg8[%get3A_190, %get3A_191] {strides = array<i32>} : memref<40x256xf32, #tpu.memory_space<vmem>>, vector<16xf32>,
        %sub3A = arith.constant 1.200000e+01 : f32
        %sub3A_193 = vector.broadcast %sub3A : f32 to vector<16xf32>
        %sub3A_194 = arith.subf %get3A_192, %sub3A_193 : vector<16xf32>
        %exp3A = math.exp %sub3A_194 : vector<16xf32>
        %add3A_195 = arith.addf %broadcast_in_dim3A_186, %exp3A : vector<16xf32>
        %mul3A_196 = arith.constant 16 : i32
        %mul3A_197 = arith.muli %scan3A_183, %mul3A_196 : i32
        %get3A_198 = arith.constant 1 : i32
        %get3A_199 = arith.index_cast %get3A_198 : i32 to index
        %get3A_200 = arith.index_cast %mul3A_197 : i32 to index
        %get3A_201 = tpu.vector_load %arg8[%get3A_199, %get3A_200] {strides = array<i32>} : memref<40x256xf32, #tpu.memory_space<vmem>>, vector<16xf32>,
        %sub3A_202 = arith.constant 1.200000e+01 : f32
        %sub3A_203 = vector.broadcast %sub3A_202 : f32 to vector<16xf32>
        %sub3A_204 = arith.subf %get3A_201, %sub3A_203 : vector<16xf32>
        %exp3A_205 = math.exp %sub3A_204 : vector<16xf32>
        %add3A_206 = arith.addf %add3A_195, %exp3A_205 : vector<16xf32>
        %mul3A_207 = arith.constant 16 : i32
        %mul3A_208 = arith.muli %scan3A_183, %mul3A_207 : i32
        %get3A_209 = arith.constant 2 : i32
        %get3A_210 = arith.index_cast %get3A_209 : i32 to index
        %get3A_211 = arith.index_cast %mul3A_208 : i32 to index
        %get3A_212 = tpu.vector_load %arg8[%get3A_210, %get3A_211] {strides = array<i32>} : memref<40x256xf32, #tpu.memory_space<vmem>>, vector<16xf32>,
        %sub3A_213 = arith.constant 1.200000e+01 : f32
        %sub3A_214 = vector.broadcast %sub3A_213 : f32 to vector<16xf32>
        %sub3A_215 = arith.subf %get3A_212, %sub3A_214 : vector<16xf32>
        %exp3A_216 = math.exp %sub3A_215 : vector<16xf32>
        %add3A_217 = arith.addf %add3A_206, %exp3A_216 : vector<16xf32>
        %mul3A_218 = arith.constant 16 : i32
        %mul3A_219 = arith.muli %scan3A_183, %mul3A_218 : i32
        %get3A_220 = arith.constant 3 : i32
        %get3A_221 = arith.index_cast %get3A_220 : i32 to index
        %get3A_222 = arith.index_cast %mul3A_219 : i32 to index
        %get3A_223 = tpu.vector_load %arg8[%get3A_221, %get3A_222] {strides = array<i32>} : memref<40x256xf32, #tpu.memory_space<vmem>>, vector<16xf32>,
        %sub3A_224 = arith.constant 1.200000e+01 : f32
        %sub3A_225 = vector.broadcast %sub3A_224 : f32 to vector<16xf32>
        %sub3A_226 = arith.subf %get3A_223, %sub3A_225 : vector<16xf32>
        %exp3A_227 = math.exp %sub3A_226 : vector<16xf32>
        %add3A_228 = arith.addf %add3A_217, %exp3A_227 : vector<16xf32>
        %mul3A_229 = arith.constant 16 : i32
        %mul3A_230 = arith.muli %scan3A_183, %mul3A_229 : i32
        %get3A_231 = arith.constant 4 : i32
        %get3A_232 = arith.index_cast %get3A_231 : i32 to index
        %get3A_233 = arith.index_cast %mul3A_230 : i32 to index
        %get3A_234 = tpu.vector_load %arg8[%get3A_232, %get3A_233] {strides = array<i32>} : memref<40x256xf32, #tpu.memory_space<vmem>>, vector<16xf32>,
        %sub3A_235 = arith.constant 1.200000e+01 : f32
        %sub3A_236 = vector.broadcast %sub3A_235 : f32 to vector<16xf32>
        %sub3A_237 = arith.subf %get3A_234, %sub3A_236 : vector<16xf32>
        %exp3A_238 = math.exp %sub3A_237 : vector<16xf32>
        %add3A_239 = arith.addf %add3A_228, %exp3A_238 : vector<16xf32>
        %mul3A_240 = arith.constant 16 : i32
        %mul3A_241 = arith.muli %scan3A_183, %mul3A_240 : i32
        %get3A_242 = arith.constant 5 : i32
        %get3A_243 = arith.index_cast %get3A_242 : i32 to index
        %get3A_244 = arith.index_cast %mul3A_241 : i32 to index
        %get3A_245 = tpu.vector_load %arg8[%get3A_243, %get3A_244] {strides = array<i32>} : memref<40x256xf32, #tpu.memory_space<vmem>>, vector<16xf32>,
        %sub3A_246 = arith.constant 1.200000e+01 : f32
        %sub3A_247 = vector.broadcast %sub3A_246 : f32 to vector<16xf32>
        %sub3A_248 = arith.subf %get3A_245, %sub3A_247 : vector<16xf32>
        %exp3A_249 = math.exp %sub3A_248 : vector<16xf32>
        %add3A_250 = arith.addf %add3A_239, %exp3A_249 : vector<16xf32>
        %mul3A_251 = arith.constant 16 : i32
        %mul3A_252 = arith.muli %scan3A_183, %mul3A_251 : i32
        %get3A_253 = arith.constant 6 : i32
        %get3A_254 = arith.index_cast %get3A_253 : i32 to index
        %get3A_255 = arith.index_cast %mul3A_252 : i32 to index
        %get3A_256 = tpu.vector_load %arg8[%get3A_254, %get3A_255] {strides = array<i32>} : memref<40x256xf32, #tpu.memory_space<vmem>>, vector<16xf32>,
        %sub3A_257 = arith.constant 1.200000e+01 : f32
        %sub3A_258 = vector.broadcast %sub3A_257 : f32 to vector<16xf32>
        %sub3A_259 = arith.subf %get3A_256, %sub3A_258 : vector<16xf32>
        %exp3A_260 = math.exp %sub3A_259 : vector<16xf32>
        %add3A_261 = arith.addf %add3A_250, %exp3A_260 : vector<16xf32>
        %mul3A_262 = arith.constant 16 : i32
        %mul3A_263 = arith.muli %scan3A_183, %mul3A_262 : i32
        %get3A_264 = arith.constant 7 : i32
        %get3A_265 = arith.index_cast %get3A_264 : i32 to index
        %get3A_266 = arith.index_cast %mul3A_263 : i32 to index
        %get3A_267 = tpu.vector_load %arg8[%get3A_265, %get3A_266] {strides = array<i32>} : memref<40x256xf32, #tpu.memory_space<vmem>>, vector<16xf32>,
        %sub3A_268 = arith.constant 1.200000e+01 : f32
        %sub3A_269 = vector.broadcast %sub3A_268 : f32 to vector<16xf32>
        %sub3A_270 = arith.subf %get3A_267, %sub3A_269 : vector<16xf32>
        %exp3A_271 = math.exp %sub3A_270 : vector<16xf32>
        %add3A_272 = arith.addf %add3A_261, %exp3A_271 : vector<16xf32>
        %mul3A_273 = arith.constant 16 : i32
        %mul3A_274 = arith.muli %scan3A_183, %mul3A_273 : i32
        %get3A_275 = arith.constant 8 : i32
        %get3A_276 = arith.index_cast %get3A_275 : i32 to index
        %get3A_277 = arith.index_cast %mul3A_274 : i32 to index
        %get3A_278 = tpu.vector_load %arg8[%get3A_276, %get3A_277] {strides = array<i32>} : memref<40x256xf32, #tpu.memory_space<vmem>>, vector<16xf32>,
        %sub3A_279 = arith.constant 1.200000e+01 : f32
        %sub3A_280 = vector.broadcast %sub3A_279 : f32 to vector<16xf32>
        %sub3A_281 = arith.subf %get3A_278, %sub3A_280 : vector<16xf32>
        %exp3A_282 = math.exp %sub3A_281 : vector<16xf32>
        %add3A_283 = arith.addf %add3A_272, %exp3A_282 : vector<16xf32>
        %mul3A_284 = arith.constant 16 : i32
        %mul3A_285 = arith.muli %scan3A_183, %mul3A_284 : i32
        %get3A_286 = arith.constant 9 : i32
        %get3A_287 = arith.index_cast %get3A_286 : i32 to index
        %get3A_288 = arith.index_cast %mul3A_285 : i32 to index
        %get3A_289 = tpu.vector_load %arg8[%get3A_287, %get3A_288] {strides = array<i32>} : memref<40x256xf32, #tpu.memory_space<vmem>>, vector<16xf32>,
        %sub3A_290 = arith.constant 1.200000e+01 : f32
        %sub3A_291 = vector.broadcast %sub3A_290 : f32 to vector<16xf32>
        %sub3A_292 = arith.subf %get3A_289, %sub3A_291 : vector<16xf32>
        %exp3A_293 = math.exp %sub3A_292 : vector<16xf32>
        %add3A_294 = arith.addf %add3A_283, %exp3A_293 : vector<16xf32>
        %mul3A_295 = arith.constant 16 : i32
        %mul3A_296 = arith.muli %scan3A_183, %mul3A_295 : i32
        %get3A_297 = arith.constant 10 : i32
        %get3A_298 = arith.index_cast %get3A_297 : i32 to index
        %get3A_299 = arith.index_cast %mul3A_296 : i32 to index
        %get3A_300 = tpu.vector_load %arg8[%get3A_298, %get3A_299] {strides = array<i32>} : memref<40x256xf32, #tpu.memory_space<vmem>>, vector<16xf32>,
        %sub3A_301 = arith.constant 1.200000e+01 : f32
        %sub3A_302 = vector.broadcast %sub3A_301 : f32 to vector<16xf32>
        %sub3A_303 = arith.subf %get3A_300, %sub3A_302 : vector<16xf32>
        %exp3A_304 = math.exp %sub3A_303 : vector<16xf32>
        %add3A_305 = arith.addf %add3A_294, %exp3A_304 : vector<16xf32>
        %mul3A_306 = arith.constant 16 : i32
        %mul3A_307 = arith.muli %scan3A_183, %mul3A_306 : i32
        %get3A_308 = arith.constant 11 : i32
        %get3A_309 = arith.index_cast %get3A_308 : i32 to index
        %get3A_310 = arith.index_cast %mul3A_307 : i32 to index
        %get3A_311 = tpu.vector_load %arg8[%get3A_309, %get3A_310] {strides = array<i32>} : memref<40x256xf32, #tpu.memory_space<vmem>>, vector<16xf32>,
        %sub3A_312 = arith.constant 1.200000e+01 : f32
        %sub3A_313 = vector.broadcast %sub3A_312 : f32 to vector<16xf32>
        %sub3A_314 = arith.subf %get3A_311, %sub3A_313 : vector<16xf32>
        %exp3A_315 = math.exp %sub3A_314 : vector<16xf32>
        %add3A_316 = arith.addf %add3A_305, %exp3A_315 : vector<16xf32>
        %mul3A_317 = arith.constant 16 : i32
        %mul3A_318 = arith.muli %scan3A_183, %mul3A_317 : i32
        %get3A_319 = arith.constant 12 : i32
        %get3A_320 = arith.index_cast %get3A_319 : i32 to index
        %get3A_321 = arith.index_cast %mul3A_318 : i32 to index
        %get3A_322 = tpu.vector_load %arg8[%get3A_320, %get3A_321] {strides = array<i32>} : memref<40x256xf32, #tpu.memory_space<vmem>>, vector<16xf32>,
        %sub3A_323 = arith.constant 1.200000e+01 : f32
        %sub3A_324 = vector.broadcast %sub3A_323 : f32 to vector<16xf32>
        %sub3A_325 = arith.subf %get3A_322, %sub3A_324 : vector<16xf32>
        %exp3A_326 = math.exp %sub3A_325 : vector<16xf32>
        %add3A_327 = arith.addf %add3A_316, %exp3A_326 : vector<16xf32>
        %mul3A_328 = arith.constant 16 : i32
        %mul3A_329 = arith.muli %scan3A_183, %mul3A_328 : i32
        %get3A_330 = arith.constant 13 : i32
        %get3A_331 = arith.index_cast %get3A_330 : i32 to index
        %get3A_332 = arith.index_cast %mul3A_329 : i32 to index
        %get3A_333 = tpu.vector_load %arg8[%get3A_331, %get3A_332] {strides = array<i32>} : memref<40x256xf32, #tpu.memory_space<vmem>>, vector<16xf32>,
        %sub3A_334 = arith.constant 1.200000e+01 : f32
        %sub3A_335 = vector.broadcast %sub3A_334 : f32 to vector<16xf32>
        %sub3A_336 = arith.subf %get3A_333, %sub3A_335 : vector<16xf32>
        %exp3A_337 = math.exp %sub3A_336 : vector<16xf32>
        %add3A_338 = arith.addf %add3A_327, %exp3A_337 : vector<16xf32>
        %mul3A_339 = arith.constant 16 : i32
        %mul3A_340 = arith.muli %scan3A_183, %mul3A_339 : i32
        %get3A_341 = arith.constant 14 : i32
        %get3A_342 = arith.index_cast %get3A_341 : i32 to index
        %get3A_343 = arith.index_cast %mul3A_340 : i32 to index
        %get3A_344 = tpu.vector_load %arg8[%get3A_342, %get3A_343] {strides = array<i32>} : memref<40x256xf32, #tpu.memory_space<vmem>>, vector<16xf32>,
        %sub3A_345 = arith.constant 1.200000e+01 : f32
        %sub3A_346 = vector.broadcast %sub3A_345 : f32 to vector<16xf32>
        %sub3A_347 = arith.subf %get3A_344, %sub3A_346 : vector<16xf32>
        %exp3A_348 = math.exp %sub3A_347 : vector<16xf32>
        %add3A_349 = arith.addf %add3A_338, %exp3A_348 : vector<16xf32>
        %mul3A_350 = arith.constant 16 : i32
        %mul3A_351 = arith.muli %scan3A_183, %mul3A_350 : i32
        %get3A_352 = arith.constant 15 : i32
        %get3A_353 = arith.index_cast %get3A_352 : i32 to index
        %get3A_354 = arith.index_cast %mul3A_351 : i32 to index
        %get3A_355 = tpu.vector_load %arg8[%get3A_353, %get3A_354] {strides = array<i32>} : memref<40x256xf32, #tpu.memory_space<vmem>>, vector<16xf32>,
        %sub3A_356 = arith.constant 1.200000e+01 : f32
        %sub3A_357 = vector.broadcast %sub3A_356 : f32 to vector<16xf32>
        %sub3A_358 = arith.subf %get3A_355, %sub3A_357 : vector<16xf32>
        %exp3A_359 = math.exp %sub3A_358 : vector<16xf32>
        %add3A_360 = arith.addf %add3A_349, %exp3A_359 : vector<16xf32>
        %mul3A_361 = arith.constant 16 : i32
        %mul3A_362 = arith.muli %scan3A_183, %mul3A_361 : i32
        %get3A_363 = arith.constant 16 : i32
        %get3A_364 = arith.index_cast %get3A_363 : i32 to index
        %get3A_365 = arith.index_cast %mul3A_362 : i32 to index
        %get3A_366 = tpu.vector_load %arg8[%get3A_364, %get3A_365] {strides = array<i32>} : memref<40x256xf32, #tpu.memory_space<vmem>>, vector<16xf32>,
        %sub3A_367 = arith.constant 1.200000e+01 : f32
        %sub3A_368 = vector.broadcast %sub3A_367 : f32 to vector<16xf32>
        %sub3A_369 = arith.subf %get3A_366, %sub3A_368 : vector<16xf32>
        %exp3A_370 = math.exp %sub3A_369 : vector<16xf32>
        %add3A_371 = arith.addf %add3A_360, %exp3A_370 : vector<16xf32>
        %mul3A_372 = arith.constant 16 : i32
        %mul3A_373 = arith.muli %scan3A_183, %mul3A_372 : i32
        %get3A_374 = arith.constant 17 : i32
        %get3A_375 = arith.index_cast %get3A_374 : i32 to index
        %get3A_376 = arith.index_cast %mul3A_373 : i32 to index
        %get3A_377 = tpu.vector_load %arg8[%get3A_375, %get3A_376] {strides = array<i32>} : memref<40x256xf32, #tpu.memory_space<vmem>>, vector<16xf32>,
        %sub3A_378 = arith.constant 1.200000e+01 : f32
        %sub3A_379 = vector.broadcast %sub3A_378 : f32 to vector<16xf32>
        %sub3A_380 = arith.subf %get3A_377, %sub3A_379 : vector<16xf32>
        %exp3A_381 = math.exp %sub3A_380 : vector<16xf32>
        %add3A_382 = arith.addf %add3A_371, %exp3A_381 : vector<16xf32>
        %mul3A_383 = arith.constant 16 : i32
        %mul3A_384 = arith.muli %scan3A_183, %mul3A_383 : i32
        %get3A_385 = arith.constant 18 : i32
        %get3A_386 = arith.index_cast %get3A_385 : i32 to index
        %get3A_387 = arith.index_cast %mul3A_384 : i32 to index
        %get3A_388 = tpu.vector_load %arg8[%get3A_386, %get3A_387] {strides = array<i32>} : memref<40x256xf32, #tpu.memory_space<vmem>>, vector<16xf32>,
        %sub3A_389 = arith.constant 1.200000e+01 : f32
        %sub3A_390 = vector.broadcast %sub3A_389 : f32 to vector<16xf32>
        %sub3A_391 = arith.subf %get3A_388, %sub3A_390 : vector<16xf32>
        %exp3A_392 = math.exp %sub3A_391 : vector<16xf32>
        %add3A_393 = arith.addf %add3A_382, %exp3A_392 : vector<16xf32>
        %mul3A_394 = arith.constant 16 : i32
        %mul3A_395 = arith.muli %scan3A_183, %mul3A_394 : i32
        %get3A_396 = arith.constant 19 : i32
        %get3A_397 = arith.index_cast %get3A_396 : i32 to index
        %get3A_398 = arith.index_cast %mul3A_395 : i32 to index
        %get3A_399 = tpu.vector_load %arg8[%get3A_397, %get3A_398] {strides = array<i32>} : memref<40x256xf32, #tpu.memory_space<vmem>>, vector<16xf32>,
        %sub3A_400 = arith.constant 1.200000e+01 : f32
        %sub3A_401 = vector.broadcast %sub3A_400 : f32 to vector<16xf32>
        %sub3A_402 = arith.subf %get3A_399, %sub3A_401 : vector<16xf32>
        %exp3A_403 = math.exp %sub3A_402 : vector<16xf32>
        %add3A_404 = arith.addf %add3A_393, %exp3A_403 : vector<16xf32>
        %mul3A_405 = arith.constant 16 : i32
        %mul3A_406 = arith.muli %scan3A_183, %mul3A_405 : i32
        %get3A_407 = arith.constant 20 : i32
        %get3A_408 = arith.index_cast %get3A_407 : i32 to index
        %get3A_409 = arith.index_cast %mul3A_406 : i32 to index
        %get3A_410 = tpu.vector_load %arg8[%get3A_408, %get3A_409] {strides = array<i32>} : memref<40x256xf32, #tpu.memory_space<vmem>>, vector<16xf32>,
        %sub3A_411 = arith.constant 1.200000e+01 : f32
        %sub3A_412 = vector.broadcast %sub3A_411 : f32 to vector<16xf32>
        %sub3A_413 = arith.subf %get3A_410, %sub3A_412 : vector<16xf32>
        %exp3A_414 = math.exp %sub3A_413 : vector<16xf32>
        %add3A_415 = arith.addf %add3A_404, %exp3A_414 : vector<16xf32>
        %mul3A_416 = arith.constant 16 : i32
        %mul3A_417 = arith.muli %scan3A_183, %mul3A_416 : i32
        %get3A_418 = arith.constant 21 : i32
        %get3A_419 = arith.index_cast %get3A_418 : i32 to index
        %get3A_420 = arith.index_cast %mul3A_417 : i32 to index
        %get3A_421 = tpu.vector_load %arg8[%get3A_419, %get3A_420] {strides = array<i32>} : memref<40x256xf32, #tpu.memory_space<vmem>>, vector<16xf32>,
        %sub3A_422 = arith.constant 1.200000e+01 : f32
        %sub3A_423 = vector.broadcast %sub3A_422 : f32 to vector<16xf32>
        %sub3A_424 = arith.subf %get3A_421, %sub3A_423 : vector<16xf32>
        %exp3A_425 = math.exp %sub3A_424 : vector<16xf32>
        %add3A_426 = arith.addf %add3A_415, %exp3A_425 : vector<16xf32>
        %mul3A_427 = arith.constant 16 : i32
        %mul3A_428 = arith.muli %scan3A_183, %mul3A_427 : i32
        %get3A_429 = arith.constant 22 : i32
        %get3A_430 = arith.index_cast %get3A_429 : i32 to index
        %get3A_431 = arith.index_cast %mul3A_428 : i32 to index
        %get3A_432 = tpu.vector_load %arg8[%get3A_430, %get3A_431] {strides = array<i32>} : memref<40x256xf32, #tpu.memory_space<vmem>>, vector<16xf32>,
        %sub3A_433 = arith.constant 1.200000e+01 : f32
        %sub3A_434 = vector.broadcast %sub3A_433 : f32 to vector<16xf32>
        %sub3A_435 = arith.subf %get3A_432, %sub3A_434 : vector<16xf32>
        %exp3A_436 = math.exp %sub3A_435 : vector<16xf32>
        %add3A_437 = arith.addf %add3A_426, %exp3A_436 : vector<16xf32>
        %mul3A_438 = arith.constant 16 : i32
        %mul3A_439 = arith.muli %scan3A_183, %mul3A_438 : i32
        %get3A_440 = arith.constant 23 : i32
        %get3A_441 = arith.index_cast %get3A_440 : i32 to index
        %get3A_442 = arith.index_cast %mul3A_439 : i32 to index
        %get3A_443 = tpu.vector_load %arg8[%get3A_441, %get3A_442] {strides = array<i32>} : memref<40x256xf32, #tpu.memory_space<vmem>>, vector<16xf32>,
        %sub3A_444 = arith.constant 1.200000e+01 : f32
        %sub3A_445 = vector.broadcast %sub3A_444 : f32 to vector<16xf32>
        %sub3A_446 = arith.subf %get3A_443, %sub3A_445 : vector<16xf32>
        %exp3A_447 = math.exp %sub3A_446 : vector<16xf32>
        %add3A_448 = arith.addf %add3A_437, %exp3A_447 : vector<16xf32>
        %mul3A_449 = arith.constant 16 : i32
        %mul3A_450 = arith.muli %scan3A_183, %mul3A_449 : i32
        %get3A_451 = arith.constant 24 : i32
        %get3A_452 = arith.index_cast %get3A_451 : i32 to index
        %get3A_453 = arith.index_cast %mul3A_450 : i32 to index
        %get3A_454 = tpu.vector_load %arg8[%get3A_452, %get3A_453] {strides = array<i32>} : memref<40x256xf32, #tpu.memory_space<vmem>>, vector<16xf32>,
        %sub3A_455 = arith.constant 1.200000e+01 : f32
        %sub3A_456 = vector.broadcast %sub3A_455 : f32 to vector<16xf32>
        %sub3A_457 = arith.subf %get3A_454, %sub3A_456 : vector<16xf32>
        %exp3A_458 = math.exp %sub3A_457 : vector<16xf32>
        %add3A_459 = arith.addf %add3A_448, %exp3A_458 : vector<16xf32>
        %mul3A_460 = arith.constant 16 : i32
        %mul3A_461 = arith.muli %scan3A_183, %mul3A_460 : i32
        %get3A_462 = arith.constant 25 : i32
        %get3A_463 = arith.index_cast %get3A_462 : i32 to index
        %get3A_464 = arith.index_cast %mul3A_461 : i32 to index
        %get3A_465 = tpu.vector_load %arg8[%get3A_463, %get3A_464] {strides = array<i32>} : memref<40x256xf32, #tpu.memory_space<vmem>>, vector<16xf32>,
        %sub3A_466 = arith.constant 1.200000e+01 : f32
        %sub3A_467 = vector.broadcast %sub3A_466 : f32 to vector<16xf32>
        %sub3A_468 = arith.subf %get3A_465, %sub3A_467 : vector<16xf32>
        %exp3A_469 = math.exp %sub3A_468 : vector<16xf32>
        %add3A_470 = arith.addf %add3A_459, %exp3A_469 : vector<16xf32>
        %mul3A_471 = arith.constant 16 : i32
        %mul3A_472 = arith.muli %scan3A_183, %mul3A_471 : i32
        %get3A_473 = arith.constant 26 : i32
        %get3A_474 = arith.index_cast %get3A_473 : i32 to index
        %get3A_475 = arith.index_cast %mul3A_472 : i32 to index
        %get3A_476 = tpu.vector_load %arg8[%get3A_474, %get3A_475] {strides = array<i32>} : memref<40x256xf32, #tpu.memory_space<vmem>>, vector<16xf32>,
        %sub3A_477 = arith.constant 1.200000e+01 : f32
        %sub3A_478 = vector.broadcast %sub3A_477 : f32 to vector<16xf32>
        %sub3A_479 = arith.subf %get3A_476, %sub3A_478 : vector<16xf32>
        %exp3A_480 = math.exp %sub3A_479 : vector<16xf32>
        %add3A_481 = arith.addf %add3A_470, %exp3A_480 : vector<16xf32>
        %mul3A_482 = arith.constant 16 : i32
        %mul3A_483 = arith.muli %scan3A_183, %mul3A_482 : i32
        %get3A_484 = arith.constant 27 : i32
        %get3A_485 = arith.index_cast %get3A_484 : i32 to index
        %get3A_486 = arith.index_cast %mul3A_483 : i32 to index
        %get3A_487 = tpu.vector_load %arg8[%get3A_485, %get3A_486] {strides = array<i32>} : memref<40x256xf32, #tpu.memory_space<vmem>>, vector<16xf32>,
        %sub3A_488 = arith.constant 1.200000e+01 : f32
        %sub3A_489 = vector.broadcast %sub3A_488 : f32 to vector<16xf32>
        %sub3A_490 = arith.subf %get3A_487, %sub3A_489 : vector<16xf32>
        %exp3A_491 = math.exp %sub3A_490 : vector<16xf32>
        %add3A_492 = arith.addf %add3A_481, %exp3A_491 : vector<16xf32>
        %mul3A_493 = arith.constant 16 : i32
        %mul3A_494 = arith.muli %scan3A_183, %mul3A_493 : i32
        %get3A_495 = arith.constant 28 : i32
        %get3A_496 = arith.index_cast %get3A_495 : i32 to index
        %get3A_497 = arith.index_cast %mul3A_494 : i32 to index
        %get3A_498 = tpu.vector_load %arg8[%get3A_496, %get3A_497] {strides = array<i32>} : memref<40x256xf32, #tpu.memory_space<vmem>>, vector<16xf32>,
        %sub3A_499 = arith.constant 1.200000e+01 : f32
        %sub3A_500 = vector.broadcast %sub3A_499 : f32 to vector<16xf32>
        %sub3A_501 = arith.subf %get3A_498, %sub3A_500 : vector<16xf32>
        %exp3A_502 = math.exp %sub3A_501 : vector<16xf32>
        %add3A_503 = arith.addf %add3A_492, %exp3A_502 : vector<16xf32>
        %mul3A_504 = arith.constant 16 : i32
        %mul3A_505 = arith.muli %scan3A_183, %mul3A_504 : i32
        %get3A_506 = arith.constant 29 : i32
        %get3A_507 = arith.index_cast %get3A_506 : i32 to index
        %get3A_508 = arith.index_cast %mul3A_505 : i32 to index
        %get3A_509 = tpu.vector_load %arg8[%get3A_507, %get3A_508] {strides = array<i32>} : memref<40x256xf32, #tpu.memory_space<vmem>>, vector<16xf32>,
        %sub3A_510 = arith.constant 1.200000e+01 : f32
        %sub3A_511 = vector.broadcast %sub3A_510 : f32 to vector<16xf32>
        %sub3A_512 = arith.subf %get3A_509, %sub3A_511 : vector<16xf32>
        %exp3A_513 = math.exp %sub3A_512 : vector<16xf32>
        %add3A_514 = arith.addf %add3A_503, %exp3A_513 : vector<16xf32>
        %mul3A_515 = arith.constant 16 : i32
        %mul3A_516 = arith.muli %scan3A_183, %mul3A_515 : i32
        %get3A_517 = arith.constant 30 : i32
        %get3A_518 = arith.index_cast %get3A_517 : i32 to index
        %get3A_519 = arith.index_cast %mul3A_516 : i32 to index
        %get3A_520 = tpu.vector_load %arg8[%get3A_518, %get3A_519] {strides = array<i32>} : memref<40x256xf32, #tpu.memory_space<vmem>>, vector<16xf32>,
        %sub3A_521 = arith.constant 1.200000e+01 : f32
        %sub3A_522 = vector.broadcast %sub3A_521 : f32 to vector<16xf32>
        %sub3A_523 = arith.subf %get3A_520, %sub3A_522 : vector<16xf32>
        %exp3A_524 = math.exp %sub3A_523 : vector<16xf32>
        %add3A_525 = arith.addf %add3A_514, %exp3A_524 : vector<16xf32>
        %mul3A_526 = arith.constant 16 : i32
        %mul3A_527 = arith.muli %scan3A_183, %mul3A_526 : i32
        %get3A_528 = arith.constant 31 : i32
        %get3A_529 = arith.index_cast %get3A_528 : i32 to index
        %get3A_530 = arith.index_cast %mul3A_527 : i32 to index
        %get3A_531 = tpu.vector_load %arg8[%get3A_529, %get3A_530] {strides = array<i32>} : memref<40x256xf32, #tpu.memory_space<vmem>>, vector<16xf32>,
        %sub3A_532 = arith.constant 1.200000e+01 : f32
        %sub3A_533 = vector.broadcast %sub3A_532 : f32 to vector<16xf32>
        %sub3A_534 = arith.subf %get3A_531, %sub3A_533 : vector<16xf32>
        %exp3A_535 = math.exp %sub3A_534 : vector<16xf32>
        %add3A_536 = arith.addf %add3A_525, %exp3A_535 : vector<16xf32>
        %mul3A_537 = arith.constant 16 : i32
        %mul3A_538 = arith.muli %scan3A_183, %mul3A_537 : i32
        %get3A_539 = arith.constant 32 : i32
        %get3A_540 = arith.index_cast %get3A_539 : i32 to index
        %get3A_541 = arith.index_cast %mul3A_538 : i32 to index
        %get3A_542 = tpu.vector_load %arg8[%get3A_540, %get3A_541] {strides = array<i32>} : memref<40x256xf32, #tpu.memory_space<vmem>>, vector<16xf32>,
        %sub3A_543 = arith.constant 1.200000e+01 : f32
        %sub3A_544 = vector.broadcast %sub3A_543 : f32 to vector<16xf32>
        %sub3A_545 = arith.subf %get3A_542, %sub3A_544 : vector<16xf32>
        %exp3A_546 = math.exp %sub3A_545 : vector<16xf32>
        %add3A_547 = arith.addf %add3A_536, %exp3A_546 : vector<16xf32>
        %mul3A_548 = arith.constant 16 : i32
        %mul3A_549 = arith.muli %scan3A_183, %mul3A_548 : i32
        %get3A_550 = arith.constant 33 : i32
        %get3A_551 = arith.index_cast %get3A_550 : i32 to index
        %get3A_552 = arith.index_cast %mul3A_549 : i32 to index
        %get3A_553 = tpu.vector_load %arg8[%get3A_551, %get3A_552] {strides = array<i32>} : memref<40x256xf32, #tpu.memory_space<vmem>>, vector<16xf32>,
        %sub3A_554 = arith.constant 1.200000e+01 : f32
        %sub3A_555 = vector.broadcast %sub3A_554 : f32 to vector<16xf32>
        %sub3A_556 = arith.subf %get3A_553, %sub3A_555 : vector<16xf32>
        %exp3A_557 = math.exp %sub3A_556 : vector<16xf32>
        %add3A_558 = arith.addf %add3A_547, %exp3A_557 : vector<16xf32>
        %mul3A_559 = arith.constant 16 : i32
        %mul3A_560 = arith.muli %scan3A_183, %mul3A_559 : i32
        %get3A_561 = arith.constant 34 : i32
        %get3A_562 = arith.index_cast %get3A_561 : i32 to index
        %get3A_563 = arith.index_cast %mul3A_560 : i32 to index
        %get3A_564 = tpu.vector_load %arg8[%get3A_562, %get3A_563] {strides = array<i32>} : memref<40x256xf32, #tpu.memory_space<vmem>>, vector<16xf32>,
        %sub3A_565 = arith.constant 1.200000e+01 : f32
        %sub3A_566 = vector.broadcast %sub3A_565 : f32 to vector<16xf32>
        %sub3A_567 = arith.subf %get3A_564, %sub3A_566 : vector<16xf32>
        %exp3A_568 = math.exp %sub3A_567 : vector<16xf32>
        %add3A_569 = arith.addf %add3A_558, %exp3A_568 : vector<16xf32>
        %mul3A_570 = arith.constant 16 : i32
        %mul3A_571 = arith.muli %scan3A_183, %mul3A_570 : i32
        %get3A_572 = arith.constant 35 : i32
        %get3A_573 = arith.index_cast %get3A_572 : i32 to index
        %get3A_574 = arith.index_cast %mul3A_571 : i32 to index
        %get3A_575 = tpu.vector_load %arg8[%get3A_573, %get3A_574] {strides = array<i32>} : memref<40x256xf32, #tpu.memory_space<vmem>>, vector<16xf32>,
        %sub3A_576 = arith.constant 1.200000e+01 : f32
        %sub3A_577 = vector.broadcast %sub3A_576 : f32 to vector<16xf32>
        %sub3A_578 = arith.subf %get3A_575, %sub3A_577 : vector<16xf32>
        %exp3A_579 = math.exp %sub3A_578 : vector<16xf32>
        %add3A_580 = arith.addf %add3A_569, %exp3A_579 : vector<16xf32>
        %mul3A_581 = arith.constant 16 : i32
        %mul3A_582 = arith.muli %scan3A_183, %mul3A_581 : i32
        %get3A_583 = arith.constant 36 : i32
        %get3A_584 = arith.index_cast %get3A_583 : i32 to index
        %get3A_585 = arith.index_cast %mul3A_582 : i32 to index
        %get3A_586 = tpu.vector_load %arg8[%get3A_584, %get3A_585] {strides = array<i32>} : memref<40x256xf32, #tpu.memory_space<vmem>>, vector<16xf32>,
        %sub3A_587 = arith.constant 1.200000e+01 : f32
        %sub3A_588 = vector.broadcast %sub3A_587 : f32 to vector<16xf32>
        %sub3A_589 = arith.subf %get3A_586, %sub3A_588 : vector<16xf32>
        %exp3A_590 = math.exp %sub3A_589 : vector<16xf32>
        %add3A_591 = arith.addf %add3A_580, %exp3A_590 : vector<16xf32>
        %mul3A_592 = arith.constant 16 : i32
        %mul3A_593 = arith.muli %scan3A_183, %mul3A_592 : i32
        %get3A_594 = arith.constant 37 : i32
        %get3A_595 = arith.index_cast %get3A_594 : i32 to index
        %get3A_596 = arith.index_cast %mul3A_593 : i32 to index
        %get3A_597 = tpu.vector_load %arg8[%get3A_595, %get3A_596] {strides = array<i32>} : memref<40x256xf32, #tpu.memory_space<vmem>>, vector<16xf32>,
        %sub3A_598 = arith.constant 1.200000e+01 : f32
        %sub3A_599 = vector.broadcast %sub3A_598 : f32 to vector<16xf32>
        %sub3A_600 = arith.subf %get3A_597, %sub3A_599 : vector<16xf32>
        %exp3A_601 = math.exp %sub3A_600 : vector<16xf32>
        %add3A_602 = arith.addf %add3A_591, %exp3A_601 : vector<16xf32>
        %mul3A_603 = arith.constant 16 : i32
        %mul3A_604 = arith.muli %scan3A_183, %mul3A_603 : i32
        %get3A_605 = arith.constant 38 : i32
        %get3A_606 = arith.index_cast %get3A_605 : i32 to index
        %get3A_607 = arith.index_cast %mul3A_604 : i32 to index
        %get3A_608 = tpu.vector_load %arg8[%get3A_606, %get3A_607] {strides = array<i32>} : memref<40x256xf32, #tpu.memory_space<vmem>>, vector<16xf32>,
        %sub3A_609 = arith.constant 1.200000e+01 : f32
        %sub3A_610 = vector.broadcast %sub3A_609 : f32 to vector<16xf32>
        %sub3A_611 = arith.subf %get3A_608, %sub3A_610 : vector<16xf32>
        %exp3A_612 = math.exp %sub3A_611 : vector<16xf32>
        %add3A_613 = arith.addf %add3A_602, %exp3A_612 : vector<16xf32>
        %mul3A_614 = arith.constant 16 : i32
        %mul3A_615 = arith.muli %scan3A_183, %mul3A_614 : i32
        %get3A_616 = arith.constant 39 : i32
        %get3A_617 = arith.index_cast %get3A_616 : i32 to index
        %get3A_618 = arith.index_cast %mul3A_615 : i32 to index
        %get3A_619 = tpu.vector_load %arg8[%get3A_617, %get3A_618] {strides = array<i32>} : memref<40x256xf32, #tpu.memory_space<vmem>>, vector<16xf32>,
        %sub3A_620 = arith.constant 1.200000e+01 : f32
        %sub3A_621 = vector.broadcast %sub3A_620 : f32 to vector<16xf32>
        %sub3A_622 = arith.subf %get3A_619, %sub3A_621 : vector<16xf32>
        %exp3A_623 = math.exp %sub3A_622 : vector<16xf32>
        %add3A_624 = arith.addf %add3A_613, %exp3A_623 : vector<16xf32>
        %mul3A_625 = arith.constant 16 : i32
        %mul3A_626 = arith.muli %scan3A_183, %mul3A_625 : i32
        %swap3A_627 = arith.index_cast %mul3A_626 : i32 to index
        %swap3A_628 = tpu.vector_load %arg13[%swap3A_627] {strides = array<i32>} : memref<256xf32, #tpu.memory_space<vmem>>, vector<16xf32>,
        tpu.vector_store %arg13[%swap3A_627], %add3A_624 {add = true, strides = array<i32>} : memref<256xf32, #tpu.memory_space<vmem>>, vector<16xf32>,
        %mul3A_629 = arith.constant 16 : i32
        %mul3A_630 = arith.muli %scan3A_183, %mul3A_629 : i32
        %get3A_631 = arith.index_cast %mul3A_630 : i32 to index
        %get3A_632 = tpu.vector_load %arg10[%get3A_631] {strides = array<i32>} : memref<256xi32, #tpu.memory_space<vmem>>, vector<16xi32>,
        %ge3A = vector.broadcast %mul3A_149 : i32 to vector<16xi32>
        %ge3A_633 = arith.cmpi sge, %get3A_632, %ge3A : vector<16xi32>
        %add3A_634 = arith.constant 40 : i32
        %add3A_635 = arith.addi %mul3A_149, %add3A_634 : i32
        %lt3A_636 = vector.broadcast %add3A_635 : i32 to vector<16xi32>
        %lt3A_637 = arith.cmpi slt, %get3A_632, %lt3A_636 : vector<16xi32>
        %and3A = arith.andi %ge3A_633, %lt3A_637 : vector<16xi1>
        %sub3A_638 = vector.broadcast %mul3A_149 : i32 to vector<16xi32>
        %sub3A_639 = arith.subi %get3A_632, %sub3A_638 : vector<16xi32>
        %jit3A = arith.constant 0 : i32
        %jit3A_640 = arith.constant 39 : i32
        %max3A = vector.broadcast %jit3A : i32 to vector<16xi32>
        %max3A_641 = arith.maxsi %max3A, %sub3A_639 : vector<16xi32>
        %min3A = vector.broadcast %jit3A_640 : i32 to vector<16xi32>
        %min3A_642 = arith.minsi %min3A, %max3A_641 : vector<16xi32>
        %mul3A_643 = arith.constant 16 : i32
        %mul3A_644 = arith.muli %scan3A_183, %mul3A_643 : i32
        %add3A_645 = vector.broadcast %mul3A_644 : i32 to vector<16xi32>
        %add3A_646 = arith.addi %iota3A, %add3A_645 : vector<16xi32>
        %gather3A_647 = tpu.vector_load_idx %arg8[%min3A_642, %add3A_646] : memref<40x256xf32, #tpu.memory_space<vmem>>[vector<16xi32>, vector<16xi32>], vector<16xf32>,
        %mul3A_648 = arith.constant 16 : i32
        %mul3A_649 = arith.muli %scan3A_183, %mul3A_648 : i32
        %get3A_650 = arith.index_cast %mul3A_649 : i32 to index
        %get3A_651 = tpu.vector_load %arg12[%get3A_650] {strides = array<i32>} : memref<256xf32, #tpu.memory_space<vmem>>, vector<16xf32>,
        %sub3A_652 = arith.constant 1.200000e+01 : f32
        %sub3A_653 = vector.broadcast %sub3A_652 : f32 to vector<16xf32>
        %sub3A_654 = arith.subf %sub3A_653, %gather3A_647 : vector<16xf32>
        %mul3A_655 = arith.mulf %get3A_651, %sub3A_654 : vector<16xf32>
        %jit3A_656 = arith.constant 0.000000e+00 : f32
        %broadcast_in_dim3A_657 = vector.broadcast %jit3A_656 : f32 to vector<16xf32>
        %select_n3A = arith.select %and3A, %mul3A_655, %broadcast_in_dim3A_657 : vector<16xi1>, vector<16xf32>
        %add3A_658 = arith.addf %scan3A_184, %select_n3A : vector<16xf32>
        scf.yield %add3A_658 : vector<16xf32>
      }
      %scan3A_155 = arith.constant 16 : i32
      %add3A_156 = arith.constant 2 : i32
      %add3A_157 = arith.addi %add3A_143, %add3A_156 : i32
      %lt3A = arith.constant 25 : i32
      %lt3A_158 = arith.cmpi slt, %add3A_157, %lt3A : i32
      %convert_element_type3A = arith.extui %lt3A_158 : i1 to i32
      %cond3A = arith.constant 0 : i32
      %cond3A_159 = arith.cmpi ne, %convert_element_type3A, %cond3A : i32
      scf.if %cond3A_159 {
        %add3A_183 = arith.constant 2 : i32
        %add3A_184 = arith.addi %add3A_143, %add3A_183 : i32
        %mul3A_185 = arith.constant 40 : i32
        %mul3A_186 = arith.muli %add3A_184, %mul3A_185 : i32
        %dma_start3A_187 = tpu.memref_slice %arg2[%mul3A_186, %mul3A_2] : memref<1000x16384xf32, #tpu.memory_space<hbm>> -> memref<40x256xf32, #tpu.memory_space<hbm>>
        %dma_start3A_188 = tpu.memref_slice %arg2[%mul3A_186, %mul3A_2] : memref<1000x16384xf32, #tpu.memory_space<hbm>> -> memref<40x256xf32, #tpu.memory_space<hbm>>
        tpu.enqueue_dma source(%dma_start3A_188 : memref<40x256xf32, #tpu.memory_space<hbm>>) target(%arg8 : memref<40x256xf32, #tpu.memory_space<vmem>>) target_semaphore(%arg15 : memref<!tpu.dma_semaphore, #tpu.memory_space<semaphore_mem>>)
      } else {
      }
      %mul3A_160 = arith.constant 2 : i32
      %mul3A_161 = arith.muli %mul3A_160, %scan3A_138 : i32
      %add3A_162 = arith.constant 1 : i32
      %add3A_163 = arith.addi %mul3A_161, %add3A_162 : i32
      %mul3A_164 = arith.constant 40 : i32
      %mul3A_165 = arith.muli %add3A_163, %mul3A_164 : i32
      %dma_wait3A_166 = tpu.memref_slice %arg2[%mul3A_165, %mul3A_2] : memref<1000x16384xf32, #tpu.memory_space<hbm>> -> memref<40x256xf32, #tpu.memory_space<hbm>>
      %dma_wait3A_167 = tpu.memref_slice %arg2[%mul3A_165, %mul3A_2] : memref<1000x16384xf32, #tpu.memory_space<hbm>> -> memref<40x256xf32, #tpu.memory_space<hbm>>
      tpu.wait_dma2 semaphore(%arg16 : memref<!tpu.dma_semaphore, #tpu.memory_space<semaphore_mem>>) src(%dma_wait3A_167 : memref<40x256xf32, #tpu.memory_space<hbm>>) dst(%arg9 : memref<40x256xf32, #tpu.memory_space<vmem>>)
      %mul3A_168 = arith.constant 40 : i32
      %mul3A_169 = arith.muli %add3A_163, %mul3A_168 : i32
      %scan3A_170 = arith.constant 0 : i32
      %scan3A_171 = arith.constant 16 : i32
      %scan3A_172 = arith.addi %scan3A_170, %scan3A_171 : i32
      %scan3A_173 = arith.constant 1 : i32
      %scan3A_174 = scf.for %scan3A_183 = %scan3A_170 to %scan3A_172 step %scan3A_173 iter_args(%scan3A_184 = %scan3A_154) -> (vector<16xf32>)  : i32 {
        %broadcast_in_dim3A_185 = arith.constant 0.000000e+00 : f32
        %broadcast_in_dim3A_186 = vector.broadcast %broadcast_in_dim3A_185 : f32 to vector<16xf32>
        %mul3A_187 = arith.constant 16 : i32
        %mul3A_188 = arith.muli %scan3A_183, %mul3A_187 : i32
        %get3A_189 = arith.constant 0 : i32
        %get3A_190 = arith.index_cast %get3A_189 : i32 to index
        %get3A_191 = arith.index_cast %mul3A_188 : i32 to index
        %get3A_192 = tpu.vector_load %arg9[%get3A_190, %get3A_191] {strides = array<i32>} : memref<40x256xf32, #tpu.memory_space<vmem>>, vector<16xf32>,
        %sub3A = arith.constant 1.200000e+01 : f32
        %sub3A_193 = vector.broadcast %sub3A : f32 to vector<16xf32>
        %sub3A_194 = arith.subf %get3A_192, %sub3A_193 : vector<16xf32>
        %exp3A = math.exp %sub3A_194 : vector<16xf32>
        %add3A_195 = arith.addf %broadcast_in_dim3A_186, %exp3A : vector<16xf32>
        %mul3A_196 = arith.constant 16 : i32
        %mul3A_197 = arith.muli %scan3A_183, %mul3A_196 : i32
        %get3A_198 = arith.constant 1 : i32
        %get3A_199 = arith.index_cast %get3A_198 : i32 to index
        %get3A_200 = arith.index_cast %mul3A_197 : i32 to index
        %get3A_201 = tpu.vector_load %arg9[%get3A_199, %get3A_200] {strides = array<i32>} : memref<40x256xf32, #tpu.memory_space<vmem>>, vector<16xf32>,
        %sub3A_202 = arith.constant 1.200000e+01 : f32
        %sub3A_203 = vector.broadcast %sub3A_202 : f32 to vector<16xf32>
        %sub3A_204 = arith.subf %get3A_201, %sub3A_203 : vector<16xf32>
        %exp3A_205 = math.exp %sub3A_204 : vector<16xf32>
        %add3A_206 = arith.addf %add3A_195, %exp3A_205 : vector<16xf32>
        %mul3A_207 = arith.constant 16 : i32
        %mul3A_208 = arith.muli %scan3A_183, %mul3A_207 : i32
        %get3A_209 = arith.constant 2 : i32
        %get3A_210 = arith.index_cast %get3A_209 : i32 to index
        %get3A_211 = arith.index_cast %mul3A_208 : i32 to index
        %get3A_212 = tpu.vector_load %arg9[%get3A_210, %get3A_211] {strides = array<i32>} : memref<40x256xf32, #tpu.memory_space<vmem>>, vector<16xf32>,
        %sub3A_213 = arith.constant 1.200000e+01 : f32
        %sub3A_214 = vector.broadcast %sub3A_213 : f32 to vector<16xf32>
        %sub3A_215 = arith.subf %get3A_212, %sub3A_214 : vector<16xf32>
        %exp3A_216 = math.exp %sub3A_215 : vector<16xf32>
        %add3A_217 = arith.addf %add3A_206, %exp3A_216 : vector<16xf32>
        %mul3A_218 = arith.constant 16 : i32
        %mul3A_219 = arith.muli %scan3A_183, %mul3A_218 : i32
        %get3A_220 = arith.constant 3 : i32
        %get3A_221 = arith.index_cast %get3A_220 : i32 to index
        %get3A_222 = arith.index_cast %mul3A_219 : i32 to index
        %get3A_223 = tpu.vector_load %arg9[%get3A_221, %get3A_222] {strides = array<i32>} : memref<40x256xf32, #tpu.memory_space<vmem>>, vector<16xf32>,
        %sub3A_224 = arith.constant 1.200000e+01 : f32
        %sub3A_225 = vector.broadcast %sub3A_224 : f32 to vector<16xf32>
        %sub3A_226 = arith.subf %get3A_223, %sub3A_225 : vector<16xf32>
        %exp3A_227 = math.exp %sub3A_226 : vector<16xf32>
        %add3A_228 = arith.addf %add3A_217, %exp3A_227 : vector<16xf32>
        %mul3A_229 = arith.constant 16 : i32
        %mul3A_230 = arith.muli %scan3A_183, %mul3A_229 : i32
        %get3A_231 = arith.constant 4 : i32
        %get3A_232 = arith.index_cast %get3A_231 : i32 to index
        %get3A_233 = arith.index_cast %mul3A_230 : i32 to index
        %get3A_234 = tpu.vector_load %arg9[%get3A_232, %get3A_233] {strides = array<i32>} : memref<40x256xf32, #tpu.memory_space<vmem>>, vector<16xf32>,
        %sub3A_235 = arith.constant 1.200000e+01 : f32
        %sub3A_236 = vector.broadcast %sub3A_235 : f32 to vector<16xf32>
        %sub3A_237 = arith.subf %get3A_234, %sub3A_236 : vector<16xf32>
        %exp3A_238 = math.exp %sub3A_237 : vector<16xf32>
        %add3A_239 = arith.addf %add3A_228, %exp3A_238 : vector<16xf32>
        %mul3A_240 = arith.constant 16 : i32
        %mul3A_241 = arith.muli %scan3A_183, %mul3A_240 : i32
        %get3A_242 = arith.constant 5 : i32
        %get3A_243 = arith.index_cast %get3A_242 : i32 to index
        %get3A_244 = arith.index_cast %mul3A_241 : i32 to index
        %get3A_245 = tpu.vector_load %arg9[%get3A_243, %get3A_244] {strides = array<i32>} : memref<40x256xf32, #tpu.memory_space<vmem>>, vector<16xf32>,
        %sub3A_246 = arith.constant 1.200000e+01 : f32
        %sub3A_247 = vector.broadcast %sub3A_246 : f32 to vector<16xf32>
        %sub3A_248 = arith.subf %get3A_245, %sub3A_247 : vector<16xf32>
        %exp3A_249 = math.exp %sub3A_248 : vector<16xf32>
        %add3A_250 = arith.addf %add3A_239, %exp3A_249 : vector<16xf32>
        %mul3A_251 = arith.constant 16 : i32
        %mul3A_252 = arith.muli %scan3A_183, %mul3A_251 : i32
        %get3A_253 = arith.constant 6 : i32
        %get3A_254 = arith.index_cast %get3A_253 : i32 to index
        %get3A_255 = arith.index_cast %mul3A_252 : i32 to index
        %get3A_256 = tpu.vector_load %arg9[%get3A_254, %get3A_255] {strides = array<i32>} : memref<40x256xf32, #tpu.memory_space<vmem>>, vector<16xf32>,
        %sub3A_257 = arith.constant 1.200000e+01 : f32
        %sub3A_258 = vector.broadcast %sub3A_257 : f32 to vector<16xf32>
        %sub3A_259 = arith.subf %get3A_256, %sub3A_258 : vector<16xf32>
        %exp3A_260 = math.exp %sub3A_259 : vector<16xf32>
        %add3A_261 = arith.addf %add3A_250, %exp3A_260 : vector<16xf32>
        %mul3A_262 = arith.constant 16 : i32
        %mul3A_263 = arith.muli %scan3A_183, %mul3A_262 : i32
        %get3A_264 = arith.constant 7 : i32
        %get3A_265 = arith.index_cast %get3A_264 : i32 to index
        %get3A_266 = arith.index_cast %mul3A_263 : i32 to index
        %get3A_267 = tpu.vector_load %arg9[%get3A_265, %get3A_266] {strides = array<i32>} : memref<40x256xf32, #tpu.memory_space<vmem>>, vector<16xf32>,
        %sub3A_268 = arith.constant 1.200000e+01 : f32
        %sub3A_269 = vector.broadcast %sub3A_268 : f32 to vector<16xf32>
        %sub3A_270 = arith.subf %get3A_267, %sub3A_269 : vector<16xf32>
        %exp3A_271 = math.exp %sub3A_270 : vector<16xf32>
        %add3A_272 = arith.addf %add3A_261, %exp3A_271 : vector<16xf32>
        %mul3A_273 = arith.constant 16 : i32
        %mul3A_274 = arith.muli %scan3A_183, %mul3A_273 : i32
        %get3A_275 = arith.constant 8 : i32
        %get3A_276 = arith.index_cast %get3A_275 : i32 to index
        %get3A_277 = arith.index_cast %mul3A_274 : i32 to index
        %get3A_278 = tpu.vector_load %arg9[%get3A_276, %get3A_277] {strides = array<i32>} : memref<40x256xf32, #tpu.memory_space<vmem>>, vector<16xf32>,
        %sub3A_279 = arith.constant 1.200000e+01 : f32
        %sub3A_280 = vector.broadcast %sub3A_279 : f32 to vector<16xf32>
        %sub3A_281 = arith.subf %get3A_278, %sub3A_280 : vector<16xf32>
        %exp3A_282 = math.exp %sub3A_281 : vector<16xf32>
        %add3A_283 = arith.addf %add3A_272, %exp3A_282 : vector<16xf32>
        %mul3A_284 = arith.constant 16 : i32
        %mul3A_285 = arith.muli %scan3A_183, %mul3A_284 : i32
        %get3A_286 = arith.constant 9 : i32
        %get3A_287 = arith.index_cast %get3A_286 : i32 to index
        %get3A_288 = arith.index_cast %mul3A_285 : i32 to index
        %get3A_289 = tpu.vector_load %arg9[%get3A_287, %get3A_288] {strides = array<i32>} : memref<40x256xf32, #tpu.memory_space<vmem>>, vector<16xf32>,
        %sub3A_290 = arith.constant 1.200000e+01 : f32
        %sub3A_291 = vector.broadcast %sub3A_290 : f32 to vector<16xf32>
        %sub3A_292 = arith.subf %get3A_289, %sub3A_291 : vector<16xf32>
        %exp3A_293 = math.exp %sub3A_292 : vector<16xf32>
        %add3A_294 = arith.addf %add3A_283, %exp3A_293 : vector<16xf32>
        %mul3A_295 = arith.constant 16 : i32
        %mul3A_296 = arith.muli %scan3A_183, %mul3A_295 : i32
        %get3A_297 = arith.constant 10 : i32
        %get3A_298 = arith.index_cast %get3A_297 : i32 to index
        %get3A_299 = arith.index_cast %mul3A_296 : i32 to index
        %get3A_300 = tpu.vector_load %arg9[%get3A_298, %get3A_299] {strides = array<i32>} : memref<40x256xf32, #tpu.memory_space<vmem>>, vector<16xf32>,
        %sub3A_301 = arith.constant 1.200000e+01 : f32
        %sub3A_302 = vector.broadcast %sub3A_301 : f32 to vector<16xf32>
        %sub3A_303 = arith.subf %get3A_300, %sub3A_302 : vector<16xf32>
        %exp3A_304 = math.exp %sub3A_303 : vector<16xf32>
        %add3A_305 = arith.addf %add3A_294, %exp3A_304 : vector<16xf32>
        %mul3A_306 = arith.constant 16 : i32
        %mul3A_307 = arith.muli %scan3A_183, %mul3A_306 : i32
        %get3A_308 = arith.constant 11 : i32
        %get3A_309 = arith.index_cast %get3A_308 : i32 to index
        %get3A_310 = arith.index_cast %mul3A_307 : i32 to index
        %get3A_311 = tpu.vector_load %arg9[%get3A_309, %get3A_310] {strides = array<i32>} : memref<40x256xf32, #tpu.memory_space<vmem>>, vector<16xf32>,
        %sub3A_312 = arith.constant 1.200000e+01 : f32
        %sub3A_313 = vector.broadcast %sub3A_312 : f32 to vector<16xf32>
        %sub3A_314 = arith.subf %get3A_311, %sub3A_313 : vector<16xf32>
        %exp3A_315 = math.exp %sub3A_314 : vector<16xf32>
        %add3A_316 = arith.addf %add3A_305, %exp3A_315 : vector<16xf32>
        %mul3A_317 = arith.constant 16 : i32
        %mul3A_318 = arith.muli %scan3A_183, %mul3A_317 : i32
        %get3A_319 = arith.constant 12 : i32
        %get3A_320 = arith.index_cast %get3A_319 : i32 to index
        %get3A_321 = arith.index_cast %mul3A_318 : i32 to index
        %get3A_322 = tpu.vector_load %arg9[%get3A_320, %get3A_321] {strides = array<i32>} : memref<40x256xf32, #tpu.memory_space<vmem>>, vector<16xf32>,
        %sub3A_323 = arith.constant 1.200000e+01 : f32
        %sub3A_324 = vector.broadcast %sub3A_323 : f32 to vector<16xf32>
        %sub3A_325 = arith.subf %get3A_322, %sub3A_324 : vector<16xf32>
        %exp3A_326 = math.exp %sub3A_325 : vector<16xf32>
        %add3A_327 = arith.addf %add3A_316, %exp3A_326 : vector<16xf32>
        %mul3A_328 = arith.constant 16 : i32
        %mul3A_329 = arith.muli %scan3A_183, %mul3A_328 : i32
        %get3A_330 = arith.constant 13 : i32
        %get3A_331 = arith.index_cast %get3A_330 : i32 to index
        %get3A_332 = arith.index_cast %mul3A_329 : i32 to index
        %get3A_333 = tpu.vector_load %arg9[%get3A_331, %get3A_332] {strides = array<i32>} : memref<40x256xf32, #tpu.memory_space<vmem>>, vector<16xf32>,
        %sub3A_334 = arith.constant 1.200000e+01 : f32
        %sub3A_335 = vector.broadcast %sub3A_334 : f32 to vector<16xf32>
        %sub3A_336 = arith.subf %get3A_333, %sub3A_335 : vector<16xf32>
        %exp3A_337 = math.exp %sub3A_336 : vector<16xf32>
        %add3A_338 = arith.addf %add3A_327, %exp3A_337 : vector<16xf32>
        %mul3A_339 = arith.constant 16 : i32
        %mul3A_340 = arith.muli %scan3A_183, %mul3A_339 : i32
        %get3A_341 = arith.constant 14 : i32
        %get3A_342 = arith.index_cast %get3A_341 : i32 to index
        %get3A_343 = arith.index_cast %mul3A_340 : i32 to index
        %get3A_344 = tpu.vector_load %arg9[%get3A_342, %get3A_343] {strides = array<i32>} : memref<40x256xf32, #tpu.memory_space<vmem>>, vector<16xf32>,
        %sub3A_345 = arith.constant 1.200000e+01 : f32
        %sub3A_346 = vector.broadcast %sub3A_345 : f32 to vector<16xf32>
        %sub3A_347 = arith.subf %get3A_344, %sub3A_346 : vector<16xf32>
        %exp3A_348 = math.exp %sub3A_347 : vector<16xf32>
        %add3A_349 = arith.addf %add3A_338, %exp3A_348 : vector<16xf32>
        %mul3A_350 = arith.constant 16 : i32
        %mul3A_351 = arith.muli %scan3A_183, %mul3A_350 : i32
        %get3A_352 = arith.constant 15 : i32
        %get3A_353 = arith.index_cast %get3A_352 : i32 to index
        %get3A_354 = arith.index_cast %mul3A_351 : i32 to index
        %get3A_355 = tpu.vector_load %arg9[%get3A_353, %get3A_354] {strides = array<i32>} : memref<40x256xf32, #tpu.memory_space<vmem>>, vector<16xf32>,
        %sub3A_356 = arith.constant 1.200000e+01 : f32
        %sub3A_357 = vector.broadcast %sub3A_356 : f32 to vector<16xf32>
        %sub3A_358 = arith.subf %get3A_355, %sub3A_357 : vector<16xf32>
        %exp3A_359 = math.exp %sub3A_358 : vector<16xf32>
        %add3A_360 = arith.addf %add3A_349, %exp3A_359 : vector<16xf32>
        %mul3A_361 = arith.constant 16 : i32
        %mul3A_362 = arith.muli %scan3A_183, %mul3A_361 : i32
        %get3A_363 = arith.constant 16 : i32
        %get3A_364 = arith.index_cast %get3A_363 : i32 to index
        %get3A_365 = arith.index_cast %mul3A_362 : i32 to index
        %get3A_366 = tpu.vector_load %arg9[%get3A_364, %get3A_365] {strides = array<i32>} : memref<40x256xf32, #tpu.memory_space<vmem>>, vector<16xf32>,
        %sub3A_367 = arith.constant 1.200000e+01 : f32
        %sub3A_368 = vector.broadcast %sub3A_367 : f32 to vector<16xf32>
        %sub3A_369 = arith.subf %get3A_366, %sub3A_368 : vector<16xf32>
        %exp3A_370 = math.exp %sub3A_369 : vector<16xf32>
        %add3A_371 = arith.addf %add3A_360, %exp3A_370 : vector<16xf32>
        %mul3A_372 = arith.constant 16 : i32
        %mul3A_373 = arith.muli %scan3A_183, %mul3A_372 : i32
        %get3A_374 = arith.constant 17 : i32
        %get3A_375 = arith.index_cast %get3A_374 : i32 to index
        %get3A_376 = arith.index_cast %mul3A_373 : i32 to index
        %get3A_377 = tpu.vector_load %arg9[%get3A_375, %get3A_376] {strides = array<i32>} : memref<40x256xf32, #tpu.memory_space<vmem>>, vector<16xf32>,
        %sub3A_378 = arith.constant 1.200000e+01 : f32
        %sub3A_379 = vector.broadcast %sub3A_378 : f32 to vector<16xf32>
        %sub3A_380 = arith.subf %get3A_377, %sub3A_379 : vector<16xf32>
        %exp3A_381 = math.exp %sub3A_380 : vector<16xf32>
        %add3A_382 = arith.addf %add3A_371, %exp3A_381 : vector<16xf32>
        %mul3A_383 = arith.constant 16 : i32
        %mul3A_384 = arith.muli %scan3A_183, %mul3A_383 : i32
        %get3A_385 = arith.constant 18 : i32
        %get3A_386 = arith.index_cast %get3A_385 : i32 to index
        %get3A_387 = arith.index_cast %mul3A_384 : i32 to index
        %get3A_388 = tpu.vector_load %arg9[%get3A_386, %get3A_387] {strides = array<i32>} : memref<40x256xf32, #tpu.memory_space<vmem>>, vector<16xf32>,
        %sub3A_389 = arith.constant 1.200000e+01 : f32
        %sub3A_390 = vector.broadcast %sub3A_389 : f32 to vector<16xf32>
        %sub3A_391 = arith.subf %get3A_388, %sub3A_390 : vector<16xf32>
        %exp3A_392 = math.exp %sub3A_391 : vector<16xf32>
        %add3A_393 = arith.addf %add3A_382, %exp3A_392 : vector<16xf32>
        %mul3A_394 = arith.constant 16 : i32
        %mul3A_395 = arith.muli %scan3A_183, %mul3A_394 : i32
        %get3A_396 = arith.constant 19 : i32
        %get3A_397 = arith.index_cast %get3A_396 : i32 to index
        %get3A_398 = arith.index_cast %mul3A_395 : i32 to index
        %get3A_399 = tpu.vector_load %arg9[%get3A_397, %get3A_398] {strides = array<i32>} : memref<40x256xf32, #tpu.memory_space<vmem>>, vector<16xf32>,
        %sub3A_400 = arith.constant 1.200000e+01 : f32
        %sub3A_401 = vector.broadcast %sub3A_400 : f32 to vector<16xf32>
        %sub3A_402 = arith.subf %get3A_399, %sub3A_401 : vector<16xf32>
        %exp3A_403 = math.exp %sub3A_402 : vector<16xf32>
        %add3A_404 = arith.addf %add3A_393, %exp3A_403 : vector<16xf32>
        %mul3A_405 = arith.constant 16 : i32
        %mul3A_406 = arith.muli %scan3A_183, %mul3A_405 : i32
        %get3A_407 = arith.constant 20 : i32
        %get3A_408 = arith.index_cast %get3A_407 : i32 to index
        %get3A_409 = arith.index_cast %mul3A_406 : i32 to index
        %get3A_410 = tpu.vector_load %arg9[%get3A_408, %get3A_409] {strides = array<i32>} : memref<40x256xf32, #tpu.memory_space<vmem>>, vector<16xf32>,
        %sub3A_411 = arith.constant 1.200000e+01 : f32
        %sub3A_412 = vector.broadcast %sub3A_411 : f32 to vector<16xf32>
        %sub3A_413 = arith.subf %get3A_410, %sub3A_412 : vector<16xf32>
        %exp3A_414 = math.exp %sub3A_413 : vector<16xf32>
        %add3A_415 = arith.addf %add3A_404, %exp3A_414 : vector<16xf32>
        %mul3A_416 = arith.constant 16 : i32
        %mul3A_417 = arith.muli %scan3A_183, %mul3A_416 : i32
        %get3A_418 = arith.constant 21 : i32
        %get3A_419 = arith.index_cast %get3A_418 : i32 to index
        %get3A_420 = arith.index_cast %mul3A_417 : i32 to index
        %get3A_421 = tpu.vector_load %arg9[%get3A_419, %get3A_420] {strides = array<i32>} : memref<40x256xf32, #tpu.memory_space<vmem>>, vector<16xf32>,
        %sub3A_422 = arith.constant 1.200000e+01 : f32
        %sub3A_423 = vector.broadcast %sub3A_422 : f32 to vector<16xf32>
        %sub3A_424 = arith.subf %get3A_421, %sub3A_423 : vector<16xf32>
        %exp3A_425 = math.exp %sub3A_424 : vector<16xf32>
        %add3A_426 = arith.addf %add3A_415, %exp3A_425 : vector<16xf32>
        %mul3A_427 = arith.constant 16 : i32
        %mul3A_428 = arith.muli %scan3A_183, %mul3A_427 : i32
        %get3A_429 = arith.constant 22 : i32
        %get3A_430 = arith.index_cast %get3A_429 : i32 to index
        %get3A_431 = arith.index_cast %mul3A_428 : i32 to index
        %get3A_432 = tpu.vector_load %arg9[%get3A_430, %get3A_431] {strides = array<i32>} : memref<40x256xf32, #tpu.memory_space<vmem>>, vector<16xf32>,
        %sub3A_433 = arith.constant 1.200000e+01 : f32
        %sub3A_434 = vector.broadcast %sub3A_433 : f32 to vector<16xf32>
        %sub3A_435 = arith.subf %get3A_432, %sub3A_434 : vector<16xf32>
        %exp3A_436 = math.exp %sub3A_435 : vector<16xf32>
        %add3A_437 = arith.addf %add3A_426, %exp3A_436 : vector<16xf32>
        %mul3A_438 = arith.constant 16 : i32
        %mul3A_439 = arith.muli %scan3A_183, %mul3A_438 : i32
        %get3A_440 = arith.constant 23 : i32
        %get3A_441 = arith.index_cast %get3A_440 : i32 to index
        %get3A_442 = arith.index_cast %mul3A_439 : i32 to index
        %get3A_443 = tpu.vector_load %arg9[%get3A_441, %get3A_442] {strides = array<i32>} : memref<40x256xf32, #tpu.memory_space<vmem>>, vector<16xf32>,
        %sub3A_444 = arith.constant 1.200000e+01 : f32
        %sub3A_445 = vector.broadcast %sub3A_444 : f32 to vector<16xf32>
        %sub3A_446 = arith.subf %get3A_443, %sub3A_445 : vector<16xf32>
        %exp3A_447 = math.exp %sub3A_446 : vector<16xf32>
        %add3A_448 = arith.addf %add3A_437, %exp3A_447 : vector<16xf32>
        %mul3A_449 = arith.constant 16 : i32
        %mul3A_450 = arith.muli %scan3A_183, %mul3A_449 : i32
        %get3A_451 = arith.constant 24 : i32
        %get3A_452 = arith.index_cast %get3A_451 : i32 to index
        %get3A_453 = arith.index_cast %mul3A_450 : i32 to index
        %get3A_454 = tpu.vector_load %arg9[%get3A_452, %get3A_453] {strides = array<i32>} : memref<40x256xf32, #tpu.memory_space<vmem>>, vector<16xf32>,
        %sub3A_455 = arith.constant 1.200000e+01 : f32
        %sub3A_456 = vector.broadcast %sub3A_455 : f32 to vector<16xf32>
        %sub3A_457 = arith.subf %get3A_454, %sub3A_456 : vector<16xf32>
        %exp3A_458 = math.exp %sub3A_457 : vector<16xf32>
        %add3A_459 = arith.addf %add3A_448, %exp3A_458 : vector<16xf32>
        %mul3A_460 = arith.constant 16 : i32
        %mul3A_461 = arith.muli %scan3A_183, %mul3A_460 : i32
        %get3A_462 = arith.constant 25 : i32
        %get3A_463 = arith.index_cast %get3A_462 : i32 to index
        %get3A_464 = arith.index_cast %mul3A_461 : i32 to index
        %get3A_465 = tpu.vector_load %arg9[%get3A_463, %get3A_464] {strides = array<i32>} : memref<40x256xf32, #tpu.memory_space<vmem>>, vector<16xf32>,
        %sub3A_466 = arith.constant 1.200000e+01 : f32
        %sub3A_467 = vector.broadcast %sub3A_466 : f32 to vector<16xf32>
        %sub3A_468 = arith.subf %get3A_465, %sub3A_467 : vector<16xf32>
        %exp3A_469 = math.exp %sub3A_468 : vector<16xf32>
        %add3A_470 = arith.addf %add3A_459, %exp3A_469 : vector<16xf32>
        %mul3A_471 = arith.constant 16 : i32
        %mul3A_472 = arith.muli %scan3A_183, %mul3A_471 : i32
        %get3A_473 = arith.constant 26 : i32
        %get3A_474 = arith.index_cast %get3A_473 : i32 to index
        %get3A_475 = arith.index_cast %mul3A_472 : i32 to index
        %get3A_476 = tpu.vector_load %arg9[%get3A_474, %get3A_475] {strides = array<i32>} : memref<40x256xf32, #tpu.memory_space<vmem>>, vector<16xf32>,
        %sub3A_477 = arith.constant 1.200000e+01 : f32
        %sub3A_478 = vector.broadcast %sub3A_477 : f32 to vector<16xf32>
        %sub3A_479 = arith.subf %get3A_476, %sub3A_478 : vector<16xf32>
        %exp3A_480 = math.exp %sub3A_479 : vector<16xf32>
        %add3A_481 = arith.addf %add3A_470, %exp3A_480 : vector<16xf32>
        %mul3A_482 = arith.constant 16 : i32
        %mul3A_483 = arith.muli %scan3A_183, %mul3A_482 : i32
        %get3A_484 = arith.constant 27 : i32
        %get3A_485 = arith.index_cast %get3A_484 : i32 to index
        %get3A_486 = arith.index_cast %mul3A_483 : i32 to index
        %get3A_487 = tpu.vector_load %arg9[%get3A_485, %get3A_486] {strides = array<i32>} : memref<40x256xf32, #tpu.memory_space<vmem>>, vector<16xf32>,
        %sub3A_488 = arith.constant 1.200000e+01 : f32
        %sub3A_489 = vector.broadcast %sub3A_488 : f32 to vector<16xf32>
        %sub3A_490 = arith.subf %get3A_487, %sub3A_489 : vector<16xf32>
        %exp3A_491 = math.exp %sub3A_490 : vector<16xf32>
        %add3A_492 = arith.addf %add3A_481, %exp3A_491 : vector<16xf32>
        %mul3A_493 = arith.constant 16 : i32
        %mul3A_494 = arith.muli %scan3A_183, %mul3A_493 : i32
        %get3A_495 = arith.constant 28 : i32
        %get3A_496 = arith.index_cast %get3A_495 : i32 to index
        %get3A_497 = arith.index_cast %mul3A_494 : i32 to index
        %get3A_498 = tpu.vector_load %arg9[%get3A_496, %get3A_497] {strides = array<i32>} : memref<40x256xf32, #tpu.memory_space<vmem>>, vector<16xf32>,
        %sub3A_499 = arith.constant 1.200000e+01 : f32
        %sub3A_500 = vector.broadcast %sub3A_499 : f32 to vector<16xf32>
        %sub3A_501 = arith.subf %get3A_498, %sub3A_500 : vector<16xf32>
        %exp3A_502 = math.exp %sub3A_501 : vector<16xf32>
        %add3A_503 = arith.addf %add3A_492, %exp3A_502 : vector<16xf32>
        %mul3A_504 = arith.constant 16 : i32
        %mul3A_505 = arith.muli %scan3A_183, %mul3A_504 : i32
        %get3A_506 = arith.constant 29 : i32
        %get3A_507 = arith.index_cast %get3A_506 : i32 to index
        %get3A_508 = arith.index_cast %mul3A_505 : i32 to index
        %get3A_509 = tpu.vector_load %arg9[%get3A_507, %get3A_508] {strides = array<i32>} : memref<40x256xf32, #tpu.memory_space<vmem>>, vector<16xf32>,
        %sub3A_510 = arith.constant 1.200000e+01 : f32
        %sub3A_511 = vector.broadcast %sub3A_510 : f32 to vector<16xf32>
        %sub3A_512 = arith.subf %get3A_509, %sub3A_511 : vector<16xf32>
        %exp3A_513 = math.exp %sub3A_512 : vector<16xf32>
        %add3A_514 = arith.addf %add3A_503, %exp3A_513 : vector<16xf32>
        %mul3A_515 = arith.constant 16 : i32
        %mul3A_516 = arith.muli %scan3A_183, %mul3A_515 : i32
        %get3A_517 = arith.constant 30 : i32
        %get3A_518 = arith.index_cast %get3A_517 : i32 to index
        %get3A_519 = arith.index_cast %mul3A_516 : i32 to index
        %get3A_520 = tpu.vector_load %arg9[%get3A_518, %get3A_519] {strides = array<i32>} : memref<40x256xf32, #tpu.memory_space<vmem>>, vector<16xf32>,
        %sub3A_521 = arith.constant 1.200000e+01 : f32
        %sub3A_522 = vector.broadcast %sub3A_521 : f32 to vector<16xf32>
        %sub3A_523 = arith.subf %get3A_520, %sub3A_522 : vector<16xf32>
        %exp3A_524 = math.exp %sub3A_523 : vector<16xf32>
        %add3A_525 = arith.addf %add3A_514, %exp3A_524 : vector<16xf32>
        %mul3A_526 = arith.constant 16 : i32
        %mul3A_527 = arith.muli %scan3A_183, %mul3A_526 : i32
        %get3A_528 = arith.constant 31 : i32
        %get3A_529 = arith.index_cast %get3A_528 : i32 to index
        %get3A_530 = arith.index_cast %mul3A_527 : i32 to index
        %get3A_531 = tpu.vector_load %arg9[%get3A_529, %get3A_530] {strides = array<i32>} : memref<40x256xf32, #tpu.memory_space<vmem>>, vector<16xf32>,
        %sub3A_532 = arith.constant 1.200000e+01 : f32
        %sub3A_533 = vector.broadcast %sub3A_532 : f32 to vector<16xf32>
        %sub3A_534 = arith.subf %get3A_531, %sub3A_533 : vector<16xf32>
        %exp3A_535 = math.exp %sub3A_534 : vector<16xf32>
        %add3A_536 = arith.addf %add3A_525, %exp3A_535 : vector<16xf32>
        %mul3A_537 = arith.constant 16 : i32
        %mul3A_538 = arith.muli %scan3A_183, %mul3A_537 : i32
        %get3A_539 = arith.constant 32 : i32
        %get3A_540 = arith.index_cast %get3A_539 : i32 to index
        %get3A_541 = arith.index_cast %mul3A_538 : i32 to index
        %get3A_542 = tpu.vector_load %arg9[%get3A_540, %get3A_541] {strides = array<i32>} : memref<40x256xf32, #tpu.memory_space<vmem>>, vector<16xf32>,
        %sub3A_543 = arith.constant 1.200000e+01 : f32
        %sub3A_544 = vector.broadcast %sub3A_543 : f32 to vector<16xf32>
        %sub3A_545 = arith.subf %get3A_542, %sub3A_544 : vector<16xf32>
        %exp3A_546 = math.exp %sub3A_545 : vector<16xf32>
        %add3A_547 = arith.addf %add3A_536, %exp3A_546 : vector<16xf32>
        %mul3A_548 = arith.constant 16 : i32
        %mul3A_549 = arith.muli %scan3A_183, %mul3A_548 : i32
        %get3A_550 = arith.constant 33 : i32
        %get3A_551 = arith.index_cast %get3A_550 : i32 to index
        %get3A_552 = arith.index_cast %mul3A_549 : i32 to index
        %get3A_553 = tpu.vector_load %arg9[%get3A_551, %get3A_552] {strides = array<i32>} : memref<40x256xf32, #tpu.memory_space<vmem>>, vector<16xf32>,
        %sub3A_554 = arith.constant 1.200000e+01 : f32
        %sub3A_555 = vector.broadcast %sub3A_554 : f32 to vector<16xf32>
        %sub3A_556 = arith.subf %get3A_553, %sub3A_555 : vector<16xf32>
        %exp3A_557 = math.exp %sub3A_556 : vector<16xf32>
        %add3A_558 = arith.addf %add3A_547, %exp3A_557 : vector<16xf32>
        %mul3A_559 = arith.constant 16 : i32
        %mul3A_560 = arith.muli %scan3A_183, %mul3A_559 : i32
        %get3A_561 = arith.constant 34 : i32
        %get3A_562 = arith.index_cast %get3A_561 : i32 to index
        %get3A_563 = arith.index_cast %mul3A_560 : i32 to index
        %get3A_564 = tpu.vector_load %arg9[%get3A_562, %get3A_563] {strides = array<i32>} : memref<40x256xf32, #tpu.memory_space<vmem>>, vector<16xf32>,
        %sub3A_565 = arith.constant 1.200000e+01 : f32
        %sub3A_566 = vector.broadcast %sub3A_565 : f32 to vector<16xf32>
        %sub3A_567 = arith.subf %get3A_564, %sub3A_566 : vector<16xf32>
        %exp3A_568 = math.exp %sub3A_567 : vector<16xf32>
        %add3A_569 = arith.addf %add3A_558, %exp3A_568 : vector<16xf32>
        %mul3A_570 = arith.constant 16 : i32
        %mul3A_571 = arith.muli %scan3A_183, %mul3A_570 : i32
        %get3A_572 = arith.constant 35 : i32
        %get3A_573 = arith.index_cast %get3A_572 : i32 to index
        %get3A_574 = arith.index_cast %mul3A_571 : i32 to index
        %get3A_575 = tpu.vector_load %arg9[%get3A_573, %get3A_574] {strides = array<i32>} : memref<40x256xf32, #tpu.memory_space<vmem>>, vector<16xf32>,
        %sub3A_576 = arith.constant 1.200000e+01 : f32
        %sub3A_577 = vector.broadcast %sub3A_576 : f32 to vector<16xf32>
        %sub3A_578 = arith.subf %get3A_575, %sub3A_577 : vector<16xf32>
        %exp3A_579 = math.exp %sub3A_578 : vector<16xf32>
        %add3A_580 = arith.addf %add3A_569, %exp3A_579 : vector<16xf32>
        %mul3A_581 = arith.constant 16 : i32
        %mul3A_582 = arith.muli %scan3A_183, %mul3A_581 : i32
        %get3A_583 = arith.constant 36 : i32
        %get3A_584 = arith.index_cast %get3A_583 : i32 to index
        %get3A_585 = arith.index_cast %mul3A_582 : i32 to index
        %get3A_586 = tpu.vector_load %arg9[%get3A_584, %get3A_585] {strides = array<i32>} : memref<40x256xf32, #tpu.memory_space<vmem>>, vector<16xf32>,
        %sub3A_587 = arith.constant 1.200000e+01 : f32
        %sub3A_588 = vector.broadcast %sub3A_587 : f32 to vector<16xf32>
        %sub3A_589 = arith.subf %get3A_586, %sub3A_588 : vector<16xf32>
        %exp3A_590 = math.exp %sub3A_589 : vector<16xf32>
        %add3A_591 = arith.addf %add3A_580, %exp3A_590 : vector<16xf32>
        %mul3A_592 = arith.constant 16 : i32
        %mul3A_593 = arith.muli %scan3A_183, %mul3A_592 : i32
        %get3A_594 = arith.constant 37 : i32
        %get3A_595 = arith.index_cast %get3A_594 : i32 to index
        %get3A_596 = arith.index_cast %mul3A_593 : i32 to index
        %get3A_597 = tpu.vector_load %arg9[%get3A_595, %get3A_596] {strides = array<i32>} : memref<40x256xf32, #tpu.memory_space<vmem>>, vector<16xf32>,
        %sub3A_598 = arith.constant 1.200000e+01 : f32
        %sub3A_599 = vector.broadcast %sub3A_598 : f32 to vector<16xf32>
        %sub3A_600 = arith.subf %get3A_597, %sub3A_599 : vector<16xf32>
        %exp3A_601 = math.exp %sub3A_600 : vector<16xf32>
        %add3A_602 = arith.addf %add3A_591, %exp3A_601 : vector<16xf32>
        %mul3A_603 = arith.constant 16 : i32
        %mul3A_604 = arith.muli %scan3A_183, %mul3A_603 : i32
        %get3A_605 = arith.constant 38 : i32
        %get3A_606 = arith.index_cast %get3A_605 : i32 to index
        %get3A_607 = arith.index_cast %mul3A_604 : i32 to index
        %get3A_608 = tpu.vector_load %arg9[%get3A_606, %get3A_607] {strides = array<i32>} : memref<40x256xf32, #tpu.memory_space<vmem>>, vector<16xf32>,
        %sub3A_609 = arith.constant 1.200000e+01 : f32
        %sub3A_610 = vector.broadcast %sub3A_609 : f32 to vector<16xf32>
        %sub3A_611 = arith.subf %get3A_608, %sub3A_610 : vector<16xf32>
        %exp3A_612 = math.exp %sub3A_611 : vector<16xf32>
        %add3A_613 = arith.addf %add3A_602, %exp3A_612 : vector<16xf32>
        %mul3A_614 = arith.constant 16 : i32
        %mul3A_615 = arith.muli %scan3A_183, %mul3A_614 : i32
        %get3A_616 = arith.constant 39 : i32
        %get3A_617 = arith.index_cast %get3A_616 : i32 to index
        %get3A_618 = arith.index_cast %mul3A_615 : i32 to index
        %get3A_619 = tpu.vector_load %arg9[%get3A_617, %get3A_618] {strides = array<i32>} : memref<40x256xf32, #tpu.memory_space<vmem>>, vector<16xf32>,
        %sub3A_620 = arith.constant 1.200000e+01 : f32
        %sub3A_621 = vector.broadcast %sub3A_620 : f32 to vector<16xf32>
        %sub3A_622 = arith.subf %get3A_619, %sub3A_621 : vector<16xf32>
        %exp3A_623 = math.exp %sub3A_622 : vector<16xf32>
        %add3A_624 = arith.addf %add3A_613, %exp3A_623 : vector<16xf32>
        %mul3A_625 = arith.constant 16 : i32
        %mul3A_626 = arith.muli %scan3A_183, %mul3A_625 : i32
        %swap3A_627 = arith.index_cast %mul3A_626 : i32 to index
        %swap3A_628 = tpu.vector_load %arg13[%swap3A_627] {strides = array<i32>} : memref<256xf32, #tpu.memory_space<vmem>>, vector<16xf32>,
        tpu.vector_store %arg13[%swap3A_627], %add3A_624 {add = true, strides = array<i32>} : memref<256xf32, #tpu.memory_space<vmem>>, vector<16xf32>,
        %mul3A_629 = arith.constant 16 : i32
        %mul3A_630 = arith.muli %scan3A_183, %mul3A_629 : i32
        %get3A_631 = arith.index_cast %mul3A_630 : i32 to index
        %get3A_632 = tpu.vector_load %arg10[%get3A_631] {strides = array<i32>} : memref<256xi32, #tpu.memory_space<vmem>>, vector<16xi32>,
        %ge3A = vector.broadcast %mul3A_169 : i32 to vector<16xi32>
        %ge3A_633 = arith.cmpi sge, %get3A_632, %ge3A : vector<16xi32>
        %add3A_634 = arith.constant 40 : i32
        %add3A_635 = arith.addi %mul3A_169, %add3A_634 : i32
        %lt3A_636 = vector.broadcast %add3A_635 : i32 to vector<16xi32>
        %lt3A_637 = arith.cmpi slt, %get3A_632, %lt3A_636 : vector<16xi32>
        %and3A = arith.andi %ge3A_633, %lt3A_637 : vector<16xi1>
        %sub3A_638 = vector.broadcast %mul3A_169 : i32 to vector<16xi32>
        %sub3A_639 = arith.subi %get3A_632, %sub3A_638 : vector<16xi32>
        %jit3A = arith.constant 0 : i32
        %jit3A_640 = arith.constant 39 : i32
        %max3A = vector.broadcast %jit3A : i32 to vector<16xi32>
        %max3A_641 = arith.maxsi %max3A, %sub3A_639 : vector<16xi32>
        %min3A = vector.broadcast %jit3A_640 : i32 to vector<16xi32>
        %min3A_642 = arith.minsi %min3A, %max3A_641 : vector<16xi32>
        %mul3A_643 = arith.constant 16 : i32
        %mul3A_644 = arith.muli %scan3A_183, %mul3A_643 : i32
        %add3A_645 = vector.broadcast %mul3A_644 : i32 to vector<16xi32>
        %add3A_646 = arith.addi %iota3A, %add3A_645 : vector<16xi32>
        %gather3A_647 = tpu.vector_load_idx %arg9[%min3A_642, %add3A_646] : memref<40x256xf32, #tpu.memory_space<vmem>>[vector<16xi32>, vector<16xi32>], vector<16xf32>,
        %mul3A_648 = arith.constant 16 : i32
        %mul3A_649 = arith.muli %scan3A_183, %mul3A_648 : i32
        %get3A_650 = arith.index_cast %mul3A_649 : i32 to index
        %get3A_651 = tpu.vector_load %arg12[%get3A_650] {strides = array<i32>} : memref<256xf32, #tpu.memory_space<vmem>>, vector<16xf32>,
        %sub3A_652 = arith.constant 1.200000e+01 : f32
        %sub3A_653 = vector.broadcast %sub3A_652 : f32 to vector<16xf32>
        %sub3A_654 = arith.subf %sub3A_653, %gather3A_647 : vector<16xf32>
        %mul3A_655 = arith.mulf %get3A_651, %sub3A_654 : vector<16xf32>
        %jit3A_656 = arith.constant 0.000000e+00 : f32
        %broadcast_in_dim3A_657 = vector.broadcast %jit3A_656 : f32 to vector<16xf32>
        %select_n3A = arith.select %and3A, %mul3A_655, %broadcast_in_dim3A_657 : vector<16xi1>, vector<16xf32>
        %add3A_658 = arith.addf %scan3A_184, %select_n3A : vector<16xf32>
        scf.yield %add3A_658 : vector<16xf32>
      }
      %scan3A_175 = arith.constant 16 : i32
      %add3A_176 = arith.constant 2 : i32
      %add3A_177 = arith.addi %add3A_163, %add3A_176 : i32
      %lt3A_178 = arith.constant 25 : i32
      %lt3A_179 = arith.cmpi slt, %add3A_177, %lt3A_178 : i32
      %convert_element_type3A_180 = arith.extui %lt3A_179 : i1 to i32
      %cond3A_181 = arith.constant 0 : i32
      %cond3A_182 = arith.cmpi ne, %convert_element_type3A_180, %cond3A_181 : i32
      scf.if %cond3A_182 {
        %add3A_183 = arith.constant 2 : i32
        %add3A_184 = arith.addi %add3A_163, %add3A_183 : i32
        %mul3A_185 = arith.constant 40 : i32
        %mul3A_186 = arith.muli %add3A_184, %mul3A_185 : i32
        %dma_start3A_187 = tpu.memref_slice %arg2[%mul3A_186, %mul3A_2] : memref<1000x16384xf32, #tpu.memory_space<hbm>> -> memref<40x256xf32, #tpu.memory_space<hbm>>
        %dma_start3A_188 = tpu.memref_slice %arg2[%mul3A_186, %mul3A_2] : memref<1000x16384xf32, #tpu.memory_space<hbm>> -> memref<40x256xf32, #tpu.memory_space<hbm>>
        tpu.enqueue_dma source(%dma_start3A_188 : memref<40x256xf32, #tpu.memory_space<hbm>>) target(%arg9 : memref<40x256xf32, #tpu.memory_space<vmem>>) target_semaphore(%arg16 : memref<!tpu.dma_semaphore, #tpu.memory_space<semaphore_mem>>)
      } else {
      }
      scf.yield %scan3A_174 : vector<16xf32>
    }
    %scan3A_126 = arith.constant 12 : i32
    %dma_wait3A = arith.constant 960 : i32
    %dma_wait3A_127 = tpu.memref_slice %arg2[%dma_wait3A, %mul3A_2] : memref<1000x16384xf32, #tpu.memory_space<hbm>> -> memref<40x256xf32, #tpu.memory_space<hbm>>
    %dma_wait3A_128 = arith.constant 960 : i32
    %dma_wait3A_129 = tpu.memref_slice %arg2[%dma_wait3A_128, %mul3A_2] : memref<1000x16384xf32, #tpu.memory_space<hbm>> -> memref<40x256xf32, #tpu.memory_space<hbm>>
    tpu.wait_dma2 semaphore(%arg15 : memref<!tpu.dma_semaphore, #tpu.memory_space<semaphore_mem>>) src(%dma_wait3A_129 : memref<40x256xf32, #tpu.memory_space<hbm>>) dst(%arg8 : memref<40x256xf32, #tpu.memory_space<vmem>>)
    %scan3A_130 = arith.constant 0 : i32
    %scan3A_131 = arith.constant 16 : i32
    %scan3A_132 = arith.addi %scan3A_130, %scan3A_131 : i32
    %scan3A_133 = arith.constant 1 : i32
    %scan3A_134 = scf.for %scan3A_138 = %scan3A_130 to %scan3A_132 step %scan3A_133 iter_args(%scan3A_139 = %scan3A_125) -> (vector<16xf32>)  : i32 {
      %broadcast_in_dim3A_140 = arith.constant 0.000000e+00 : f32
      %broadcast_in_dim3A_141 = vector.broadcast %broadcast_in_dim3A_140 : f32 to vector<16xf32>
      %mul3A_142 = arith.constant 16 : i32
      %mul3A_143 = arith.muli %scan3A_138, %mul3A_142 : i32
      %get3A_144 = arith.constant 0 : i32
      %get3A_145 = arith.index_cast %get3A_144 : i32 to index
      %get3A_146 = arith.index_cast %mul3A_143 : i32 to index
      %get3A_147 = tpu.vector_load %arg8[%get3A_145, %get3A_146] {strides = array<i32>} : memref<40x256xf32, #tpu.memory_space<vmem>>, vector<16xf32>,
      %sub3A = arith.constant 1.200000e+01 : f32
      %sub3A_148 = vector.broadcast %sub3A : f32 to vector<16xf32>
      %sub3A_149 = arith.subf %get3A_147, %sub3A_148 : vector<16xf32>
      %exp3A = math.exp %sub3A_149 : vector<16xf32>
      %add3A_150 = arith.addf %broadcast_in_dim3A_141, %exp3A : vector<16xf32>
      %mul3A_151 = arith.constant 16 : i32
      %mul3A_152 = arith.muli %scan3A_138, %mul3A_151 : i32
      %get3A_153 = arith.constant 1 : i32
      %get3A_154 = arith.index_cast %get3A_153 : i32 to index
      %get3A_155 = arith.index_cast %mul3A_152 : i32 to index
      %get3A_156 = tpu.vector_load %arg8[%get3A_154, %get3A_155] {strides = array<i32>} : memref<40x256xf32, #tpu.memory_space<vmem>>, vector<16xf32>,
      %sub3A_157 = arith.constant 1.200000e+01 : f32
      %sub3A_158 = vector.broadcast %sub3A_157 : f32 to vector<16xf32>
      %sub3A_159 = arith.subf %get3A_156, %sub3A_158 : vector<16xf32>
      %exp3A_160 = math.exp %sub3A_159 : vector<16xf32>
      %add3A_161 = arith.addf %add3A_150, %exp3A_160 : vector<16xf32>
      %mul3A_162 = arith.constant 16 : i32
      %mul3A_163 = arith.muli %scan3A_138, %mul3A_162 : i32
      %get3A_164 = arith.constant 2 : i32
      %get3A_165 = arith.index_cast %get3A_164 : i32 to index
      %get3A_166 = arith.index_cast %mul3A_163 : i32 to index
      %get3A_167 = tpu.vector_load %arg8[%get3A_165, %get3A_166] {strides = array<i32>} : memref<40x256xf32, #tpu.memory_space<vmem>>, vector<16xf32>,
      %sub3A_168 = arith.constant 1.200000e+01 : f32
      %sub3A_169 = vector.broadcast %sub3A_168 : f32 to vector<16xf32>
      %sub3A_170 = arith.subf %get3A_167, %sub3A_169 : vector<16xf32>
      %exp3A_171 = math.exp %sub3A_170 : vector<16xf32>
      %add3A_172 = arith.addf %add3A_161, %exp3A_171 : vector<16xf32>
      %mul3A_173 = arith.constant 16 : i32
      %mul3A_174 = arith.muli %scan3A_138, %mul3A_173 : i32
      %get3A_175 = arith.constant 3 : i32
      %get3A_176 = arith.index_cast %get3A_175 : i32 to index
      %get3A_177 = arith.index_cast %mul3A_174 : i32 to index
      %get3A_178 = tpu.vector_load %arg8[%get3A_176, %get3A_177] {strides = array<i32>} : memref<40x256xf32, #tpu.memory_space<vmem>>, vector<16xf32>,
      %sub3A_179 = arith.constant 1.200000e+01 : f32
      %sub3A_180 = vector.broadcast %sub3A_179 : f32 to vector<16xf32>
      %sub3A_181 = arith.subf %get3A_178, %sub3A_180 : vector<16xf32>
      %exp3A_182 = math.exp %sub3A_181 : vector<16xf32>
      %add3A_183 = arith.addf %add3A_172, %exp3A_182 : vector<16xf32>
      %mul3A_184 = arith.constant 16 : i32
      %mul3A_185 = arith.muli %scan3A_138, %mul3A_184 : i32
      %get3A_186 = arith.constant 4 : i32
      %get3A_187 = arith.index_cast %get3A_186 : i32 to index
      %get3A_188 = arith.index_cast %mul3A_185 : i32 to index
      %get3A_189 = tpu.vector_load %arg8[%get3A_187, %get3A_188] {strides = array<i32>} : memref<40x256xf32, #tpu.memory_space<vmem>>, vector<16xf32>,
      %sub3A_190 = arith.constant 1.200000e+01 : f32
      %sub3A_191 = vector.broadcast %sub3A_190 : f32 to vector<16xf32>
      %sub3A_192 = arith.subf %get3A_189, %sub3A_191 : vector<16xf32>
      %exp3A_193 = math.exp %sub3A_192 : vector<16xf32>
      %add3A_194 = arith.addf %add3A_183, %exp3A_193 : vector<16xf32>
      %mul3A_195 = arith.constant 16 : i32
      %mul3A_196 = arith.muli %scan3A_138, %mul3A_195 : i32
      %get3A_197 = arith.constant 5 : i32
      %get3A_198 = arith.index_cast %get3A_197 : i32 to index
      %get3A_199 = arith.index_cast %mul3A_196 : i32 to index
      %get3A_200 = tpu.vector_load %arg8[%get3A_198, %get3A_199] {strides = array<i32>} : memref<40x256xf32, #tpu.memory_space<vmem>>, vector<16xf32>,
      %sub3A_201 = arith.constant 1.200000e+01 : f32
      %sub3A_202 = vector.broadcast %sub3A_201 : f32 to vector<16xf32>
      %sub3A_203 = arith.subf %get3A_200, %sub3A_202 : vector<16xf32>
      %exp3A_204 = math.exp %sub3A_203 : vector<16xf32>
      %add3A_205 = arith.addf %add3A_194, %exp3A_204 : vector<16xf32>
      %mul3A_206 = arith.constant 16 : i32
      %mul3A_207 = arith.muli %scan3A_138, %mul3A_206 : i32
      %get3A_208 = arith.constant 6 : i32
      %get3A_209 = arith.index_cast %get3A_208 : i32 to index
      %get3A_210 = arith.index_cast %mul3A_207 : i32 to index
      %get3A_211 = tpu.vector_load %arg8[%get3A_209, %get3A_210] {strides = array<i32>} : memref<40x256xf32, #tpu.memory_space<vmem>>, vector<16xf32>,
      %sub3A_212 = arith.constant 1.200000e+01 : f32
      %sub3A_213 = vector.broadcast %sub3A_212 : f32 to vector<16xf32>
      %sub3A_214 = arith.subf %get3A_211, %sub3A_213 : vector<16xf32>
      %exp3A_215 = math.exp %sub3A_214 : vector<16xf32>
      %add3A_216 = arith.addf %add3A_205, %exp3A_215 : vector<16xf32>
      %mul3A_217 = arith.constant 16 : i32
      %mul3A_218 = arith.muli %scan3A_138, %mul3A_217 : i32
      %get3A_219 = arith.constant 7 : i32
      %get3A_220 = arith.index_cast %get3A_219 : i32 to index
      %get3A_221 = arith.index_cast %mul3A_218 : i32 to index
      %get3A_222 = tpu.vector_load %arg8[%get3A_220, %get3A_221] {strides = array<i32>} : memref<40x256xf32, #tpu.memory_space<vmem>>, vector<16xf32>,
      %sub3A_223 = arith.constant 1.200000e+01 : f32
      %sub3A_224 = vector.broadcast %sub3A_223 : f32 to vector<16xf32>
      %sub3A_225 = arith.subf %get3A_222, %sub3A_224 : vector<16xf32>
      %exp3A_226 = math.exp %sub3A_225 : vector<16xf32>
      %add3A_227 = arith.addf %add3A_216, %exp3A_226 : vector<16xf32>
      %mul3A_228 = arith.constant 16 : i32
      %mul3A_229 = arith.muli %scan3A_138, %mul3A_228 : i32
      %get3A_230 = arith.constant 8 : i32
      %get3A_231 = arith.index_cast %get3A_230 : i32 to index
      %get3A_232 = arith.index_cast %mul3A_229 : i32 to index
      %get3A_233 = tpu.vector_load %arg8[%get3A_231, %get3A_232] {strides = array<i32>} : memref<40x256xf32, #tpu.memory_space<vmem>>, vector<16xf32>,
      %sub3A_234 = arith.constant 1.200000e+01 : f32
      %sub3A_235 = vector.broadcast %sub3A_234 : f32 to vector<16xf32>
      %sub3A_236 = arith.subf %get3A_233, %sub3A_235 : vector<16xf32>
      %exp3A_237 = math.exp %sub3A_236 : vector<16xf32>
      %add3A_238 = arith.addf %add3A_227, %exp3A_237 : vector<16xf32>
      %mul3A_239 = arith.constant 16 : i32
      %mul3A_240 = arith.muli %scan3A_138, %mul3A_239 : i32
      %get3A_241 = arith.constant 9 : i32
      %get3A_242 = arith.index_cast %get3A_241 : i32 to index
      %get3A_243 = arith.index_cast %mul3A_240 : i32 to index
      %get3A_244 = tpu.vector_load %arg8[%get3A_242, %get3A_243] {strides = array<i32>} : memref<40x256xf32, #tpu.memory_space<vmem>>, vector<16xf32>,
      %sub3A_245 = arith.constant 1.200000e+01 : f32
      %sub3A_246 = vector.broadcast %sub3A_245 : f32 to vector<16xf32>
      %sub3A_247 = arith.subf %get3A_244, %sub3A_246 : vector<16xf32>
      %exp3A_248 = math.exp %sub3A_247 : vector<16xf32>
      %add3A_249 = arith.addf %add3A_238, %exp3A_248 : vector<16xf32>
      %mul3A_250 = arith.constant 16 : i32
      %mul3A_251 = arith.muli %scan3A_138, %mul3A_250 : i32
      %get3A_252 = arith.constant 10 : i32
      %get3A_253 = arith.index_cast %get3A_252 : i32 to index
      %get3A_254 = arith.index_cast %mul3A_251 : i32 to index
      %get3A_255 = tpu.vector_load %arg8[%get3A_253, %get3A_254] {strides = array<i32>} : memref<40x256xf32, #tpu.memory_space<vmem>>, vector<16xf32>,
      %sub3A_256 = arith.constant 1.200000e+01 : f32
      %sub3A_257 = vector.broadcast %sub3A_256 : f32 to vector<16xf32>
      %sub3A_258 = arith.subf %get3A_255, %sub3A_257 : vector<16xf32>
      %exp3A_259 = math.exp %sub3A_258 : vector<16xf32>
      %add3A_260 = arith.addf %add3A_249, %exp3A_259 : vector<16xf32>
      %mul3A_261 = arith.constant 16 : i32
      %mul3A_262 = arith.muli %scan3A_138, %mul3A_261 : i32
      %get3A_263 = arith.constant 11 : i32
      %get3A_264 = arith.index_cast %get3A_263 : i32 to index
      %get3A_265 = arith.index_cast %mul3A_262 : i32 to index
      %get3A_266 = tpu.vector_load %arg8[%get3A_264, %get3A_265] {strides = array<i32>} : memref<40x256xf32, #tpu.memory_space<vmem>>, vector<16xf32>,
      %sub3A_267 = arith.constant 1.200000e+01 : f32
      %sub3A_268 = vector.broadcast %sub3A_267 : f32 to vector<16xf32>
      %sub3A_269 = arith.subf %get3A_266, %sub3A_268 : vector<16xf32>
      %exp3A_270 = math.exp %sub3A_269 : vector<16xf32>
      %add3A_271 = arith.addf %add3A_260, %exp3A_270 : vector<16xf32>
      %mul3A_272 = arith.constant 16 : i32
      %mul3A_273 = arith.muli %scan3A_138, %mul3A_272 : i32
      %get3A_274 = arith.constant 12 : i32
      %get3A_275 = arith.index_cast %get3A_274 : i32 to index
      %get3A_276 = arith.index_cast %mul3A_273 : i32 to index
      %get3A_277 = tpu.vector_load %arg8[%get3A_275, %get3A_276] {strides = array<i32>} : memref<40x256xf32, #tpu.memory_space<vmem>>, vector<16xf32>,
      %sub3A_278 = arith.constant 1.200000e+01 : f32
      %sub3A_279 = vector.broadcast %sub3A_278 : f32 to vector<16xf32>
      %sub3A_280 = arith.subf %get3A_277, %sub3A_279 : vector<16xf32>
      %exp3A_281 = math.exp %sub3A_280 : vector<16xf32>
      %add3A_282 = arith.addf %add3A_271, %exp3A_281 : vector<16xf32>
      %mul3A_283 = arith.constant 16 : i32
      %mul3A_284 = arith.muli %scan3A_138, %mul3A_283 : i32
      %get3A_285 = arith.constant 13 : i32
      %get3A_286 = arith.index_cast %get3A_285 : i32 to index
      %get3A_287 = arith.index_cast %mul3A_284 : i32 to index
      %get3A_288 = tpu.vector_load %arg8[%get3A_286, %get3A_287] {strides = array<i32>} : memref<40x256xf32, #tpu.memory_space<vmem>>, vector<16xf32>,
      %sub3A_289 = arith.constant 1.200000e+01 : f32
      %sub3A_290 = vector.broadcast %sub3A_289 : f32 to vector<16xf32>
      %sub3A_291 = arith.subf %get3A_288, %sub3A_290 : vector<16xf32>
      %exp3A_292 = math.exp %sub3A_291 : vector<16xf32>
      %add3A_293 = arith.addf %add3A_282, %exp3A_292 : vector<16xf32>
      %mul3A_294 = arith.constant 16 : i32
      %mul3A_295 = arith.muli %scan3A_138, %mul3A_294 : i32
      %get3A_296 = arith.constant 14 : i32
      %get3A_297 = arith.index_cast %get3A_296 : i32 to index
      %get3A_298 = arith.index_cast %mul3A_295 : i32 to index
      %get3A_299 = tpu.vector_load %arg8[%get3A_297, %get3A_298] {strides = array<i32>} : memref<40x256xf32, #tpu.memory_space<vmem>>, vector<16xf32>,
      %sub3A_300 = arith.constant 1.200000e+01 : f32
      %sub3A_301 = vector.broadcast %sub3A_300 : f32 to vector<16xf32>
      %sub3A_302 = arith.subf %get3A_299, %sub3A_301 : vector<16xf32>
      %exp3A_303 = math.exp %sub3A_302 : vector<16xf32>
      %add3A_304 = arith.addf %add3A_293, %exp3A_303 : vector<16xf32>
      %mul3A_305 = arith.constant 16 : i32
      %mul3A_306 = arith.muli %scan3A_138, %mul3A_305 : i32
      %get3A_307 = arith.constant 15 : i32
      %get3A_308 = arith.index_cast %get3A_307 : i32 to index
      %get3A_309 = arith.index_cast %mul3A_306 : i32 to index
      %get3A_310 = tpu.vector_load %arg8[%get3A_308, %get3A_309] {strides = array<i32>} : memref<40x256xf32, #tpu.memory_space<vmem>>, vector<16xf32>,
      %sub3A_311 = arith.constant 1.200000e+01 : f32
      %sub3A_312 = vector.broadcast %sub3A_311 : f32 to vector<16xf32>
      %sub3A_313 = arith.subf %get3A_310, %sub3A_312 : vector<16xf32>
      %exp3A_314 = math.exp %sub3A_313 : vector<16xf32>
      %add3A_315 = arith.addf %add3A_304, %exp3A_314 : vector<16xf32>
      %mul3A_316 = arith.constant 16 : i32
      %mul3A_317 = arith.muli %scan3A_138, %mul3A_316 : i32
      %get3A_318 = arith.constant 16 : i32
      %get3A_319 = arith.index_cast %get3A_318 : i32 to index
      %get3A_320 = arith.index_cast %mul3A_317 : i32 to index
      %get3A_321 = tpu.vector_load %arg8[%get3A_319, %get3A_320] {strides = array<i32>} : memref<40x256xf32, #tpu.memory_space<vmem>>, vector<16xf32>,
      %sub3A_322 = arith.constant 1.200000e+01 : f32
      %sub3A_323 = vector.broadcast %sub3A_322 : f32 to vector<16xf32>
      %sub3A_324 = arith.subf %get3A_321, %sub3A_323 : vector<16xf32>
      %exp3A_325 = math.exp %sub3A_324 : vector<16xf32>
      %add3A_326 = arith.addf %add3A_315, %exp3A_325 : vector<16xf32>
      %mul3A_327 = arith.constant 16 : i32
      %mul3A_328 = arith.muli %scan3A_138, %mul3A_327 : i32
      %get3A_329 = arith.constant 17 : i32
      %get3A_330 = arith.index_cast %get3A_329 : i32 to index
      %get3A_331 = arith.index_cast %mul3A_328 : i32 to index
      %get3A_332 = tpu.vector_load %arg8[%get3A_330, %get3A_331] {strides = array<i32>} : memref<40x256xf32, #tpu.memory_space<vmem>>, vector<16xf32>,
      %sub3A_333 = arith.constant 1.200000e+01 : f32
      %sub3A_334 = vector.broadcast %sub3A_333 : f32 to vector<16xf32>
      %sub3A_335 = arith.subf %get3A_332, %sub3A_334 : vector<16xf32>
      %exp3A_336 = math.exp %sub3A_335 : vector<16xf32>
      %add3A_337 = arith.addf %add3A_326, %exp3A_336 : vector<16xf32>
      %mul3A_338 = arith.constant 16 : i32
      %mul3A_339 = arith.muli %scan3A_138, %mul3A_338 : i32
      %get3A_340 = arith.constant 18 : i32
      %get3A_341 = arith.index_cast %get3A_340 : i32 to index
      %get3A_342 = arith.index_cast %mul3A_339 : i32 to index
      %get3A_343 = tpu.vector_load %arg8[%get3A_341, %get3A_342] {strides = array<i32>} : memref<40x256xf32, #tpu.memory_space<vmem>>, vector<16xf32>,
      %sub3A_344 = arith.constant 1.200000e+01 : f32
      %sub3A_345 = vector.broadcast %sub3A_344 : f32 to vector<16xf32>
      %sub3A_346 = arith.subf %get3A_343, %sub3A_345 : vector<16xf32>
      %exp3A_347 = math.exp %sub3A_346 : vector<16xf32>
      %add3A_348 = arith.addf %add3A_337, %exp3A_347 : vector<16xf32>
      %mul3A_349 = arith.constant 16 : i32
      %mul3A_350 = arith.muli %scan3A_138, %mul3A_349 : i32
      %get3A_351 = arith.constant 19 : i32
      %get3A_352 = arith.index_cast %get3A_351 : i32 to index
      %get3A_353 = arith.index_cast %mul3A_350 : i32 to index
      %get3A_354 = tpu.vector_load %arg8[%get3A_352, %get3A_353] {strides = array<i32>} : memref<40x256xf32, #tpu.memory_space<vmem>>, vector<16xf32>,
      %sub3A_355 = arith.constant 1.200000e+01 : f32
      %sub3A_356 = vector.broadcast %sub3A_355 : f32 to vector<16xf32>
      %sub3A_357 = arith.subf %get3A_354, %sub3A_356 : vector<16xf32>
      %exp3A_358 = math.exp %sub3A_357 : vector<16xf32>
      %add3A_359 = arith.addf %add3A_348, %exp3A_358 : vector<16xf32>
      %mul3A_360 = arith.constant 16 : i32
      %mul3A_361 = arith.muli %scan3A_138, %mul3A_360 : i32
      %get3A_362 = arith.constant 20 : i32
      %get3A_363 = arith.index_cast %get3A_362 : i32 to index
      %get3A_364 = arith.index_cast %mul3A_361 : i32 to index
      %get3A_365 = tpu.vector_load %arg8[%get3A_363, %get3A_364] {strides = array<i32>} : memref<40x256xf32, #tpu.memory_space<vmem>>, vector<16xf32>,
      %sub3A_366 = arith.constant 1.200000e+01 : f32
      %sub3A_367 = vector.broadcast %sub3A_366 : f32 to vector<16xf32>
      %sub3A_368 = arith.subf %get3A_365, %sub3A_367 : vector<16xf32>
      %exp3A_369 = math.exp %sub3A_368 : vector<16xf32>
      %add3A_370 = arith.addf %add3A_359, %exp3A_369 : vector<16xf32>
      %mul3A_371 = arith.constant 16 : i32
      %mul3A_372 = arith.muli %scan3A_138, %mul3A_371 : i32
      %get3A_373 = arith.constant 21 : i32
      %get3A_374 = arith.index_cast %get3A_373 : i32 to index
      %get3A_375 = arith.index_cast %mul3A_372 : i32 to index
      %get3A_376 = tpu.vector_load %arg8[%get3A_374, %get3A_375] {strides = array<i32>} : memref<40x256xf32, #tpu.memory_space<vmem>>, vector<16xf32>,
      %sub3A_377 = arith.constant 1.200000e+01 : f32
      %sub3A_378 = vector.broadcast %sub3A_377 : f32 to vector<16xf32>
      %sub3A_379 = arith.subf %get3A_376, %sub3A_378 : vector<16xf32>
      %exp3A_380 = math.exp %sub3A_379 : vector<16xf32>
      %add3A_381 = arith.addf %add3A_370, %exp3A_380 : vector<16xf32>
      %mul3A_382 = arith.constant 16 : i32
      %mul3A_383 = arith.muli %scan3A_138, %mul3A_382 : i32
      %get3A_384 = arith.constant 22 : i32
      %get3A_385 = arith.index_cast %get3A_384 : i32 to index
      %get3A_386 = arith.index_cast %mul3A_383 : i32 to index
      %get3A_387 = tpu.vector_load %arg8[%get3A_385, %get3A_386] {strides = array<i32>} : memref<40x256xf32, #tpu.memory_space<vmem>>, vector<16xf32>,
      %sub3A_388 = arith.constant 1.200000e+01 : f32
      %sub3A_389 = vector.broadcast %sub3A_388 : f32 to vector<16xf32>
      %sub3A_390 = arith.subf %get3A_387, %sub3A_389 : vector<16xf32>
      %exp3A_391 = math.exp %sub3A_390 : vector<16xf32>
      %add3A_392 = arith.addf %add3A_381, %exp3A_391 : vector<16xf32>
      %mul3A_393 = arith.constant 16 : i32
      %mul3A_394 = arith.muli %scan3A_138, %mul3A_393 : i32
      %get3A_395 = arith.constant 23 : i32
      %get3A_396 = arith.index_cast %get3A_395 : i32 to index
      %get3A_397 = arith.index_cast %mul3A_394 : i32 to index
      %get3A_398 = tpu.vector_load %arg8[%get3A_396, %get3A_397] {strides = array<i32>} : memref<40x256xf32, #tpu.memory_space<vmem>>, vector<16xf32>,
      %sub3A_399 = arith.constant 1.200000e+01 : f32
      %sub3A_400 = vector.broadcast %sub3A_399 : f32 to vector<16xf32>
      %sub3A_401 = arith.subf %get3A_398, %sub3A_400 : vector<16xf32>
      %exp3A_402 = math.exp %sub3A_401 : vector<16xf32>
      %add3A_403 = arith.addf %add3A_392, %exp3A_402 : vector<16xf32>
      %mul3A_404 = arith.constant 16 : i32
      %mul3A_405 = arith.muli %scan3A_138, %mul3A_404 : i32
      %get3A_406 = arith.constant 24 : i32
      %get3A_407 = arith.index_cast %get3A_406 : i32 to index
      %get3A_408 = arith.index_cast %mul3A_405 : i32 to index
      %get3A_409 = tpu.vector_load %arg8[%get3A_407, %get3A_408] {strides = array<i32>} : memref<40x256xf32, #tpu.memory_space<vmem>>, vector<16xf32>,
      %sub3A_410 = arith.constant 1.200000e+01 : f32
      %sub3A_411 = vector.broadcast %sub3A_410 : f32 to vector<16xf32>
      %sub3A_412 = arith.subf %get3A_409, %sub3A_411 : vector<16xf32>
      %exp3A_413 = math.exp %sub3A_412 : vector<16xf32>
      %add3A_414 = arith.addf %add3A_403, %exp3A_413 : vector<16xf32>
      %mul3A_415 = arith.constant 16 : i32
      %mul3A_416 = arith.muli %scan3A_138, %mul3A_415 : i32
      %get3A_417 = arith.constant 25 : i32
      %get3A_418 = arith.index_cast %get3A_417 : i32 to index
      %get3A_419 = arith.index_cast %mul3A_416 : i32 to index
      %get3A_420 = tpu.vector_load %arg8[%get3A_418, %get3A_419] {strides = array<i32>} : memref<40x256xf32, #tpu.memory_space<vmem>>, vector<16xf32>,
      %sub3A_421 = arith.constant 1.200000e+01 : f32
      %sub3A_422 = vector.broadcast %sub3A_421 : f32 to vector<16xf32>
      %sub3A_423 = arith.subf %get3A_420, %sub3A_422 : vector<16xf32>
      %exp3A_424 = math.exp %sub3A_423 : vector<16xf32>
      %add3A_425 = arith.addf %add3A_414, %exp3A_424 : vector<16xf32>
      %mul3A_426 = arith.constant 16 : i32
      %mul3A_427 = arith.muli %scan3A_138, %mul3A_426 : i32
      %get3A_428 = arith.constant 26 : i32
      %get3A_429 = arith.index_cast %get3A_428 : i32 to index
      %get3A_430 = arith.index_cast %mul3A_427 : i32 to index
      %get3A_431 = tpu.vector_load %arg8[%get3A_429, %get3A_430] {strides = array<i32>} : memref<40x256xf32, #tpu.memory_space<vmem>>, vector<16xf32>,
      %sub3A_432 = arith.constant 1.200000e+01 : f32
      %sub3A_433 = vector.broadcast %sub3A_432 : f32 to vector<16xf32>
      %sub3A_434 = arith.subf %get3A_431, %sub3A_433 : vector<16xf32>
      %exp3A_435 = math.exp %sub3A_434 : vector<16xf32>
      %add3A_436 = arith.addf %add3A_425, %exp3A_435 : vector<16xf32>
      %mul3A_437 = arith.constant 16 : i32
      %mul3A_438 = arith.muli %scan3A_138, %mul3A_437 : i32
      %get3A_439 = arith.constant 27 : i32
      %get3A_440 = arith.index_cast %get3A_439 : i32 to index
      %get3A_441 = arith.index_cast %mul3A_438 : i32 to index
      %get3A_442 = tpu.vector_load %arg8[%get3A_440, %get3A_441] {strides = array<i32>} : memref<40x256xf32, #tpu.memory_space<vmem>>, vector<16xf32>,
      %sub3A_443 = arith.constant 1.200000e+01 : f32
      %sub3A_444 = vector.broadcast %sub3A_443 : f32 to vector<16xf32>
      %sub3A_445 = arith.subf %get3A_442, %sub3A_444 : vector<16xf32>
      %exp3A_446 = math.exp %sub3A_445 : vector<16xf32>
      %add3A_447 = arith.addf %add3A_436, %exp3A_446 : vector<16xf32>
      %mul3A_448 = arith.constant 16 : i32
      %mul3A_449 = arith.muli %scan3A_138, %mul3A_448 : i32
      %get3A_450 = arith.constant 28 : i32
      %get3A_451 = arith.index_cast %get3A_450 : i32 to index
      %get3A_452 = arith.index_cast %mul3A_449 : i32 to index
      %get3A_453 = tpu.vector_load %arg8[%get3A_451, %get3A_452] {strides = array<i32>} : memref<40x256xf32, #tpu.memory_space<vmem>>, vector<16xf32>,
      %sub3A_454 = arith.constant 1.200000e+01 : f32
      %sub3A_455 = vector.broadcast %sub3A_454 : f32 to vector<16xf32>
      %sub3A_456 = arith.subf %get3A_453, %sub3A_455 : vector<16xf32>
      %exp3A_457 = math.exp %sub3A_456 : vector<16xf32>
      %add3A_458 = arith.addf %add3A_447, %exp3A_457 : vector<16xf32>
      %mul3A_459 = arith.constant 16 : i32
      %mul3A_460 = arith.muli %scan3A_138, %mul3A_459 : i32
      %get3A_461 = arith.constant 29 : i32
      %get3A_462 = arith.index_cast %get3A_461 : i32 to index
      %get3A_463 = arith.index_cast %mul3A_460 : i32 to index
      %get3A_464 = tpu.vector_load %arg8[%get3A_462, %get3A_463] {strides = array<i32>} : memref<40x256xf32, #tpu.memory_space<vmem>>, vector<16xf32>,
      %sub3A_465 = arith.constant 1.200000e+01 : f32
      %sub3A_466 = vector.broadcast %sub3A_465 : f32 to vector<16xf32>
      %sub3A_467 = arith.subf %get3A_464, %sub3A_466 : vector<16xf32>
      %exp3A_468 = math.exp %sub3A_467 : vector<16xf32>
      %add3A_469 = arith.addf %add3A_458, %exp3A_468 : vector<16xf32>
      %mul3A_470 = arith.constant 16 : i32
      %mul3A_471 = arith.muli %scan3A_138, %mul3A_470 : i32
      %get3A_472 = arith.constant 30 : i32
      %get3A_473 = arith.index_cast %get3A_472 : i32 to index
      %get3A_474 = arith.index_cast %mul3A_471 : i32 to index
      %get3A_475 = tpu.vector_load %arg8[%get3A_473, %get3A_474] {strides = array<i32>} : memref<40x256xf32, #tpu.memory_space<vmem>>, vector<16xf32>,
      %sub3A_476 = arith.constant 1.200000e+01 : f32
      %sub3A_477 = vector.broadcast %sub3A_476 : f32 to vector<16xf32>
      %sub3A_478 = arith.subf %get3A_475, %sub3A_477 : vector<16xf32>
      %exp3A_479 = math.exp %sub3A_478 : vector<16xf32>
      %add3A_480 = arith.addf %add3A_469, %exp3A_479 : vector<16xf32>
      %mul3A_481 = arith.constant 16 : i32
      %mul3A_482 = arith.muli %scan3A_138, %mul3A_481 : i32
      %get3A_483 = arith.constant 31 : i32
      %get3A_484 = arith.index_cast %get3A_483 : i32 to index
      %get3A_485 = arith.index_cast %mul3A_482 : i32 to index
      %get3A_486 = tpu.vector_load %arg8[%get3A_484, %get3A_485] {strides = array<i32>} : memref<40x256xf32, #tpu.memory_space<vmem>>, vector<16xf32>,
      %sub3A_487 = arith.constant 1.200000e+01 : f32
      %sub3A_488 = vector.broadcast %sub3A_487 : f32 to vector<16xf32>
      %sub3A_489 = arith.subf %get3A_486, %sub3A_488 : vector<16xf32>
      %exp3A_490 = math.exp %sub3A_489 : vector<16xf32>
      %add3A_491 = arith.addf %add3A_480, %exp3A_490 : vector<16xf32>
      %mul3A_492 = arith.constant 16 : i32
      %mul3A_493 = arith.muli %scan3A_138, %mul3A_492 : i32
      %get3A_494 = arith.constant 32 : i32
      %get3A_495 = arith.index_cast %get3A_494 : i32 to index
      %get3A_496 = arith.index_cast %mul3A_493 : i32 to index
      %get3A_497 = tpu.vector_load %arg8[%get3A_495, %get3A_496] {strides = array<i32>} : memref<40x256xf32, #tpu.memory_space<vmem>>, vector<16xf32>,
      %sub3A_498 = arith.constant 1.200000e+01 : f32
      %sub3A_499 = vector.broadcast %sub3A_498 : f32 to vector<16xf32>
      %sub3A_500 = arith.subf %get3A_497, %sub3A_499 : vector<16xf32>
      %exp3A_501 = math.exp %sub3A_500 : vector<16xf32>
      %add3A_502 = arith.addf %add3A_491, %exp3A_501 : vector<16xf32>
      %mul3A_503 = arith.constant 16 : i32
      %mul3A_504 = arith.muli %scan3A_138, %mul3A_503 : i32
      %get3A_505 = arith.constant 33 : i32
      %get3A_506 = arith.index_cast %get3A_505 : i32 to index
      %get3A_507 = arith.index_cast %mul3A_504 : i32 to index
      %get3A_508 = tpu.vector_load %arg8[%get3A_506, %get3A_507] {strides = array<i32>} : memref<40x256xf32, #tpu.memory_space<vmem>>, vector<16xf32>,
      %sub3A_509 = arith.constant 1.200000e+01 : f32
      %sub3A_510 = vector.broadcast %sub3A_509 : f32 to vector<16xf32>
      %sub3A_511 = arith.subf %get3A_508, %sub3A_510 : vector<16xf32>
      %exp3A_512 = math.exp %sub3A_511 : vector<16xf32>
      %add3A_513 = arith.addf %add3A_502, %exp3A_512 : vector<16xf32>
      %mul3A_514 = arith.constant 16 : i32
      %mul3A_515 = arith.muli %scan3A_138, %mul3A_514 : i32
      %get3A_516 = arith.constant 34 : i32
      %get3A_517 = arith.index_cast %get3A_516 : i32 to index
      %get3A_518 = arith.index_cast %mul3A_515 : i32 to index
      %get3A_519 = tpu.vector_load %arg8[%get3A_517, %get3A_518] {strides = array<i32>} : memref<40x256xf32, #tpu.memory_space<vmem>>, vector<16xf32>,
      %sub3A_520 = arith.constant 1.200000e+01 : f32
      %sub3A_521 = vector.broadcast %sub3A_520 : f32 to vector<16xf32>
      %sub3A_522 = arith.subf %get3A_519, %sub3A_521 : vector<16xf32>
      %exp3A_523 = math.exp %sub3A_522 : vector<16xf32>
      %add3A_524 = arith.addf %add3A_513, %exp3A_523 : vector<16xf32>
      %mul3A_525 = arith.constant 16 : i32
      %mul3A_526 = arith.muli %scan3A_138, %mul3A_525 : i32
      %get3A_527 = arith.constant 35 : i32
      %get3A_528 = arith.index_cast %get3A_527 : i32 to index
      %get3A_529 = arith.index_cast %mul3A_526 : i32 to index
      %get3A_530 = tpu.vector_load %arg8[%get3A_528, %get3A_529] {strides = array<i32>} : memref<40x256xf32, #tpu.memory_space<vmem>>, vector<16xf32>,
      %sub3A_531 = arith.constant 1.200000e+01 : f32
      %sub3A_532 = vector.broadcast %sub3A_531 : f32 to vector<16xf32>
      %sub3A_533 = arith.subf %get3A_530, %sub3A_532 : vector<16xf32>
      %exp3A_534 = math.exp %sub3A_533 : vector<16xf32>
      %add3A_535 = arith.addf %add3A_524, %exp3A_534 : vector<16xf32>
      %mul3A_536 = arith.constant 16 : i32
      %mul3A_537 = arith.muli %scan3A_138, %mul3A_536 : i32
      %get3A_538 = arith.constant 36 : i32
      %get3A_539 = arith.index_cast %get3A_538 : i32 to index
      %get3A_540 = arith.index_cast %mul3A_537 : i32 to index
      %get3A_541 = tpu.vector_load %arg8[%get3A_539, %get3A_540] {strides = array<i32>} : memref<40x256xf32, #tpu.memory_space<vmem>>, vector<16xf32>,
      %sub3A_542 = arith.constant 1.200000e+01 : f32
      %sub3A_543 = vector.broadcast %sub3A_542 : f32 to vector<16xf32>
      %sub3A_544 = arith.subf %get3A_541, %sub3A_543 : vector<16xf32>
      %exp3A_545 = math.exp %sub3A_544 : vector<16xf32>
      %add3A_546 = arith.addf %add3A_535, %exp3A_545 : vector<16xf32>
      %mul3A_547 = arith.constant 16 : i32
      %mul3A_548 = arith.muli %scan3A_138, %mul3A_547 : i32
      %get3A_549 = arith.constant 37 : i32
      %get3A_550 = arith.index_cast %get3A_549 : i32 to index
      %get3A_551 = arith.index_cast %mul3A_548 : i32 to index
      %get3A_552 = tpu.vector_load %arg8[%get3A_550, %get3A_551] {strides = array<i32>} : memref<40x256xf32, #tpu.memory_space<vmem>>, vector<16xf32>,
      %sub3A_553 = arith.constant 1.200000e+01 : f32
      %sub3A_554 = vector.broadcast %sub3A_553 : f32 to vector<16xf32>
      %sub3A_555 = arith.subf %get3A_552, %sub3A_554 : vector<16xf32>
      %exp3A_556 = math.exp %sub3A_555 : vector<16xf32>
      %add3A_557 = arith.addf %add3A_546, %exp3A_556 : vector<16xf32>
      %mul3A_558 = arith.constant 16 : i32
      %mul3A_559 = arith.muli %scan3A_138, %mul3A_558 : i32
      %get3A_560 = arith.constant 38 : i32
      %get3A_561 = arith.index_cast %get3A_560 : i32 to index
      %get3A_562 = arith.index_cast %mul3A_559 : i32 to index
      %get3A_563 = tpu.vector_load %arg8[%get3A_561, %get3A_562] {strides = array<i32>} : memref<40x256xf32, #tpu.memory_space<vmem>>, vector<16xf32>,
      %sub3A_564 = arith.constant 1.200000e+01 : f32
      %sub3A_565 = vector.broadcast %sub3A_564 : f32 to vector<16xf32>
      %sub3A_566 = arith.subf %get3A_563, %sub3A_565 : vector<16xf32>
      %exp3A_567 = math.exp %sub3A_566 : vector<16xf32>
      %add3A_568 = arith.addf %add3A_557, %exp3A_567 : vector<16xf32>
      %mul3A_569 = arith.constant 16 : i32
      %mul3A_570 = arith.muli %scan3A_138, %mul3A_569 : i32
      %get3A_571 = arith.constant 39 : i32
      %get3A_572 = arith.index_cast %get3A_571 : i32 to index
      %get3A_573 = arith.index_cast %mul3A_570 : i32 to index
      %get3A_574 = tpu.vector_load %arg8[%get3A_572, %get3A_573] {strides = array<i32>} : memref<40x256xf32, #tpu.memory_space<vmem>>, vector<16xf32>,
      %sub3A_575 = arith.constant 1.200000e+01 : f32
      %sub3A_576 = vector.broadcast %sub3A_575 : f32 to vector<16xf32>
      %sub3A_577 = arith.subf %get3A_574, %sub3A_576 : vector<16xf32>
      %exp3A_578 = math.exp %sub3A_577 : vector<16xf32>
      %add3A_579 = arith.addf %add3A_568, %exp3A_578 : vector<16xf32>
      %mul3A_580 = arith.constant 16 : i32
      %mul3A_581 = arith.muli %scan3A_138, %mul3A_580 : i32
      %swap3A_582 = arith.index_cast %mul3A_581 : i32 to index
      %swap3A_583 = tpu.vector_load %arg13[%swap3A_582] {strides = array<i32>} : memref<256xf32, #tpu.memory_space<vmem>>, vector<16xf32>,
      tpu.vector_store %arg13[%swap3A_582], %add3A_579 {add = true, strides = array<i32>} : memref<256xf32, #tpu.memory_space<vmem>>, vector<16xf32>,
      %mul3A_584 = arith.constant 16 : i32
      %mul3A_585 = arith.muli %scan3A_138, %mul3A_584 : i32
      %get3A_586 = arith.index_cast %mul3A_585 : i32 to index
      %get3A_587 = tpu.vector_load %arg10[%get3A_586] {strides = array<i32>} : memref<256xi32, #tpu.memory_space<vmem>>, vector<16xi32>,
      %ge3A = arith.constant 960 : i32
      %ge3A_588 = vector.broadcast %ge3A : i32 to vector<16xi32>
      %ge3A_589 = arith.cmpi sge, %get3A_587, %ge3A_588 : vector<16xi32>
      %lt3A = arith.constant 1000 : i32
      %lt3A_590 = vector.broadcast %lt3A : i32 to vector<16xi32>
      %lt3A_591 = arith.cmpi slt, %get3A_587, %lt3A_590 : vector<16xi32>
      %and3A = arith.andi %ge3A_589, %lt3A_591 : vector<16xi1>
      %sub3A_592 = arith.constant 960 : i32
      %sub3A_593 = vector.broadcast %sub3A_592 : i32 to vector<16xi32>
      %sub3A_594 = arith.subi %get3A_587, %sub3A_593 : vector<16xi32>
      %jit3A = arith.constant 0 : i32
      %jit3A_595 = arith.constant 39 : i32
      %max3A = vector.broadcast %jit3A : i32 to vector<16xi32>
      %max3A_596 = arith.maxsi %max3A, %sub3A_594 : vector<16xi32>
      %min3A = vector.broadcast %jit3A_595 : i32 to vector<16xi32>
      %min3A_597 = arith.minsi %min3A, %max3A_596 : vector<16xi32>
      %mul3A_598 = arith.constant 16 : i32
      %mul3A_599 = arith.muli %scan3A_138, %mul3A_598 : i32
      %add3A_600 = vector.broadcast %mul3A_599 : i32 to vector<16xi32>
      %add3A_601 = arith.addi %iota3A, %add3A_600 : vector<16xi32>
      %gather3A_602 = tpu.vector_load_idx %arg8[%min3A_597, %add3A_601] : memref<40x256xf32, #tpu.memory_space<vmem>>[vector<16xi32>, vector<16xi32>], vector<16xf32>,
      %mul3A_603 = arith.constant 16 : i32
      %mul3A_604 = arith.muli %scan3A_138, %mul3A_603 : i32
      %get3A_605 = arith.index_cast %mul3A_604 : i32 to index
      %get3A_606 = tpu.vector_load %arg12[%get3A_605] {strides = array<i32>} : memref<256xf32, #tpu.memory_space<vmem>>, vector<16xf32>,
      %sub3A_607 = arith.constant 1.200000e+01 : f32
      %sub3A_608 = vector.broadcast %sub3A_607 : f32 to vector<16xf32>
      %sub3A_609 = arith.subf %sub3A_608, %gather3A_602 : vector<16xf32>
      %mul3A_610 = arith.mulf %get3A_606, %sub3A_609 : vector<16xf32>
      %jit3A_611 = arith.constant 0.000000e+00 : f32
      %broadcast_in_dim3A_612 = vector.broadcast %jit3A_611 : f32 to vector<16xf32>
      %select_n3A = arith.select %and3A, %mul3A_610, %broadcast_in_dim3A_612 : vector<16xi1>, vector<16xf32>
      %add3A_613 = arith.addf %scan3A_139, %select_n3A : vector<16xf32>
      scf.yield %add3A_613 : vector<16xf32>
    }
    %scan3A_135 = arith.constant 16 : i32
    %swap3A_136 = arith.constant 0 : index
    %swap3A_137 = tpu.vector_load %arg14[%swap3A_136] {strides = array<i32>} : memref<16xf32, #tpu.memory_space<vmem>>, vector<16xf32>,
    tpu.vector_store %arg14[%swap3A_136], %scan3A_134 {strides = array<i32>} : memref<16xf32, #tpu.memory_space<vmem>>, vector<16xf32>,
    "tpu.region"() ({
      %run_scoped3A = tpu.sem_alloc : memref<!tpu.dma_semaphore, #tpu.memory_space<semaphore_mem>>
      %dma_start3A_138 = tpu.memref_slice %arg5[%mul3A_2] : memref<8192xf32, #tpu.memory_space<hbm>> -> memref<256xf32, #tpu.memory_space<hbm>>
      %dma_start3A_139 = tpu.memref_slice %arg5[%mul3A_2] : memref<8192xf32, #tpu.memory_space<hbm>> -> memref<256xf32, #tpu.memory_space<hbm>>
      tpu.enqueue_dma source(%arg12 : memref<256xf32, #tpu.memory_space<vmem>>) target(%dma_start3A_139 : memref<256xf32, #tpu.memory_space<hbm>>) target_semaphore(%run_scoped3A : memref<!tpu.dma_semaphore, #tpu.memory_space<semaphore_mem>>)
      %dma_wait3A_140 = tpu.memref_slice %arg5[%mul3A_2] : memref<8192xf32, #tpu.memory_space<hbm>> -> memref<256xf32, #tpu.memory_space<hbm>>
      %dma_wait3A_141 = tpu.memref_slice %arg5[%mul3A_2] : memref<8192xf32, #tpu.memory_space<hbm>> -> memref<256xf32, #tpu.memory_space<hbm>>
      tpu.wait_dma2 semaphore(%run_scoped3A : memref<!tpu.dma_semaphore, #tpu.memory_space<semaphore_mem>>) src(%arg12 : memref<256xf32, #tpu.memory_space<vmem>>) dst(%dma_wait3A_141 : memref<256xf32, #tpu.memory_space<hbm>>)
      tpu.yield
    }) : () -> ()
    "tpu.region"() ({
      %run_scoped3A = tpu.sem_alloc : memref<!tpu.dma_semaphore, #tpu.memory_space<semaphore_mem>>
      %dma_start3A_138 = tpu.memref_slice %arg6[%mul3A_2] : memref<8192xf32, #tpu.memory_space<hbm>> -> memref<256xf32, #tpu.memory_space<hbm>>
      %dma_start3A_139 = tpu.memref_slice %arg6[%mul3A_2] : memref<8192xf32, #tpu.memory_space<hbm>> -> memref<256xf32, #tpu.memory_space<hbm>>
      tpu.enqueue_dma source(%arg13 : memref<256xf32, #tpu.memory_space<vmem>>) target(%dma_start3A_139 : memref<256xf32, #tpu.memory_space<hbm>>) target_semaphore(%run_scoped3A : memref<!tpu.dma_semaphore, #tpu.memory_space<semaphore_mem>>)
      %dma_wait3A_140 = tpu.memref_slice %arg6[%mul3A_2] : memref<8192xf32, #tpu.memory_space<hbm>> -> memref<256xf32, #tpu.memory_space<hbm>>
      %dma_wait3A_141 = tpu.memref_slice %arg6[%mul3A_2] : memref<8192xf32, #tpu.memory_space<hbm>> -> memref<256xf32, #tpu.memory_space<hbm>>
      tpu.wait_dma2 semaphore(%run_scoped3A : memref<!tpu.dma_semaphore, #tpu.memory_space<semaphore_mem>>) src(%arg13 : memref<256xf32, #tpu.memory_space<vmem>>) dst(%dma_wait3A_141 : memref<256xf32, #tpu.memory_space<hbm>>)
      tpu.yield
    }) : () -> ()
    "tpu.region"() ({
      %run_scoped3A = tpu.sem_alloc : memref<!tpu.dma_semaphore, #tpu.memory_space<semaphore_mem>>
      %dma_start3A_138 = arith.constant 0 : i32
      %dma_start3A_139 = tpu.memref_slice %arg7[%add3A, %dma_start3A_138] : memref<32x16xf32, #tpu.memory_space<hbm>> -> memref<1x16xf32, #tpu.memory_space<hbm>>
      %dma_start3A_140 = tpu.memref_squeeze %dma_start3A_139 : memref<1x16xf32, #tpu.memory_space<hbm>> -> memref<16xf32, #tpu.memory_space<hbm>>
      %dma_start3A_141 = arith.constant 0 : i32
      %dma_start3A_142 = tpu.memref_slice %arg7[%add3A, %dma_start3A_141] : memref<32x16xf32, #tpu.memory_space<hbm>> -> memref<1x16xf32, #tpu.memory_space<hbm>>
      %dma_start3A_143 = tpu.memref_squeeze %dma_start3A_142 : memref<1x16xf32, #tpu.memory_space<hbm>> -> memref<16xf32, #tpu.memory_space<hbm>>
      tpu.enqueue_dma source(%arg14 : memref<16xf32, #tpu.memory_space<vmem>>) target(%dma_start3A_143 : memref<16xf32, #tpu.memory_space<hbm>>) target_semaphore(%run_scoped3A : memref<!tpu.dma_semaphore, #tpu.memory_space<semaphore_mem>>)
      %dma_wait3A_144 = arith.constant 0 : i32
      %dma_wait3A_145 = tpu.memref_slice %arg7[%add3A, %dma_wait3A_144] : memref<32x16xf32, #tpu.memory_space<hbm>> -> memref<1x16xf32, #tpu.memory_space<hbm>>
      %dma_wait3A_146 = tpu.memref_squeeze %dma_wait3A_145 : memref<1x16xf32, #tpu.memory_space<hbm>> -> memref<16xf32, #tpu.memory_space<hbm>>
      %dma_wait3A_147 = arith.constant 0 : i32
      %dma_wait3A_148 = tpu.memref_slice %arg7[%add3A, %dma_wait3A_147] : memref<32x16xf32, #tpu.memory_space<hbm>> -> memref<1x16xf32, #tpu.memory_space<hbm>>
      %dma_wait3A_149 = tpu.memref_squeeze %dma_wait3A_148 : memref<1x16xf32, #tpu.memory_space<hbm>> -> memref<16xf32, #tpu.memory_space<hbm>>
      tpu.wait_dma2 semaphore(%run_scoped3A : memref<!tpu.dma_semaphore, #tpu.memory_space<semaphore_mem>>) src(%arg14 : memref<16xf32, #tpu.memory_space<vmem>>) dst(%dma_wait3A_149 : memref<16xf32, #tpu.memory_space<hbm>>)
      tpu.yield
    }) : () -> ()
    return
  }
}

module attributes {stable_mosaic.version = 14 : i64} {
  func.func @_combine_body(%arg0: i32, %arg1: memref<2048xf32, #tpu.memory_space<vmem>>, %arg2: memref<2048xf32, #tpu.memory_space<vmem>>, %arg3: memref<32x16xf32, #tpu.memory_space<vmem>>, %arg4: memref<1x1xf32, #tpu.memory_space<vmem>>, %arg5: memref<1xf32, #tpu.memory_space<vmem>>) attributes {dimension_semantics = [#tpu.dimension_semantics<arbitrary>], iteration_bounds = array<i64: 4>, scalar_prefetch = 0 : i64, scratch_operands = 0 : i64, tpu.core_type = #tpu.core_type<tc>, window_params = [{transform_indices = @transform_0, window_bounds = array<i64: 2048>}, {transform_indices = @transform_1, window_bounds = array<i64: 2048>}, {pipeline_mode = #tpu.pipeline_mode<synchronous>, transform_indices = @transform_2, window_bounds = array<i64: 32, 16>}, {pipeline_mode = #tpu.pipeline_mode<synchronous>, transform_indices = @transform_3, window_bounds = array<i64: 1, 1>}, {pipeline_mode = #tpu.pipeline_mode<synchronous>, transform_indices = @transform_4, window_bounds = array<i64: 1>}]} {
    %get3A = arith.constant 0 : index
    %get3A_0 = vector.load %arg1[%get3A] : memref<2048xf32, #tpu.memory_space<vmem>>, vector<2048xf32>
    %get3A_1 = arith.constant 0 : index
    %get3A_2 = vector.load %arg2[%get3A_1] : memref<2048xf32, #tpu.memory_space<vmem>>, vector<2048xf32>
    %log3A = math.log %get3A_2 : vector<2048xf32>
    %mul3A = arith.mulf %get3A_0, %log3A : vector<2048xf32>
    %reduce_sum3A = vector.shape_cast %mul3A : vector<2048xf32> to vector<1x2048xf32>
    %reduce_sum3A_3 = arith.constant dense<0.000000e+00> : vector<1xf32>
    %reduce_sum3A_4 = vector.multi_reduction <add>, %reduce_sum3A, %reduce_sum3A_3 [1] : vector<1x2048xf32> to vector<1xf32>
    %reduce_sum3A_5 = vector.shape_cast %reduce_sum3A_4 : vector<1xf32> to vector<1x1xf32>
    %reduce_sum3A_6 = vector.extract %reduce_sum3A_5[0, 0] : f32 from vector<1x1xf32>
    %broadcast_in_dim3A = vector.broadcast %reduce_sum3A_6 : f32 to vector<1xf32>
    %mul3A_7 = arith.constant 6.10351563E-5 : f32
    %mul3A_8 = vector.broadcast %mul3A_7 : f32 to vector<1xf32>
    %mul3A_9 = arith.mulf %broadcast_in_dim3A, %mul3A_8 : vector<1xf32>
    %eq3A = arith.constant 0 : i32
    %eq3A_10 = arith.cmpi eq, %arg0, %eq3A : i32
    %convert_element_type3A = arith.extui %eq3A_10 : i1 to i32
    %cond3A = arith.constant 0 : i32
    %cond3A_11 = arith.cmpi ne, %convert_element_type3A, %cond3A : i32
    scf.if %cond3A_11 {
      %get3A_15 = arith.constant 0 : index
      %get3A_16 = arith.constant 0 : index
      %get3A_17 = vector.load %arg3[%get3A_15, %get3A_16] : memref<32x16xf32, #tpu.memory_space<vmem>>, vector<32x16xf32>
      %reduce_sum3A_18 = vector.shape_cast %get3A_17 : vector<32x16xf32> to vector<1x32x16xf32>
      %reduce_sum3A_19 = arith.constant dense<0.000000e+00> : vector<1xf32>
      %reduce_sum3A_20 = vector.multi_reduction <add>, %reduce_sum3A_18, %reduce_sum3A_19 [1, 2] : vector<1x32x16xf32> to vector<1xf32>
      %reduce_sum3A_21 = vector.shape_cast %reduce_sum3A_20 : vector<1xf32> to vector<1x1x1xf32>
      %reduce_sum3A_22 = vector.extract %reduce_sum3A_21[0, 0, 0] : f32 from vector<1x1x1xf32>
      %broadcast_in_dim3A_23 = vector.broadcast %reduce_sum3A_22 : f32 to vector<1x1xf32>
      %squeeze3A = vector.shape_cast %broadcast_in_dim3A_23 : vector<1x1xf32> to vector<1xf32>
      %mul3A_24 = arith.constant 6.10351563E-5 : f32
      %mul3A_25 = vector.broadcast %mul3A_24 : f32 to vector<1xf32>
      %mul3A_26 = arith.mulf %squeeze3A, %mul3A_25 : vector<1xf32>
      %get3A_27 = arith.constant 0 : index
      %get3A_28 = arith.constant 0 : index
      %get3A_29 = vector.load %arg4[%get3A_27, %get3A_28] : memref<1x1xf32, #tpu.memory_space<vmem>>, vector<1x1xf32>
      %get3A_30 = vector.shape_cast %get3A_29 : vector<1x1xf32> to vector<1xf32>
      %add3A_31 = arith.addf %mul3A_26, %get3A_30 : vector<1xf32>
      %swap3A_32 = arith.constant 0 : index
      %swap3A_33 = vector.load %arg5[%swap3A_32] : memref<1xf32, #tpu.memory_space<vmem>>, vector<1xf32>
      tpu.vector_store %arg5[%swap3A_32], %add3A_31 {strides = array<i32>} : memref<1xf32, #tpu.memory_space<vmem>>, vector<1xf32>,
    } else {
    }
    %get3A_12 = arith.constant 0 : index
    %get3A_13 = vector.load %arg5[%get3A_12] : memref<1xf32, #tpu.memory_space<vmem>>, vector<1xf32>
    %add3A = arith.addf %get3A_13, %mul3A_9 : vector<1xf32>
    %swap3A = arith.constant 0 : index
    %swap3A_14 = vector.load %arg5[%swap3A] : memref<1xf32, #tpu.memory_space<vmem>>, vector<1xf32>
    tpu.vector_store %arg5[%swap3A], %add3A {strides = array<i32>} : memref<1xf32, #tpu.memory_space<vmem>>, vector<1xf32>,
    return
  }
  func.func @transform_0(%arg0: i32) -> i32 {
    %c0_i32 = arith.constant 0 : i32
    return %arg0 : i32
  }
  func.func @transform_1(%arg0: i32) -> i32 {
    %c0_i32 = arith.constant 0 : i32
    return %arg0 : i32
  }
  func.func @transform_2(%arg0: i32) -> (i32, i32) {
    %c0_i32 = arith.constant 0 : i32
    %c0_i32_0 = arith.constant 0 : i32
    %c0_i32_1 = arith.constant 0 : i32
    return %c0_i32, %c0_i32_0 : i32, i32
  }
  func.func @transform_3(%arg0: i32) -> (i32, i32) {
    %c0_i32 = arith.constant 0 : i32
    %c0_i32_0 = arith.constant 0 : i32
    %c0_i32_1 = arith.constant 0 : i32
    return %c0_i32, %c0_i32_0 : i32, i32
  }
  func.func @transform_4(%arg0: i32) -> i32 {
    %c0_i32 = arith.constant 0 : i32
    %c0_i32_0 = arith.constant 0 : i32
    return %c0_i32 : i32
  }
}

module attributes {stable_mosaic.version = 14 : i64} {
  func.func @_tc_dense_body(%arg0: i32, %arg1: memref<1000x2048xf32, #tpu.memory_space<vmem>>, %arg2: memref<1x2048xi32, #tpu.memory_space<vmem>>, %arg3: memref<1000x1xf32, #tpu.memory_space<vmem>>, %arg4: memref<1x1xf32, #tpu.memory_space<vmem>>) attributes {dimension_semantics = [#tpu.dimension_semantics<arbitrary>], iteration_bounds = array<i64: 4>, scalar_prefetch = 0 : i64, scratch_operands = 0 : i64, tpu.core_type = #tpu.core_type<tc>, window_params = [{transform_indices = @transform_0, window_bounds = array<i64: 1000, 2048>}, {transform_indices = @transform_1, window_bounds = array<i64: 1, 2048>}, {pipeline_mode = #tpu.pipeline_mode<synchronous>, transform_indices = @transform_2, window_bounds = array<i64: 1000, 1>}, {pipeline_mode = #tpu.pipeline_mode<synchronous>, transform_indices = @transform_3, window_bounds = array<i64: 1, 1>}]} {
    %get3A = arith.constant 0 : index
    %get3A_0 = arith.constant 0 : index
    %get3A_1 = vector.load %arg1[%get3A, %get3A_0] : memref<1000x2048xf32, #tpu.memory_space<vmem>>, vector<1000x2048xf32>
    %reduce_max3A = arith.constant dense<0xFF800000> : vector<2048xf32>
    %reduce_max3A_2 = vector.multi_reduction <maximumf>, %get3A_1, %reduce_max3A [0] : vector<1000x2048xf32> to vector<2048xf32>
    %broadcast_in_dim3A = vector.shape_cast %reduce_max3A_2 : vector<2048xf32> to vector<1x2048xf32>
    %sub3A = vector.broadcast %broadcast_in_dim3A : vector<1x2048xf32> to vector<1000x2048xf32>
    %sub3A_3 = arith.subf %get3A_1, %sub3A : vector<1000x2048xf32>
    %exp3A = math.exp %sub3A_3 : vector<1000x2048xf32>
    %reduce_sum3A = arith.constant dense<0.000000e+00> : vector<2048xf32>
    %reduce_sum3A_4 = vector.multi_reduction <add>, %exp3A, %reduce_sum3A [0] : vector<1000x2048xf32> to vector<2048xf32>
    %broadcast_in_dim3A_5 = vector.shape_cast %reduce_sum3A_4 : vector<2048xf32> to vector<1x2048xf32>
    %log3A = math.log %broadcast_in_dim3A_5 : vector<1x2048xf32>
    %add3A = arith.addf %broadcast_in_dim3A, %log3A : vector<1x2048xf32>
    %iota3A = tpu.iota {dimensions = array<i32: 0>} : vector<1000x2048xi32>
    %get3A_6 = arith.constant 0 : index
    %get3A_7 = arith.constant 0 : index
    %get3A_8 = vector.load %arg2[%get3A_6, %get3A_7] : memref<1x2048xi32, #tpu.memory_space<vmem>>, vector<1x2048xi32>
    %eq3A = vector.broadcast %get3A_8 : vector<1x2048xi32> to vector<1000x2048xi32>
    %eq3A_9 = arith.cmpi eq, %iota3A, %eq3A : vector<1000x2048xi32>
    %jit3A = arith.constant 0.000000e+00 : f32
    %broadcast_in_dim3A_10 = vector.broadcast %jit3A : f32 to vector<1000x2048xf32>
    %select_n3A = arith.select %eq3A_9, %get3A_1, %broadcast_in_dim3A_10 : vector<1000x2048xi1>, vector<1000x2048xf32>
    %reduce_sum3A_11 = arith.constant dense<0.000000e+00> : vector<2048xf32>
    %reduce_sum3A_12 = vector.multi_reduction <add>, %select_n3A, %reduce_sum3A_11 [0] : vector<1000x2048xf32> to vector<2048xf32>
    %broadcast_in_dim3A_13 = vector.shape_cast %reduce_sum3A_12 : vector<2048xf32> to vector<1x2048xf32>
    %get3A_14 = arith.constant 0 : index
    %get3A_15 = arith.constant 0 : index
    %get3A_16 = vector.load %arg3[%get3A_14, %get3A_15] : memref<1000x1xf32, #tpu.memory_space<vmem>>, vector<1000x1xf32>
    %jit3A_17 = arith.constant 0.000000e+00 : f32
    %broadcast_in_dim3A_18 = vector.shape_cast %get3A_16 : vector<1000x1xf32> to vector<1000x1xf32>
    %broadcast_in_dim3A_19 = vector.broadcast %broadcast_in_dim3A_18 : vector<1000x1xf32> to vector<1000x2048xf32>
    %broadcast_in_dim3A_20 = vector.broadcast %jit3A_17 : f32 to vector<1000x2048xf32>
    %select_n3A_21 = arith.select %eq3A_9, %broadcast_in_dim3A_19, %broadcast_in_dim3A_20 : vector<1000x2048xi1>, vector<1000x2048xf32>
    %reduce_sum3A_22 = arith.constant dense<0.000000e+00> : vector<2048xf32>
    %reduce_sum3A_23 = vector.multi_reduction <add>, %select_n3A_21, %reduce_sum3A_22 [0] : vector<1000x2048xf32> to vector<2048xf32>
    %broadcast_in_dim3A_24 = vector.shape_cast %reduce_sum3A_23 : vector<2048xf32> to vector<1x2048xf32>
    %sub3A_25 = arith.subf %add3A, %broadcast_in_dim3A_13 : vector<1x2048xf32>
    %mul3A = arith.mulf %broadcast_in_dim3A_24, %sub3A_25 : vector<1x2048xf32>
    %reduce_sum3A_26 = vector.shape_cast %mul3A : vector<1x2048xf32> to vector<1x1x2048xf32>
    %reduce_sum3A_27 = arith.constant dense<0.000000e+00> : vector<1xf32>
    %reduce_sum3A_28 = vector.multi_reduction <add>, %reduce_sum3A_26, %reduce_sum3A_27 [1, 2] : vector<1x1x2048xf32> to vector<1xf32>
    %reduce_sum3A_29 = vector.shape_cast %reduce_sum3A_28 : vector<1xf32> to vector<1x1x1xf32>
    %reduce_sum3A_30 = vector.extract %reduce_sum3A_29[0, 0, 0] : f32 from vector<1x1x1xf32>
    %broadcast_in_dim3A_31 = vector.broadcast %reduce_sum3A_30 : f32 to vector<1x1xf32>
    %mul3A_32 = arith.constant 6.10351563E-5 : f32
    %mul3A_33 = vector.broadcast %mul3A_32 : f32 to vector<1x1xf32>
    %mul3A_34 = arith.mulf %broadcast_in_dim3A_31, %mul3A_33 : vector<1x1xf32>
    %eq3A_35 = arith.constant 0 : i32
    %eq3A_36 = arith.cmpi eq, %arg0, %eq3A_35 : i32
    %convert_element_type3A = arith.extui %eq3A_36 : i1 to i32
    %cond3A = arith.constant 0 : i32
    %cond3A_37 = arith.cmpi ne, %convert_element_type3A, %cond3A : i32
    scf.if %cond3A_37 {
      %broadcast_in_dim3A_44 = arith.constant 0.000000e+00 : f32
      %broadcast_in_dim3A_45 = vector.broadcast %broadcast_in_dim3A_44 : f32 to vector<1x1xf32>
      %swap3A_46 = arith.constant 0 : index
      %swap3A_47 = arith.constant 0 : index
      %swap3A_48 = vector.load %arg4[%swap3A_46, %swap3A_47] : memref<1x1xf32, #tpu.memory_space<vmem>>, vector<1x1xf32>
      tpu.vector_store %arg4[%swap3A_46, %swap3A_47], %broadcast_in_dim3A_45 {strides = array<i32>} : memref<1x1xf32, #tpu.memory_space<vmem>>, vector<1x1xf32>,
    } else {
    }
    %get3A_38 = arith.constant 0 : index
    %get3A_39 = arith.constant 0 : index
    %get3A_40 = vector.load %arg4[%get3A_38, %get3A_39] : memref<1x1xf32, #tpu.memory_space<vmem>>, vector<1x1xf32>
    %add3A_41 = arith.addf %get3A_40, %mul3A_34 : vector<1x1xf32>
    %swap3A = arith.constant 0 : index
    %swap3A_42 = arith.constant 0 : index
    %swap3A_43 = vector.load %arg4[%swap3A, %swap3A_42] : memref<1x1xf32, #tpu.memory_space<vmem>>, vector<1x1xf32>
    tpu.vector_store %arg4[%swap3A, %swap3A_42], %add3A_41 {strides = array<i32>} : memref<1x1xf32, #tpu.memory_space<vmem>>, vector<1x1xf32>,
    return
  }
  func.func @transform_0(%arg0: i32) -> (i32, i32) {
    %add3A = arith.constant 4 : i32
    %add3A_0 = arith.addi %add3A, %arg0 : i32
    %c0_i32 = arith.constant 0 : i32
    %c0_i32_1 = arith.constant 0 : i32
    return %c0_i32, %add3A_0 : i32, i32
  }
  func.func @transform_1(%arg0: i32) -> (i32, i32) {
    %add3A = arith.constant 4 : i32
    %add3A_0 = arith.addi %add3A, %arg0 : i32
    %c0_i32 = arith.constant 0 : i32
    %c0_i32_1 = arith.constant 0 : i32
    return %c0_i32, %add3A_0 : i32, i32
  }
  func.func @transform_2(%arg0: i32) -> (i32, i32) {
    %c0_i32 = arith.constant 0 : i32
    %c0_i32_0 = arith.constant 0 : i32
    %c0_i32_1 = arith.constant 0 : i32
    return %c0_i32, %c0_i32_0 : i32, i32
  }
  func.func @transform_3(%arg0: i32) -> (i32, i32) {
    %c0_i32 = arith.constant 0 : i32
    %c0_i32_0 = arith.constant 0 : i32
    %c0_i32_1 = arith.constant 0 : i32
    return %c0_i32, %c0_i32_0 : i32, i32
  }
}

</mosaic_0001>

<sc_bundles>
// kernel: kernel.5.cloned.1.call-start
scs
__scs_entry_jumppad:
0x0: {  	(pc) =	sbr.rel $0x88, $3  }
0x1: {  	(tag) =	ssettag $0x0;
	lr =	simm.s32 $0x1  }
0x2: {  	[smem:$0x3F9E] =	sst lr;
	_ =	strace $0xD0000000  }
0x3: {  	_ = 	snop  }
0x4: {  	_ = 	snop  }
0x5: {  	_ = 	snop  }
0x6: {  	_ = 	snop  }
0x7: {  	_ = 	snop  }
__scs_overlays_trampoline_lowered:
0x8: {  	[smem:$0x3FAD] =	sst s0  }
0x9: {  	[smem:$0x3FAE] =	sst s1  }
0xa: {  	[smem:$0x3FAF] =	sst s2  }
0xb: {  	[smem:$0x3FB0] =	sst s3  }
0xc: {  	[smem:$0x3FB1] =	sst s4  }
0xd: {  	[smem:$0x3FB2] =	sst s5  }
0xe: {  	[smem:$0x3FB3] =	sst s6  }
0xf: {  	[smem:$0x3FB4] =	sst s7  }
0x10: {  	[smem:$0x3FB5] =	sst s8  }
0x11: {  	[smem:$0x3FB6] =	sst s9;
	s0 =	simm.s32 @!p0 $0x0  }
0x12: {  	s1 =	sld [smem:$0x3F9C];
	s0 =	simm.s32 @p0 $0x1  }
0x13: {  	[smem:$0x3FB7] =	sst s0;
	s0 =	simm.s32 @!p1 $0x0  }
0x14: {  	s2 =	sld [smem:$0x3F9B];
	s0 =	simm.s32 @p1 $0x1  }
0x15: {  	[smem:$0x3FB8] =	sst s0;
	s0 =	simm.s32 @!p2 $0x0  }
0x16: {  	s3 =	sld [smem:$0x3FDB];
	s0 =	simm.s32 @p2 $0x1  }
0x17: {  	s4 =	simm.s32 $0x1BF5;
	[smem:$0x3FBA] =	sst s0  }
0x18: {  	s0 =	sld [smem:$0x3F9D];
	_ =	swait.ge [sflag:s4], $0x0  }
0x19: {  	s7 =	sld [smem:$0x3F9E]  }
0x1a: {  	s8 =	sadd.s32 $0xFFFFE003, lr  }
0x1b: {  	s9 =	sadd.s32 $0xFFFFFEF7, lr;
	s5 =	simm.s32 $0xFFFFFFFF;
	p2 =	slt.u32 s8, $0xFFFFF086  }
0x1c: {  	p1 =	slt.u32 s9, $0xF7A;
	s5 =	simm.s32 @!p2 $0x0  }
0x1d: {  	s5 =	simm.s32 @p1 $0x1;
	p0 =	seq.s32 s7, s2  }
0x1e: {  	s7 =	smul.u32 @!p0 $0xF7A, s2;
	p2 =	seq.s32 @!p0 s5, $0x0  }
0x1f: {  	s9 =	smul.u32 $0xF7A, s1;
	s8 =	simm.s32 @!p0 $0x1BF5;
	p2 =	por !p2, p0  }
0x20: {  	[sflag:s8] =	ssyncset.s32 @!p0 $0xFFFFF086;
	s6 =	sadd.s32 @!p0 s3, s7;
	s7 =	simm.s32 @!p0 $0x108  }
0x21: {  	s3 =	sadd.s32 s3, s9;
	s6 =	sadd.s32 @!p0 $0x88, s6;
	s7 =	simm.s32 @p2 $0x1082  }
0x22: {  	[simem:s7], [sflag:s8] =	dma.local @!p0 [hbm:s6], $0xF7A  }
0x23: {  	s9 =	sor.u32 $0xD0000000, s2;
	s6 =	simm.s32 $0x108;
	_ =	swait.ge @!p0 [sflag:s8], $0x0  }
0x24: {  	s3 =	sadd.s32 $0x88, s3;
	s6 =	simm.s32 @!p1 $0x1082;
	[sflag:s4] =	ssyncset.s32 $0xFFFFF086  }
0x25: {  	[simem:s6], [sflag:s4] =	dma.local [hbm:s3], $0xF7A  }
0x26: {  	[smem:$0x3F9E] =	sst s1;
	(tag) =	ssettag s2;
	_ =	strace s9  }
0x27: {  	s1 =	sld [smem:$0x3FAE]  }
0x28: {  	s2 =	sld [smem:$0x3FAF]  }
0x29: {  	s4 =	sld [smem:$0x3FB1]  }
0x2a: {  	p0 =	seq.s32 s5, $0x0;
	s5 =	sld [smem:$0x3FB2]  }
0x2b: {  	s6 =	sld [smem:$0x3FB3]  }
0x2c: {  	s7 =	sld [smem:$0x3FB4]  }
0x2d: {  	s3 =	simm.s32 $0x108;
	s8 =	sld [smem:$0x3FB5]  }
0x2e: {  	s3 =	simm.s32 @!p0 $0x1082;
	s9 =	sld [smem:$0x3FB6]  }
0x2f: {  	lr =	sadd.s32 s0, s3;
	s0 =	sld [smem:$0x3FAD]  }
0x30: {  	s3 =	sld [smem:$0x3FB0]  }
0x31: {  	[smem:$0x3FB9] =	sst s10  }
0x32: {  	s10 =	sld [smem:$0x3FB7];
	_ =	sdelay $0x3  }
0x33: {  	p0 =	seq.s32 s10, $0x1;
	s10 =	sld [smem:$0x3FB9];
	_ =	sdelay $0x3  }
0x34: {  	[smem:$0x3FB9] =	sst s10  }
0x35: {  	s10 =	sld [smem:$0x3FB8];
	_ =	sdelay $0x3  }
0x36: {  	p1 =	seq.s32 s10, $0x1;
	s10 =	sld [smem:$0x3FB9];
	_ =	sdelay $0x3  }
0x37: {  	[smem:$0x3FB9] =	sst s10  }
0x38: {  	s10 =	sld [smem:$0x3FBA]  }
0x39: {  	_ = 	snop;
	(pc) =	sbr.ind lr, $3  }
0x3a: {  	_ = 	snop  }
0x3b: {  	_ = 	snop  }
0x3c: {  	p2 =	seq.s32 s10, $0x1;
	s10 =	sld [smem:$0x3FB9]  }
0x3d: {  	_ =	shalt  }
0x3e: {  	_ =	shalt  }
0x3f: {  	_ =	shalt  }
0x40: {  	_ =	shalt  }
0x41: {  	_ =	shalt  }
0x42: {  	_ =	shalt  }
0x43: {  	_ =	shalt  }
0x44: {  	_ =	shalt  }
0x45: {  	_ =	shalt  }
0x46: {  	_ =	shalt  }
0x47: {  	_ =	shalt  }
0x48: {  	_ =	shalt  }
0x49: {  	_ =	shalt  }
0x4a: {  	_ =	shalt  }
0x4b: {  	_ =	shalt  }
0x4c: {  	_ =	shalt  }
0x4d: {  	_ =	shalt  }
0x4e: {  	_ =	shalt  }
0x4f: {  	_ =	shalt  }
0x50: {  	_ =	shalt  }
0x51: {  	_ =	shalt  }
0x52: {  	_ =	shalt  }
0x53: {  	_ =	shalt  }
0x54: {  	_ =	shalt  }
0x55: {  	_ =	shalt  }
0x56: {  	_ =	shalt  }
0x57: {  	_ =	shalt  }
0x58: {  	_ =	shalt  }
0x59: {  	_ =	shalt  }
0x5a: {  	_ =	shalt  }
0x5b: {  	_ =	shalt  }
0x5c: {  	_ =	shalt  }
0x5d: {  	_ =	shalt  }
0x5e: {  	_ =	shalt  }
0x5f: {  	_ =	shalt  }
0x60: {  	_ =	shalt  }
0x61: {  	_ =	shalt  }
0x62: {  	_ =	shalt  }
0x63: {  	_ =	shalt  }
0x64: {  	_ =	shalt  }
0x65: {  	_ =	shalt  }
0x66: {  	_ =	shalt  }
0x67: {  	_ =	shalt  }
0x68: {  	_ =	shalt  }
0x69: {  	_ =	shalt  }
0x6a: {  	_ =	shalt  }
0x6b: {  	_ =	shalt  }
0x6c: {  	_ =	shalt  }
0x6d: {  	_ =	shalt  }
0x6e: {  	_ =	shalt  }
0x6f: {  	_ =	shalt  }
0x70: {  	_ =	shalt  }
0x71: {  	_ =	shalt  }
0x72: {  	_ =	shalt  }
0x73: {  	_ =	shalt  }
0x74: {  	_ =	shalt  }
0x75: {  	_ =	shalt  }
0x76: {  	_ =	shalt  }
0x77: {  	_ =	shalt  }
0x78: {  	_ =	shalt  }
0x79: {  	_ =	shalt  }
0x7a: {  	_ =	shalt  }
0x7b: {  	_ =	shalt  }
0x7c: {  	_ =	shalt  }
0x7d: {  	_ =	shalt  }
0x7e: {  	_ =	shalt  }
0x7f: {  	_ =	shalt  }
0x80: {  	_ =	shalt  }
0x81: {  	_ =	shalt  }
0x82: {  	_ =	shalt  }
0x83: {  	_ =	shalt  }
0x84: {  	_ =	shalt  }
0x85: {  	_ =	shalt  }
0x86: {  	_ =	shalt  }
0x87: {  	_ =	shalt  }
.Lfunc_end0:
.L_simem_size_0:
called_computation_lowered:
.L_overlay_start_0:
0x88: {  	s2 =	sld [smem:$0x3FD9]  }
0x89: {  	s3 =	sld [smem:$0x3FFE];
	_ =	sdelay $0x1  }
0x8a: {  	s1 =	srdreg.scid  }
0x8b: {  	s0 =	sand.u32 $0x1, s1  }
0x8c: {  	s17 =	sshll.u32 s0, $0xA;
	s2 =	sadd.s32 s3, s2  }
0x8d: {  	s2 =	sadd.s32 s2, s17  }
0x8e: {  	[smem:$0x3FC5] =	sst s2  }
0x8f: {  	_ = 	snop  }
0x90: {  	s2 =	sld [smem:$0x3FC9]  }
0x91: {  	s18 =	sld [smem:$0x3FC8]  }
0x92: {  	s4 =	sld [smem:$0x3FC7];
	(tm) =	ssettm $0x1  }
0x93: {  	s5 =	sld [smem:$0x3FFB];
	_ =	sdelay $0x3  }
0x94: {  	_ =	strace s5  }
0x95: {  	s5 =	sld [smem:$0x3FFC];
	_ =	sdelay $0x3  }
0x96: {  	_ =	strace s5  }
0x97: {  	s5 =	sld [smem:$0x3FFD];
	_ =	sdelay $0x3  }
0x98: {  	_ =	strace s5  }
0x99: {  	_ =	strace $0x8FFFFFFF  }
0x9a: {  	s19 =	sld [smem:$0x3FDB];
	_ =	sdelay $0x1  }
0x9b: {  	s6 =	simm.s32 $_scs_section_size  }
0x9c: {  	s7 =	simm.s32 $_size__tile_overlayer_lowered;
	s8 =	simm.s32 $_tile_overlayer_lowered  }
0x9d: {  	s22 =	simm.s32 $0x1BFF;
	s21 =	sshll.u32 s8, $0x1;
	s5 =	sadd.s32 s6, s19  }
0x9e: {  	s9 =	simm.s32 $0x0;
	s20 =	sshll.u32 s7, $0x1;
	s7 =	sadd.s32 s21, s5  }
0x9f: {  	[timem:s9], [sflag:s22] =	dma.local [hbm:s7], s20  }
0xa0: {  	_ =	swait.ge [sflag:s22], s20  }
0xa1: {  	s6 =	ssub.s32 $0x0, s20;
	[sflag:s22] =	ssyncset.done $0x0  }
0xa2: {  	[sflag:s22] =	ssyncadd.s32 s6;
	_ =	sdelay $0x1  }
0xa3: {  	s23 =	simm.s32 $0x1B8B  }
0xa4: {  	_ =	swait.ge [sflag:s23], $0x1  }
0xa5: {  	[sflag:s23] =	ssyncset.done $0x0  }
0xa6: {  	s25 =	simm.s32 $0x1B8E;
	s24 =	sld [smem:$0x3FFE];
	[sflag:s23] =	ssyncadd.s32 $0xFFFFFFFF  }
0xa7: {  	s26 =	simm.s32 $execute0_lowered;
	[smem:$0x3FD2] =	sst s25  }
0xa8: {  	s7 =	sshll.u32 s26, $0x1;
	_ =	strace $0x80000046;
	[dreg:$0x1] =	wrdreg $0xFFFFFFFF  }
0xa9: {  	s28 =	simm.s32 $_size_execute0_lowered;
	s5 =	sadd.s32 s5, s7;
	[dreg:$0x0] =	wrdreg $0x0  }
0xaa: {  	s7 =	sshll.u32 s28, $0x1;
	[dreg:$0x2] =	wrdreg s5  }
0xab: {  	[dreg:$0x3] =	wrdreg s7  }
0xac: {  	[dreg:$0x4] =	wrdreg $0xC0  }
0xad: {  	_ =	task [dreg:s9], $0x5FFFF  }
0xae: {  	[dreg:$0x1] =	wrdreg $0xFFFFFFFF  }
0xaf: {  	[dreg:$0x0] =	wrdreg $0x60  }
0xb0: {  	[dreg:$0x2] =	wrdreg s2  }
0xb1: {  	[dreg:$0x3] =	wrdreg s18  }
0xb2: {  	[dreg:$0x4] =	wrdreg s4  }
0xb3: {  	[dreg:$0x5] =	wrdreg s24  }
0xb4: {  	[dreg:$0x6] =	wrdreg $0x9  }
0xb5: {  	_ =	task.clear_ibuf [dreg:s9], $0x7FFFF;
	_ =	strace $0x90000046  }
0xb6: {  	s29 =	simm.s32 $0x9;
	_ =	strace $0x80000048  }
0xb7: {  	_ =	swait.ge [sflag:s29], $0x1  }
0xb8: {  	[sflag:s29] =	ssyncadd.s32 $0xFFFFFFFF  }
0xb9: {  	_ =	strace $0x90000048  }
0xba: {  	_ =	sfence  }
0xbb: {  	s30 =	sld [smem:$0x0];
	_ =	sdelay $0x2  }
0xbc: {  	s31 =	sshll.u32 s1, $0xD;
	s1 =	sshrl.u32 s1, $0x2  }
0xbd: {  	s3 =	sand.u32 $0x4000, s31;
	s1 =	sadd.s32 s1, s30  }
0xbe: {  	s0 =	sor.u32 s3, s0;
	s1 =	sshll.u32 s1, $0x11  }
0xbf: {  	s0 =	sor.u32 s1, s0  }
0xc0: {  	s0 =	sadd.s32 $0x8F2B, s0  }
0xc1: {  	[sflag:s0] =	ssyncadd.remote.s32 $0x1  }
0xc2: {  	_ =	sfence.sel $0xFFFF  }
0xc3: {  	[dreg:$0x0] =	wrdreg $0xFFFFFFFF;
	(pc) =	sbr.abs _section_cstart, $3  }
0xc4: {  	[dreg:$0x1] =	wrdreg $0xFFFFFFFF  }
0xc5: {  	_ =	task.clear_ibuf [dreg:s9], $0x2FFFF;
	_ =	strace $0x9FFFFFFF  }
0xc6: {  	(tm) =	ssettm $0x7FFFFFFF  }
0xc7: {  	_ =	shalt  }
tec
execute0_lowered:
.L_overlay_start_1:
0x0: {  	(tag) =	ssettag $0x1  }
0x1: {  	s1 =	rddreg [dreg:$0x0]  }
0x2: {  	s0 =	rddreg [dreg:$0x1];
	s2 =	srdreg.scid  }
0x3: {  	s4 =	stileid.u32;
	s3 =	rddreg [dreg:$0x3]  }
0x4: {  	s14 =	simm.s32 $0x800;
	s15 =	simm.s32 $0x20000;
	s16 =	simm.s32 $0x2800  }
0x5: {  	s18 =	simm.s32 $0x3;
	s19 =	simm.s32 $0x5100;
	s20 =	simm.s32 $0x1  }
0x6: {  	s21 =	simm.s32 $0x2;
	s24 =	simm.s32 $0x5700;
	s25 =	simm.s32 $0x0  }
0x7: {  	s2 =	sand.u32 $0x1, s2;
	s5 =	sshll.u32 s4, $0x1;
	s4 =	simm.s32 $0x0  }
0x8: {  	s6 =	sor.u32 s2, s5;
	[smem:$0x7FF] =	sst s4;
	s2 =	ssub.s32 $0x2, s2  }
0x9: {  	s7 =	sshll.u32 s6, $0x5;
	_ =	strace $0x80000047;
	s5 =	sshll.u32 s6, $0x4  }
0xa: {  	s8 =	sshrl.u32 s2, $0x1;
	s9 =	sshll.u32 s6, $0x8;
	s31 =	sshll.u32 s6, $0xB  }
0xb: {  	s11 =	sadd.s32 s7, s3;
	s3 =	sadd.s32 s5, s3;
	s2 =	ssub.s32 s2, s8  }
0xc: {  	s5 =	sadd.s32 s1, s9;
	s7 =	sadd.s32 s0, s7;
	s8 =	sor.u32 $0x140000, s31  }
0xd: {  	s9 =	sor.u32 $0x1E0000, s31;
	s6 =	sadd.s32 $0x14000, s5;
	s10 =	sadd.s32 $0x1200, s11  }
0xe: {  	v0 =	vlaneseq.u32;
	s11 =	sadd.s32 $0x1600, s11;
	s12 =	sadd.s32 $0x1A00, s3;
	s13 =	smax.u32 s2, $0x1  }
.LBB2_1:
0xf: {  	[tilespmem:s4], [sflag:$0x1] =	stream.strided.gather [hbm4b:s5+s14], $0x2800, s15, s14, $0x38;
	[tilespmem:$0x5780] =	vst v63  }
0x10: {  	_ = 	snop  }
0x11: {  	[tilespmem:s16], [sflag:$0x2] =	stream.strided.gather [hbm4b:s6+s14], $0x2800, s15, s14, $0x38;
	[tilespmem:$0x5780] =	vst v63  }
0x12: {  	s0 =	simm.s32 $0x5000  }
0x13: {  	[tilespmem:s0], [sflag:$0x3] =	stream.linear.gather [hbm4b:s7+s4], $0x100, $0x38;
	[tilespmem:$0x5780] =	vst v63  }
0x14: {  	_ =	swait.ge [sflag:s18], $0x100  }
0x15: {  	[sflag:s18] =	ssyncset.done $0x0  }
0x16: {  	[sflag:s18] =	ssyncadd.s32 $0xFFFFFF00  }
0x17: {  	s31 =	rddreg [dreg:$0x2]  }
0x18: {  	[tilespmem:s19], [sflag:$0x3] =	stream.linear.gather [hbm4b:s31+s4], $0x400, $0x38;
	[tilespmem:$0x5780] =	vst v63  }
0x19: {  	_ =	swait.ge [sflag:s18], $0x400  }
0x1a: {  	[sflag:s18] =	ssyncset.done $0x0  }
0x1b: {  	[sflag:s18] =	ssyncadd.s32 $0xFFFFFC00  }
0x1c: {  	v1 =	vld [tilespmem:$0x5000];
	_ =	sdelay $0x5  }
0x1d: {  	v3 =	vimm.f32 $0.0e+00;
	v2 =	vld [tilespmem:$0x5010]  }
0x1e: {  	[tilespmem:$0x5600] =	vst v3  }
0x1f: {  	v1 =	vld.idx.msk [tilespmem:v1+s19+$0x0], $0xffff;
	_ =	sdelay $0x3  }
0x20: {  	[tilespmem:$0x5610] =	vst v3  }
0x21: {  	[tilespmem:$0x5500] =	vst v1;
	v1 =	vld [tilespmem:$0x5020]  }
0x22: {  	v2 =	vld.idx.msk [tilespmem:v2+s19+$0x0], $0xffff;
	_ =	sdelay $0x4  }
0x23: {  	[tilespmem:$0x5510] =	vst v2;
	v2 =	vld [tilespmem:$0x5030]  }
0x24: {  	[tilespmem:$0x5620] =	vst v3  }
0x25: {  	v1 =	vld.idx.msk [tilespmem:v1+s19+$0x0], $0xffff;
	_ =	sdelay $0x3  }
0x26: {  	[tilespmem:$0x5630] =	vst v3  }
0x27: {  	[tilespmem:$0x5520] =	vst v1;
	v1 =	vld [tilespmem:$0x5040]  }
0x28: {  	v2 =	vld.idx.msk [tilespmem:v2+s19+$0x0], $0xffff;
	_ =	sdelay $0x4  }
0x29: {  	[tilespmem:$0x5530] =	vst v2;
	v2 =	vld [tilespmem:$0x5050]  }
0x2a: {  	[tilespmem:$0x5640] =	vst v3  }
0x2b: {  	v1 =	vld.idx.msk [tilespmem:v1+s19+$0x0], $0xffff;
	_ =	sdelay $0x3  }
0x2c: {  	[tilespmem:$0x5650] =	vst v3  }
0x2d: {  	[tilespmem:$0x5540] =	vst v1;
	v1 =	vld [tilespmem:$0x5060]  }
0x2e: {  	v2 =	vld.idx.msk [tilespmem:v2+s19+$0x0], $0xffff;
	_ =	sdelay $0x4  }
0x2f: {  	[tilespmem:$0x5550] =	vst v2;
	v2 =	vld [tilespmem:$0x5070]  }
0x30: {  	[tilespmem:$0x5660] =	vst v3  }
0x31: {  	v1 =	vld.idx.msk [tilespmem:v1+s19+$0x0], $0xffff;
	_ =	sdelay $0x3  }
0x32: {  	[tilespmem:$0x5670] =	vst v3  }
0x33: {  	[tilespmem:$0x5560] =	vst v1;
	v1 =	vld [tilespmem:$0x5080]  }
0x34: {  	v2 =	vld.idx.msk [tilespmem:v2+s19+$0x0], $0xffff;
	_ =	sdelay $0x4  }
0x35: {  	[tilespmem:$0x5570] =	vst v2;
	v2 =	vld [tilespmem:$0x5090]  }
0x36: {  	[tilespmem:$0x5680] =	vst v3  }
0x37: {  	v1 =	vld.idx.msk [tilespmem:v1+s19+$0x0], $0xffff;
	_ =	sdelay $0x3  }
0x38: {  	[tilespmem:$0x5690] =	vst v3  }
0x39: {  	[tilespmem:$0x5580] =	vst v1;
	v1 =	vld [tilespmem:$0x50A0]  }
0x3a: {  	v2 =	vld.idx.msk [tilespmem:v2+s19+$0x0], $0xffff;
	_ =	sdelay $0x4  }
0x3b: {  	[tilespmem:$0x5590] =	vst v2;
	v2 =	vld [tilespmem:$0x50B0]  }
0x3c: {  	[tilespmem:$0x56A0] =	vst v3  }
0x3d: {  	v1 =	vld.idx.msk [tilespmem:v1+s19+$0x0], $0xffff;
	_ =	sdelay $0x3  }
0x3e: {  	[tilespmem:$0x56B0] =	vst v3  }
0x3f: {  	[tilespmem:$0x55A0] =	vst v1;
	v1 =	vld [tilespmem:$0x50C0]  }
0x40: {  	v2 =	vld.idx.msk [tilespmem:v2+s19+$0x0], $0xffff;
	_ =	sdelay $0x4  }
0x41: {  	[tilespmem:$0x55B0] =	vst v2;
	v2 =	vld [tilespmem:$0x50D0]  }
0x42: {  	[tilespmem:$0x56C0] =	vst v3  }
0x43: {  	v1 =	vld.idx.msk [tilespmem:v1+s19+$0x0], $0xffff;
	_ =	sdelay $0x3  }
0x44: {  	[tilespmem:$0x56D0] =	vst v3  }
0x45: {  	[tilespmem:$0x55C0] =	vst v1;
	v1 =	vld [tilespmem:$0x50E0]  }
0x46: {  	v2 =	vld.idx.msk [tilespmem:v2+s19+$0x0], $0xffff;
	_ =	sdelay $0x4  }
0x47: {  	[tilespmem:$0x55D0] =	vst v2;
	v2 =	vld [tilespmem:$0x50F0]  }
0x48: {  	[tilespmem:$0x56E0] =	vst v3  }
0x49: {  	v1 =	vld.idx.msk [tilespmem:v1+s19+$0x0], $0xffff;
	_ =	sdelay $0x3  }
0x4a: {  	[tilespmem:$0x56F0] =	vst v3  }
0x4b: {  	[tilespmem:$0x55E0] =	vst v1  }
0x4c: {  	v1 =	vld.idx.msk [tilespmem:v2+s19+$0x0], $0xffff;
	_ =	sdelay $0x4  }
0x4d: {  	s26 =	simm.s32 $0x0;
	[tilespmem:$0x55F0] =	vst v1  }
.LBB2_2:
0x4e: {  	_ =	swait.ge [sflag:s20], $0x2800;
	s0 =	simm.s32 $0x0  }
0x4f: {  	[sflag:s20] =	ssyncset.done $0x0;
	s2 =	sand.u32 $0x70, s0;
	s3 =	sand.u32 $0x400, s0  }
0x50: {  	[sflag:s20] =	ssyncadd.s32 $0xFFFFD800;
	s2 =	sor.u32 s2, s3  }
0x51: {  	v1 =	vld [tilespmem:s2+$0x0];
	_ =	sdelay $0x1  }
0x52: {  	v2 =	vld [tilespmem:s2+$0x80];
	_ =	sdelay $0x1  }
0x53: {  	v4 =	vld [tilespmem:s2+$0x100]  }
0x54: {  	v1 =	vadd.f32 $-1.200000000e+01, v1  }
0x55: {  	v5 =	vld [tilespmem:s2+$0x180]  }
0x56: {  	v2 =	vadd.f32 $-1.200000000e+01, v2;
	v1 =	vmul.f32 $1.442695020e+00, v1  }
0x57: {  	v6 =	vld [tilespmem:s2+$0x200]  }
0x58: {  	v4 =	vadd.f32 $-1.200000000e+01, v4;
	v2 =	vmul.f32 $1.442695020e+00, v2;
	(erf) = vpow2.f32 v1  }
0x59: {  	v1 =	vld [tilespmem:s2+$0x280]  }
0x5a: {  	v5 =	vadd.f32 $-1.200000000e+01, v5;
	v4 =	vmul.f32 $1.442695020e+00, v4;
	(erf) = vpow2.f32 v2  }
0x5b: {  	v2 =	vld [tilespmem:s2+$0x300]  }
0x5c: {  	v7 =	vld [tilespmem:s2+$0x380];
	v6 =	vadd.f32 $-1.200000000e+01, v6;
	v5 =	vmul.f32 $1.442695020e+00, v5;
	(erf) = vpow2.f32 v4;
	_ =	sdelay $0x1  }
0x5d: {  	v4 =	vmul.f32 $1.442695020e+00, v6;
	v6 =	vld [tilespmem:s2+$0x800];
	(erf) = vpow2.f32 v5;
	v1 =	vadd.f32 $-1.200000000e+01, v1;
	_ =	sdelay $0x1  }
0x5e: {  	v5 =	vld [tilespmem:s2+$0x880];
	(erf) = vpow2.f32 v4;
	v2 =	vadd.f32 $-1.200000000e+01, v2;
	v1 =	vmul.f32 $1.442695020e+00, v1  }
0x5f: {  	v4 =	vadd.f32 $-1.200000000e+01, v7;
	v7 =	vpop (erf)  }
0x60: {  	v8 =	vld [tilespmem:s2+$0x900];
	v2 =	vmul.f32 $1.442695020e+00, v2;
	(erf) = vpow2.f32 v1;
	v7 =	vadd.f32 $0.0e+00, v7  }
0x61: {  	v1 =	vadd.f32 $-1.200000000e+01, v6;
	v6 =	vpop (erf)  }
0x62: {  	v4 =	vmul.f32 $1.442695020e+00, v4;
	(erf) = vpow2.f32 v2;
	v6 =	vadd.f32 v6, v7;
	v7 =	vld [tilespmem:s2+$0x980]  }
0x63: {  	v2 =	vadd.f32 $-1.200000000e+01, v5;
	v5 =	vpop (erf)  }
0x64: {  	v1 =	vmul.f32 $1.442695020e+00, v1;
	(erf) = vpow2.f32 v4;
	v5 =	vadd.f32 v5, v6;
	v6 =	vld [tilespmem:s2+$0xA00]  }
0x65: {  	v4 =	vadd.f32 $-1.200000000e+01, v8;
	v13 =	vpop (erf)  }
0x66: {  	v14 =	vld [tilespmem:s2+$0xA80];
	v2 =	vmul.f32 $1.442695020e+00, v2;
	(erf) = vpow2.f32 v1;
	v5 =	vadd.f32 v13, v5  }
0x67: {  	v1 =	vadd.f32 $-1.200000000e+01, v7;
	v7 =	vpop (erf)  }
0x68: {  	v4 =	vmul.f32 $1.442695020e+00, v4;
	(erf) = vpow2.f32 v2;
	v5 =	vadd.f32 v7, v5;
	v7 =	vld [tilespmem:s2+$0xB00]  }
0x69: {  	v2 =	vadd.f32 $-1.200000000e+01, v6;
	v6 =	vpop (erf)  }
0x6a: {  	v1 =	vmul.f32 $1.442695020e+00, v1;
	(erf) = vpow2.f32 v4;
	v5 =	vadd.f32 v6, v5;
	v6 =	vld [tilespmem:s2+$0xB80]  }
0x6b: {  	v4 =	vadd.f32 $-1.200000000e+01, v14;
	v15 =	vpop (erf)  }
0x6c: {  	v16 =	vld [tilespmem:s2+$0x1000];
	v2 =	vmul.f32 $1.442695020e+00, v2;
	(erf) = vpow2.f32 v1;
	v5 =	vadd.f32 v15, v5  }
0x6d: {  	v1 =	vadd.f32 $-1.200000000e+01, v7;
	v7 =	vpop (erf)  }
0x6e: {  	v4 =	vmul.f32 $1.442695020e+00, v4;
	(erf) = vpow2.f32 v2;
	v5 =	vadd.f32 v7, v5;
	v7 =	vld [tilespmem:s2+$0x1080]  }
0x6f: {  	v2 =	vadd.f32 $-1.200000000e+01, v6;
	v6 =	vpop (erf)  }
0x70: {  	v1 =	vmul.f32 $1.442695020e+00, v1;
	(erf) = vpow2.f32 v4;
	v5 =	vadd.f32 v6, v5;
	v6 =	vld [tilespmem:s2+$0x1100]  }
0x71: {  	v4 =	vadd.f32 $-1.200000000e+01, v16;
	v17 =	vpop (erf)  }
0x72: {  	v18 =	vld [tilespmem:s2+$0x1180];
	v2 =	vmul.f32 $1.442695020e+00, v2;
	(erf) = vpow2.f32 v1;
	v5 =	vadd.f32 v17, v5  }
0x73: {  	v1 =	vadd.f32 $-1.200000000e+01, v7;
	v7 =	vpop (erf)  }
0x74: {  	v4 =	vmul.f32 $1.442695020e+00, v4;
	(erf) = vpow2.f32 v2;
	v5 =	vadd.f32 v7, v5;
	v7 =	vld [tilespmem:s2+$0x1200]  }
0x75: {  	v2 =	vadd.f32 $-1.200000000e+01, v6;
	v6 =	vpop (erf)  }
0x76: {  	v1 =	vmul.f32 $1.442695020e+00, v1;
	(erf) = vpow2.f32 v4;
	v5 =	vadd.f32 v6, v5;
	v6 =	vld [tilespmem:s2+$0x1280]  }
0x77: {  	v4 =	vadd.f32 $-1.200000000e+01, v18;
	v19 =	vpop (erf)  }
0x78: {  	v20 =	vld [tilespmem:s2+$0x1300];
	v2 =	vmul.f32 $1.442695020e+00, v2;
	(erf) = vpow2.f32 v1;
	v5 =	vadd.f32 v19, v5  }
0x79: {  	v1 =	vadd.f32 $-1.200000000e+01, v7;
	v7 =	vpop (erf)  }
0x7a: {  	v4 =	vmul.f32 $1.442695020e+00, v4;
	(erf) = vpow2.f32 v2;
	v5 =	vadd.f32 v7, v5;
	v7 =	vld [tilespmem:s2+$0x1380]  }
0x7b: {  	v2 =	vadd.f32 $-1.200000000e+01, v6;
	v6 =	vpop (erf)  }
0x7c: {  	v1 =	vmul.f32 $1.442695020e+00, v1;
	(erf) = vpow2.f32 v4;
	v5 =	vadd.f32 v6, v5;
	v6 =	vld [tilespmem:s2+$0x1800]  }
0x7d: {  	v4 =	vadd.f32 $-1.200000000e+01, v20;
	v21 =	vpop (erf)  }
0x7e: {  	v22 =	vld [tilespmem:s2+$0x1880];
	v2 =	vmul.f32 $1.442695020e+00, v2;
	(erf) = vpow2.f32 v1;
	v5 =	vadd.f32 v21, v5  }
0x7f: {  	v1 =	vadd.f32 $-1.200000000e+01, v7;
	v7 =	vpop (erf)  }
0x80: {  	v4 =	vmul.f32 $1.442695020e+00, v4;
	(erf) = vpow2.f32 v2;
	v5 =	vadd.f32 v7, v5;
	v7 =	vld [tilespmem:s2+$0x1900]  }
0x81: {  	v2 =	vadd.f32 $-1.200000000e+01, v6;
	v6 =	vpop (erf)  }
0x82: {  	v1 =	vmul.f32 $1.442695020e+00, v1;
	(erf) = vpow2.f32 v4;
	v5 =	vadd.f32 v6, v5;
	v6 =	vld [tilespmem:s2+$0x1980]  }
0x83: {  	v4 =	vadd.f32 $-1.200000000e+01, v22;
	v23 =	vpop (erf)  }
0x84: {  	v24 =	vld [tilespmem:s2+$0x1A00];
	v2 =	vmul.f32 $1.442695020e+00, v2;
	(erf) = vpow2.f32 v1;
	v5 =	vadd.f32 v23, v5  }
0x85: {  	v1 =	vadd.f32 $-1.200000000e+01, v7;
	v7 =	vpop (erf)  }
0x86: {  	v4 =	vmul.f32 $1.442695020e+00, v4;
	(erf) = vpow2.f32 v2;
	v5 =	vadd.f32 v7, v5;
	v7 =	vld [tilespmem:s2+$0x1A80]  }
0x87: {  	v2 =	vadd.f32 $-1.200000000e+01, v6;
	v6 =	vpop (erf)  }
0x88: {  	v1 =	vmul.f32 $1.442695020e+00, v1;
	(erf) = vpow2.f32 v4;
	v5 =	vadd.f32 v6, v5;
	v6 =	vld [tilespmem:s2+$0x1B00]  }
0x89: {  	v4 =	vadd.f32 $-1.200000000e+01, v24;
	v25 =	vpop (erf)  }
0x8a: {  	v26 =	vld [tilespmem:s2+$0x1B80];
	v2 =	vmul.f32 $1.442695020e+00, v2;
	(erf) = vpow2.f32 v1;
	v5 =	vadd.f32 v25, v5  }
0x8b: {  	v1 =	vadd.f32 $-1.200000000e+01, v7;
	v7 =	vpop (erf)  }
0x8c: {  	v4 =	vmul.f32 $1.442695020e+00, v4;
	(erf) = vpow2.f32 v2;
	v5 =	vadd.f32 v7, v5;
	v7 =	vld [tilespmem:s2+$0x2000]  }
0x8d: {  	v2 =	vadd.f32 $-1.200000000e+01, v6;
	v6 =	vpop (erf)  }
0x8e: {  	v1 =	vmul.f32 $1.442695020e+00, v1;
	(erf) = vpow2.f32 v4;
	v5 =	vadd.f32 v6, v5;
	v6 =	vld [tilespmem:s2+$0x2080]  }
0x8f: {  	v4 =	vadd.f32 $-1.200000000e+01, v26;
	v27 =	vpop (erf)  }
0x90: {  	v28 =	vld [tilespmem:s2+$0x2100];
	v2 =	vmul.f32 $1.442695020e+00, v2;
	(erf) = vpow2.f32 v1;
	v5 =	vadd.f32 v27, v5  }
0x91: {  	v1 =	vadd.f32 $-1.200000000e+01, v7;
	v7 =	vpop (erf)  }
0x92: {  	v4 =	vmul.f32 $1.442695020e+00, v4;
	(erf) = vpow2.f32 v2;
	v5 =	vadd.f32 v7, v5;
	v7 =	vld [tilespmem:s2+$0x2180]  }
0x93: {  	v2 =	vadd.f32 $-1.200000000e+01, v6;
	v6 =	vpop (erf)  }
0x94: {  	v1 =	vmul.f32 $1.442695020e+00, v1;
	(erf) = vpow2.f32 v4;
	v5 =	vadd.f32 v6, v5;
	v6 =	vld [tilespmem:s2+$0x2200]  }
0x95: {  	v4 =	vadd.f32 $-1.200000000e+01, v28;
	v29 =	vpop (erf)  }
0x96: {  	v30 =	vld [tilespmem:s2+$0x2280];
	v2 =	vmul.f32 $1.442695020e+00, v2;
	(erf) = vpow2.f32 v1;
	v5 =	vadd.f32 v29, v5  }
0x97: {  	v1 =	vadd.f32 $-1.200000000e+01, v7;
	v7 =	vpop (erf)  }
0x98: {  	v4 =	vmul.f32 $1.442695020e+00, v4;
	(erf) = vpow2.f32 v2;
	v5 =	vadd.f32 v7, v5;
	v7 =	vld [tilespmem:s2+$0x2300]  }
0x99: {  	v2 =	vadd.f32 $-1.200000000e+01, v6;
	v6 =	vpop (erf)  }
0x9a: {  	v1 =	vmul.f32 $1.442695020e+00, v1;
	(erf) = vpow2.f32 v4;
	v5 =	vadd.f32 v6, v5;
	v6 =	vld [tilespmem:s2+$0x2380]  }
0x9b: {  	v4 =	vadd.f32 $-1.200000000e+01, v30;
	v31 =	vpop (erf)  }
0x9c: {  	v2 =	vmul.f32 $1.442695020e+00, v2;
	(erf) = vpow2.f32 v1;
	v5 =	vadd.f32 v31, v5  }
0x9d: {  	v4 =	vmul.f32 $1.442695020e+00, v4;
	v1 =	vadd.f32 $-1.200000000e+01, v7;
	v7 =	vpop (erf)  }
0x9e: {  	(erf) = vpow2.f32 v2;
	v5 =	vadd.f32 v7, v5  }
0x9f: {  	v2 =	vadd.f32 $-1.200000000e+01, v6;
	v6 =	vpop (erf);
	v1 =	vmul.f32 $1.442695020e+00, v1  }
0xa0: {  	(erf) = vpow2.f32 v4;
	v5 =	vadd.f32 v6, v5  }
0xa1: {  	v4 =	vpop (erf);
	v2 =	vmul.f32 $1.442695020e+00, v2  }
0xa2: {  	(erf) = vpow2.f32 v1;
	v4 =	vadd.f32 v4, v5  }
0xa3: {  	v1 =	vpop (erf)  }
0xa4: {  	(erf) = vpow2.f32 v2;
	v1 =	vadd.f32 v1, v4  }
0xa5: {  	v2 =	vpop (erf)  }
0xa6: {  	v1 =	vadd.f32 v2, v1  }
0xa7: {  	v2 =	vpop (erf)  }
0xa8: {  	v1 =	vadd.f32 v2, v1  }
0xa9: {  	v2 =	vpop (erf)  }
0xaa: {  	v1 =	vadd.f32 v2, v1  }
0xab: {  	v2 =	vpop (erf)  }
0xac: {  	v1 =	vadd.f32 v2, v1  }
0xad: {  	v2 =	vpop (erf)  }
0xae: {  	s29 =	simm.s32 $0x10;
	s3 =	simm.s32 $0x80;
	v1 =	vadd.f32 v2, v1  }
0xaf: {  	s22 =	simm.s32 $0x5600;
	s17 =	sand.u32 $0x70, s29;
	s2 =	sand.u32 $0x400, s3  }
0xb0: {  	s2 =	sor.u32 s17, s2;
	[tilespmem:s22+$0x0] =	vst.add.f32.msk $0xffff, v1  }
0xb1: {  	v1 =	vld [tilespmem:s2+$0x0];
	_ =	sdelay $0x1  }
0xb2: {  	v2 =	vld [tilespmem:s2+$0x80];
	_ =	sdelay $0x1  }
0xb3: {  	v4 =	vld [tilespmem:s2+$0x100]  }
0xb4: {  	v1 =	vadd.f32 $-1.200000000e+01, v1  }
0xb5: {  	v5 =	vld [tilespmem:s2+$0x180]  }
0xb6: {  	v2 =	vadd.f32 $-1.200000000e+01, v2;
	v1 =	vmul.f32 $1.442695020e+00, v1  }
0xb7: {  	v6 =	vld [tilespmem:s2+$0x200]  }
0xb8: {  	v4 =	vadd.f32 $-1.200000000e+01, v4;
	v2 =	vmul.f32 $1.442695020e+00, v2;
	(erf) = vpow2.f32 v1  }
0xb9: {  	v1 =	vld [tilespmem:s2+$0x280]  }
0xba: {  	v5 =	vadd.f32 $-1.200000000e+01, v5;
	v4 =	vmul.f32 $1.442695020e+00, v4;
	(erf) = vpow2.f32 v2  }
0xbb: {  	v2 =	vld [tilespmem:s2+$0x300]  }
0xbc: {  	v7 =	vld [tilespmem:s2+$0x380];
	v6 =	vadd.f32 $-1.200000000e+01, v6;
	v5 =	vmul.f32 $1.442695020e+00, v5;
	(erf) = vpow2.f32 v4;
	_ =	sdelay $0x1  }
0xbd: {  	v4 =	vmul.f32 $1.442695020e+00, v6;
	v6 =	vld [tilespmem:s2+$0x800];
	(erf) = vpow2.f32 v5;
	v1 =	vadd.f32 $-1.200000000e+01, v1;
	_ =	sdelay $0x1  }
0xbe: {  	v5 =	vld [tilespmem:s2+$0x880];
	(erf) = vpow2.f32 v4;
	v2 =	vadd.f32 $-1.200000000e+01, v2;
	v1 =	vmul.f32 $1.442695020e+00, v1  }
0xbf: {  	v4 =	vadd.f32 $-1.200000000e+01, v7;
	v7 =	vpop (erf)  }
0xc0: {  	v32 =	vld [tilespmem:s2+$0x900];
	v2 =	vmul.f32 $1.442695020e+00, v2;
	(erf) = vpow2.f32 v1;
	v7 =	vadd.f32 $0.0e+00, v7  }
0xc1: {  	v1 =	vadd.f32 $-1.200000000e+01, v6;
	v6 =	vpop (erf)  }
0xc2: {  	v4 =	vmul.f32 $1.442695020e+00, v4;
	(erf) = vpow2.f32 v2;
	v6 =	vadd.f32 v6, v7;
	v7 =	vld [tilespmem:s2+$0x980]  }
0xc3: {  	v2 =	vadd.f32 $-1.200000000e+01, v5;
	v5 =	vpop (erf)  }
0xc4: {  	v1 =	vmul.f32 $1.442695020e+00, v1;
	(erf) = vpow2.f32 v4;
	v5 =	vadd.f32 v5, v6;
	v6 =	vld [tilespmem:s2+$0xA00]  }
0xc5: {  	v4 =	vadd.f32 $-1.200000000e+01, v32;
	v33 =	vpop (erf)  }
0xc6: {  	v34 =	vld [tilespmem:s2+$0xA80];
	v2 =	vmul.f32 $1.442695020e+00, v2;
	(erf) = vpow2.f32 v1;
	v5 =	vadd.f32 v33, v5  }
0xc7: {  	v1 =	vadd.f32 $-1.200000000e+01, v7;
	v7 =	vpop (erf)  }
0xc8: {  	v4 =	vmul.f32 $1.442695020e+00, v4;
	(erf) = vpow2.f32 v2;
	v5 =	vadd.f32 v7, v5;
	v7 =	vld [tilespmem:s2+$0xB00]  }
0xc9: {  	v2 =	vadd.f32 $-1.200000000e+01, v6;
	v6 =	vpop (erf)  }
0xca: {  	v1 =	vmul.f32 $1.442695020e+00, v1;
	(erf) = vpow2.f32 v4;
	v5 =	vadd.f32 v6, v5;
	v6 =	vld [tilespmem:s2+$0xB80]  }
0xcb: {  	v4 =	vadd.f32 $-1.200000000e+01, v34;
	v35 =	vpop (erf)  }
0xcc: {  	v36 =	vld [tilespmem:s2+$0x1000];
	v2 =	vmul.f32 $1.442695020e+00, v2;
	(erf) = vpow2.f32 v1;
	v5 =	vadd.f32 v35, v5  }
0xcd: {  	v1 =	vadd.f32 $-1.200000000e+01, v7;
	v7 =	vpop (erf)  }
0xce: {  	v4 =	vmul.f32 $1.442695020e+00, v4;
	(erf) = vpow2.f32 v2;
	v5 =	vadd.f32 v7, v5;
	v7 =	vld [tilespmem:s2+$0x1080]  }
0xcf: {  	v2 =	vadd.f32 $-1.200000000e+01, v6;
	v6 =	vpop (erf)  }
0xd0: {  	v1 =	vmul.f32 $1.442695020e+00, v1;
	(erf) = vpow2.f32 v4;
	v5 =	vadd.f32 v6, v5;
	v6 =	vld [tilespmem:s2+$0x1100]  }
0xd1: {  	v4 =	vadd.f32 $-1.200000000e+01, v36;
	v37 =	vpop (erf)  }
0xd2: {  	v38 =	vld [tilespmem:s2+$0x1180];
	v2 =	vmul.f32 $1.442695020e+00, v2;
	(erf) = vpow2.f32 v1;
	v5 =	vadd.f32 v37, v5  }
0xd3: {  	v1 =	vadd.f32 $-1.200000000e+01, v7;
	v7 =	vpop (erf)  }
0xd4: {  	v4 =	vmul.f32 $1.442695020e+00, v4;
	(erf) = vpow2.f32 v2;
	v5 =	vadd.f32 v7, v5;
	v7 =	vld [tilespmem:s2+$0x1200]  }
0xd5: {  	v2 =	vadd.f32 $-1.200000000e+01, v6;
	v6 =	vpop (erf)  }
0xd6: {  	v1 =	vmul.f32 $1.442695020e+00, v1;
	(erf) = vpow2.f32 v4;
	v5 =	vadd.f32 v6, v5;
	v6 =	vld [tilespmem:s2+$0x1280]  }
0xd7: {  	v4 =	vadd.f32 $-1.200000000e+01, v38;
	v39 =	vpop (erf)  }
0xd8: {  	v40 =	vld [tilespmem:s2+$0x1300];
	v2 =	vmul.f32 $1.442695020e+00, v2;
	(erf) = vpow2.f32 v1;
	v5 =	vadd.f32 v39, v5  }
0xd9: {  	v1 =	vadd.f32 $-1.200000000e+01, v7;
	v7 =	vpop (erf)  }
0xda: {  	v4 =	vmul.f32 $1.442695020e+00, v4;
	(erf) = vpow2.f32 v2;
	v5 =	vadd.f32 v7, v5;
	v7 =	vld [tilespmem:s2+$0x1380]  }
0xdb: {  	v2 =	vadd.f32 $-1.200000000e+01, v6;
	v6 =	vpop (erf)  }
0xdc: {  	v1 =	vmul.f32 $1.442695020e+00, v1;
	(erf) = vpow2.f32 v4;
	v5 =	vadd.f32 v6, v5;
	v6 =	vld [tilespmem:s2+$0x1800]  }
0xdd: {  	v4 =	vadd.f32 $-1.200000000e+01, v40;
	v41 =	vpop (erf)  }
0xde: {  	v42 =	vld [tilespmem:s2+$0x1880];
	v2 =	vmul.f32 $1.442695020e+00, v2;
	(erf) = vpow2.f32 v1;
	v5 =	vadd.f32 v41, v5  }
0xdf: {  	v1 =	vadd.f32 $-1.200000000e+01, v7;
	v7 =	vpop (erf)  }
0xe0: {  	v4 =	vmul.f32 $1.442695020e+00, v4;
	(erf) = vpow2.f32 v2;
	v5 =	vadd.f32 v7, v5;
	v7 =	vld [tilespmem:s2+$0x1900]  }
0xe1: {  	v2 =	vadd.f32 $-1.200000000e+01, v6;
	v6 =	vpop (erf)  }
0xe2: {  	v1 =	vmul.f32 $1.442695020e+00, v1;
	(erf) = vpow2.f32 v4;
	v5 =	vadd.f32 v6, v5;
	v6 =	vld [tilespmem:s2+$0x1980]  }
0xe3: {  	v4 =	vadd.f32 $-1.200000000e+01, v42;
	v43 =	vpop (erf)  }
0xe4: {  	v44 =	vld [tilespmem:s2+$0x1A00];
	v2 =	vmul.f32 $1.442695020e+00, v2;
	(erf) = vpow2.f32 v1;
	v5 =	vadd.f32 v43, v5  }
0xe5: {  	v1 =	vadd.f32 $-1.200000000e+01, v7;
	v7 =	vpop (erf)  }
0xe6: {  	v4 =	vmul.f32 $1.442695020e+00, v4;
	(erf) = vpow2.f32 v2;
	v5 =	vadd.f32 v7, v5;
	v7 =	vld [tilespmem:s2+$0x1A80]  }
0xe7: {  	v2 =	vadd.f32 $-1.200000000e+01, v6;
	v6 =	vpop (erf)  }
0xe8: {  	v1 =	vmul.f32 $1.442695020e+00, v1;
	(erf) = vpow2.f32 v4;
	v5 =	vadd.f32 v6, v5  }
0xe9: {  	v4 =	vadd.f32 $-1.200000000e+01, v44;
	v6 =	vld [tilespmem:s2+$0x1B00];
	v45 =	vpop (erf)  }
0xea: {  	s30 =	simm.s32 $0x5000;
	v10 =	vld [tilespmem:s2+$0x1B80];
	v46 =	vmul.f32 $1.442695020e+00, v2;
	(erf) = vpow2.f32 v1;
	v5 =	vadd.f32 v45, v5  }
0xeb: {  	v9 =	vld [tilespmem:s30+$0x0];
	v4 =	vmul.f32 $1.442695020e+00, v4;
	v1 =	vadd.f32 $-1.200000000e+01, v7;
	v7 =	vpop (erf)  }
0xec: {  	v48 =	vld [tilespmem:s2+$0x2080];
	(erf) = vpow2.f32 v46;
	v5 =	vadd.f32 v7, v5  }
0xed: {  	v7 =	vld [tilespmem:s2+$0x2000];
	v11 =	vpop (erf);
	(erf) = vpow2.f32 v4  }
0xee: {  	v52 =	vld [tilespmem:s2+$0x2180];
	v6 =	vadd.f32 $-1.200000000e+01, v6;
	v1 =	vmul.f32 $1.442695020e+00, v1;
	v5 =	vadd.f32 v11, v5  }
0xef: {  	v50 =	vld [tilespmem:s2+$0x2100];
	v4 =	vadd.f32 $-1.200000000e+01, v10;
	v49 =	vpop (erf)  }
0xf0: {  	v53 =	vld [tilespmem:s2+$0x2200];
	v6 =	vmul.f32 $1.442695020e+00, v6;
	(erf) = vpow2.f32 v1;
	v5 =	vadd.f32 v49, v5  }
0xf1: {  	s28 =	smul.u32 $0x50, s26;
	v12 =	vor.u32 s0, v0;
	v4 =	vmul.f32 $1.442695020e+00, v4;
	v51 =	vpop (erf)  }
0xf2: {  	v7 =	vadd.f32 $-1.200000000e+01, v7;
	(erf) = vpow2.f32 v6;
	v5 =	vadd.f32 v51, v5  }
0xf3: {  	v8 =	vadd.f32 $-1.200000000e+01, v52;
	v2 =	vmov s28;
	v11 =	vadd.f32 $-1.200000000e+01, v48;
	v13 =	vpop (erf)  }
0xf4: {  	(erf) = vpow2.f32 v4;
	v7 =	vmul.f32 $1.442695020e+00, v7;
	v5 =	vadd.f32 v13, v5  }
0xf5: {  	v57 =	vadd.f32 $-1.200000000e+01, v53;
	v47 =	vsub.s32 v9, v2;
	v10 =	vadd.f32 $-1.200000000e+01, v50;
	v54 =	vpop (erf)  }
0xf6: {  	v55 =	vld [tilespmem:s2+$0x2280];
	v11 =	vmul.f32 $1.442695020e+00, v11;
	(erf) = vpow2.f32 v7;
	v5 =	vadd.f32 v54, v5  }
0xf7: {  	v8 =	vmul.f32 $1.442695020e+00, v8;
	vm0 =	vgt.s32 v47, $0x0;
	v10 =	vmul.f32 $1.442695020e+00, v10;
	v14 =	vpop (erf)  }
0xf8: {  	v6 =	vmov s0;
	(erf) = vpow2.f32 v11;
	v5 =	vadd.f32 v14, v5  }
0xf9: {  	v1 =	vnsel vm0, $0x0, v47;
	v4 =	vand.u32 $0x7F, v12;
	v6 =	vshll.u32 v6, $0x3;
	v58 =	vpop (erf)  }
0xfa: {  	v56 =	vld [tilespmem:s2+$0x2300];
	v6 =	vand.u32 $0x400, v6;
	(erf) = vpow2.f32 v10;
	v5 =	vadd.f32 v58, v5  }
0xfb: {  	v59 =	vld [tilespmem:s2+$0x2380];
	v1 =	vmin.u32 v1, $0x27;
	v4 =	vor.u32 v6, v4;
	v6 =	vadd.f32 $-1.200000000e+01, v55;
	v60 =	vpop (erf)  }
0xfc: {  	v61 =	vmul.f32 $1.442695020e+00, v57;
	v7 =	vshll.u32 v1, $0x8;
	v5 =	vadd.f32 v60, v5  }
0xfd: {  	v1 =	vshll.u32 v1, $0x7;
	v6 =	vmul.f32 $1.442695020e+00, v6;
	(erf) = vpow2.f32 v8;
	v62 =	vpop (erf)  }
0xfe: {  	v7 =	vand.u32 $0x3800, v7;
	v1 =	vand.u32 $0x380, v1;
	v5 =	vadd.f32 v62, v5  }
0xff: {  	v4 =	vor.u32 v7, v4;
	v7 =	vadd.f32 $-1.200000000e+01, v56;
	(erf) = vpow2.f32 v61;
	v63 =	vpop (erf)  }
0x100: {  	v1 =	vor.u32 v1, v4;
	v4 =	vadd.f32 $-1.200000000e+01, v59;
	v5 =	vadd.f32 v63, v5  }
0x101: {  	v7 =	vmul.f32 $1.442695020e+00, v7;
	(erf) = vpow2.f32 v6;
	v6 =	vpop (erf)  }
0x102: {  	v4 =	vmul.f32 $1.442695020e+00, v4;
	v5 =	vadd.f32 v6, v5  }
0x103: {  	(erf) = vpow2.f32 v7;
	v6 =	vpop (erf)  }
0x104: {  	v5 =	vadd.f32 v6, v5  }
0x105: {  	v1 =	vld.idx.msk [tilespmem:v1+s4+$0x0], $0xffff;
	(erf) = vpow2.f32 v4  }
0x106: {  	s2 =	simm.s32 $0x5500;
	v4 =	vpop (erf)  }
0x107: {  	v6 =	vld [tilespmem:s2+$0x0];
	v4 =	vadd.f32 v4, v5  }
0x108: {  	v5 =	vpop (erf)  }
0x109: {  	v4 =	vadd.f32 v5, v4  }
0x10a: {  	v5 =	vsub.f32 $1.200000000e+01, v1;
	v7 =	vpop (erf)  }
0x10b: {  	s23 =	sadd.s32 $0x28, s28;
	v4 =	vadd.f32 v7, v4  }
0x10c: {  	v1 =	vmov s23;
	v5 =	vmul.f32 v5, v6;
	v6 =	vpop (erf)  }
0x10d: {  	vm15 =	vge.s32 v9, v2;
	vm1 =	vlt.s32 v9, v1;
	v4 =	vadd.f32 v6, v4  }
0x10e: {  	vm0 =	vmand vm15, vm1;
	v6 =	vpop (erf)  }
0x10f: {  	s31 =	simm.s32 $0x20;
	s3 =	simm.s32 $0x100;
	s17 =	simm.s32 $0x30;
	v5 =	vnsel vm0, $0x0, v5;
	v4 =	vadd.f32 v6, v4  }
0x110: {  	s22 =	sand.u32 $0x70, s31;
	s0 =	simm.s32 $0x5610;
	s23 =	sand.u32 $0x400, s3;
	v3 =	vadd.f32 v5, v3  }
.LBB2_3:
0x111: {  	p0 =	sne.s32 s17, $0xF0;
	s22 =	sor.u32 s22, s23;
	[tilespmem:s0+$0x0] =	vst.add.f32.msk $0xffff, v4  }
0x112: {  	s30 =	sadd.s32 $0x10, s30;
	v4 =	vld [tilespmem:s22+$0x0]  }
0x113: {  	v5 =	vld [tilespmem:s30+$0x0]  }
0x114: {  	s2 =	sadd.s32 $0x10, s2;
	v6 =	vld [tilespmem:s22+$0x80]  }
0x115: {  	v7 =	vld [tilespmem:s2+$0x0]  }
0x116: {  	v8 =	vld [tilespmem:s22+$0x100]  }
0x117: {  	v4 =	vadd.f32 $-1.200000000e+01, v4  }
0x118: {  	v9 =	vld [tilespmem:s22+$0x180];
	vm0 =	vge.s32 v5, v2;
	vm1 =	vlt.s32 v5, v1;
	v5 =	vsub.s32 v5, v2  }
0x119: {  	v4 =	vmul.f32 $1.442695020e+00, v4;
	v6 =	vadd.f32 $-1.200000000e+01, v6;
	vm2 =	vgt.s32 v5, $0x0  }
0x11a: {  	v11 =	vmov s29;
	v12 =	vor.u32 s29, v0;
	s29 =	smov.u32 s31;
	s31 =	smov.u32 s17;
	v10 =	vld [tilespmem:s22+$0x200];
	v5 =	vnsel vm2, $0x0, v5  }
0x11b: {  	v6 =	vmul.f32 $1.442695020e+00, v6;
	v8 =	vadd.f32 $-1.200000000e+01, v8;
	(erf) = vpow2.f32 v4  }
0x11c: {  	v12 =	vand.u32 $0x7F, v12;
	v11 =	vshll.u32 v11, $0x3;
	v5 =	vmin.u32 v5, $0x27;
	v4 =	vld [tilespmem:s22+$0x280]  }
0x11d: {  	v8 =	vmul.f32 $1.442695020e+00, v8;
	v9 =	vadd.f32 $-1.200000000e+01, v9;
	(erf) = vpow2.f32 v6  }
0x11e: {  	v11 =	vand.u32 $0x400, v11;
	v13 =	vshll.u32 v5, $0x8;
	v5 =	vshll.u32 v5, $0x7;
	v6 =	vld [tilespmem:s22+$0x300]  }
0x11f: {  	v9 =	vmul.f32 $1.442695020e+00, v9;
	v10 =	vadd.f32 $-1.200000000e+01, v10;
	v14 =	vld [tilespmem:s22+$0x380];
	(erf) = vpow2.f32 v8  }
0x120: {  	v11 =	vor.u32 v11, v12;
	v5 =	vand.u32 $0x380, v5;
	v8 =	vand.u32 $0x3800, v13  }
0x121: {  	v10 =	vmul.f32 $1.442695020e+00, v10;
	v4 =	vadd.f32 $-1.200000000e+01, v4;
	v12 =	vld [tilespmem:s22+$0x800];
	(erf) = vpow2.f32 v9  }
0x122: {  	vm0 =	vmand vm0, vm1;
	v8 =	vor.u32 v8, v11  }
0x123: {  	v4 =	vmul.f32 $1.442695020e+00, v4;
	v6 =	vadd.f32 $-1.200000000e+01, v6;
	v9 =	vld [tilespmem:s22+$0x880];
	(erf) = vpow2.f32 v10  }
0x124: {  	v5 =	vor.u32 v5, v8;
	v10 =	vadd.f32 $-1.200000000e+01, v14;
	v11 =	vpop (erf)  }
0x125: {  	v8 =	vadd.f32 $0.0e+00, v11;
	v6 =	vmul.f32 $1.442695020e+00, v6;
	v11 =	vld [tilespmem:s22+$0x900];
	(erf) = vpow2.f32 v4  }
0x126: {  	v4 =	vadd.f32 $-1.200000000e+01, v12;
	v12 =	vpop (erf)  }
0x127: {  	v10 =	vmul.f32 $1.442695020e+00, v10;
	v8 =	vadd.f32 v12, v8;
	v12 =	vld [tilespmem:s22+$0x980];
	(erf) = vpow2.f32 v6  }
0x128: {  	v6 =	vadd.f32 $-1.200000000e+01, v9;
	v9 =	vpop (erf)  }
0x129: {  	v4 =	vmul.f32 $1.442695020e+00, v4;
	v8 =	vadd.f32 v9, v8;
	v9 =	vld [tilespmem:s22+$0xA00];
	(erf) = vpow2.f32 v10  }
0x12a: {  	v10 =	vadd.f32 $-1.200000000e+01, v11;
	v11 =	vpop (erf);
	v5 =	vld.idx.msk [tilespmem:v5+s4+$0x0], $0xffff  }
0x12b: {  	v6 =	vmul.f32 $1.442695020e+00, v6;
	v8 =	vadd.f32 v11, v8;
	v11 =	vld [tilespmem:s22+$0xA80];
	(erf) = vpow2.f32 v4  }
0x12c: {  	v4 =	vadd.f32 $-1.200000000e+01, v12;
	v12 =	vpop (erf)  }
0x12d: {  	v10 =	vmul.f32 $1.442695020e+00, v10;
	v8 =	vadd.f32 v12, v8;
	v12 =	vld [tilespmem:s22+$0xB00];
	(erf) = vpow2.f32 v6  }
0x12e: {  	v6 =	vadd.f32 $-1.200000000e+01, v9;
	v9 =	vpop (erf)  }
0x12f: {  	v4 =	vmul.f32 $1.442695020e+00, v4;
	v8 =	vadd.f32 v9, v8;
	v9 =	vld [tilespmem:s22+$0xB80];
	(erf) = vpow2.f32 v10  }
0x130: {  	v5 =	vsub.f32 $1.200000000e+01, v5;
	v10 =	vadd.f32 $-1.200000000e+01, v11;
	v11 =	vpop (erf)  }
0x131: {  	v6 =	vmul.f32 $1.442695020e+00, v6;
	v8 =	vadd.f32 v11, v8;
	v11 =	vld [tilespmem:s22+$0x1000];
	(erf) = vpow2.f32 v4  }
0x132: {  	v5 =	vmul.f32 v5, v7;
	v4 =	vadd.f32 $-1.200000000e+01, v12;
	v12 =	vpop (erf)  }
0x133: {  	v7 =	vadd.f32 v12, v8;
	v8 =	vmul.f32 $1.442695020e+00, v10;
	v10 =	vld [tilespmem:s22+$0x1080];
	(erf) = vpow2.f32 v6  }
0x134: {  	v5 =	vnsel vm0, $0x0, v5;
	v6 =	vadd.f32 $-1.200000000e+01, v9;
	v9 =	vpop (erf)  }
0x135: {  	v4 =	vmul.f32 $1.442695020e+00, v4;
	v7 =	vadd.f32 v9, v7;
	v9 =	vld [tilespmem:s22+$0x1100];
	(erf) = vpow2.f32 v8  }
0x136: {  	v3 =	vadd.f32 v5, v3;
	v8 =	vadd.f32 $-1.200000000e+01, v11;
	v11 =	vpop (erf)  }
0x137: {  	v6 =	vmul.f32 $1.442695020e+00, v6;
	v5 =	vadd.f32 v11, v7;
	v7 =	vld [tilespmem:s22+$0x1180];
	(erf) = vpow2.f32 v4  }
0x138: {  	v4 =	vadd.f32 $-1.200000000e+01, v10;
	v10 =	vpop (erf)  }
0x139: {  	v11 =	vmul.f32 $1.442695020e+00, v8;
	v5 =	vadd.f32 v10, v5;
	v10 =	vld [tilespmem:s22+$0x1200];
	(erf) = vpow2.f32 v6  }
0x13a: {  	v6 =	vadd.f32 $-1.200000000e+01, v9;
	v9 =	vpop (erf)  }
0x13b: {  	v4 =	vmul.f32 $1.442695020e+00, v4;
	v5 =	vadd.f32 v9, v5;
	v9 =	vld [tilespmem:s22+$0x1280];
	(erf) = vpow2.f32 v11  }
0x13c: {  	v7 =	vadd.f32 $-1.200000000e+01, v7;
	v8 =	vpop (erf)  }
0x13d: {  	v6 =	vmul.f32 $1.442695020e+00, v6;
	v5 =	vadd.f32 v8, v5;
	v8 =	vld [tilespmem:s22+$0x1300];
	(erf) = vpow2.f32 v4  }
0x13e: {  	v4 =	vadd.f32 $-1.200000000e+01, v10;
	v10 =	vpop (erf)  }
0x13f: {  	v7 =	vmul.f32 $1.442695020e+00, v7;
	v5 =	vadd.f32 v10, v5;
	v10 =	vld [tilespmem:s22+$0x1380];
	(erf) = vpow2.f32 v6  }
0x140: {  	v6 =	vadd.f32 $-1.200000000e+01, v9;
	v9 =	vpop (erf)  }
0x141: {  	v4 =	vmul.f32 $1.442695020e+00, v4;
	v5 =	vadd.f32 v9, v5;
	v9 =	vld [tilespmem:s22+$0x1800];
	(erf) = vpow2.f32 v7  }
0x142: {  	v7 =	vadd.f32 $-1.200000000e+01, v8;
	v8 =	vpop (erf)  }
0x143: {  	v6 =	vmul.f32 $1.442695020e+00, v6;
	v5 =	vadd.f32 v8, v5;
	v8 =	vld [tilespmem:s22+$0x1880];
	(erf) = vpow2.f32 v4  }
0x144: {  	v4 =	vadd.f32 $-1.200000000e+01, v10;
	v10 =	vpop (erf)  }
0x145: {  	v7 =	vmul.f32 $1.442695020e+00, v7;
	v5 =	vadd.f32 v10, v5;
	v10 =	vld [tilespmem:s22+$0x1900];
	(erf) = vpow2.f32 v6  }
0x146: {  	v6 =	vadd.f32 $-1.200000000e+01, v9;
	v9 =	vpop (erf)  }
0x147: {  	v4 =	vmul.f32 $1.442695020e+00, v4;
	v5 =	vadd.f32 v9, v5;
	v9 =	vld [tilespmem:s22+$0x1980];
	(erf) = vpow2.f32 v7  }
0x148: {  	v7 =	vadd.f32 $-1.200000000e+01, v8;
	v8 =	vpop (erf)  }
0x149: {  	v6 =	vmul.f32 $1.442695020e+00, v6;
	v5 =	vadd.f32 v8, v5;
	v8 =	vld [tilespmem:s22+$0x1A00];
	(erf) = vpow2.f32 v4  }
0x14a: {  	v4 =	vadd.f32 $-1.200000000e+01, v10;
	v10 =	vpop (erf)  }
0x14b: {  	v7 =	vmul.f32 $1.442695020e+00, v7;
	v5 =	vadd.f32 v10, v5;
	v10 =	vld [tilespmem:s22+$0x1A80];
	(erf) = vpow2.f32 v6  }
0x14c: {  	v6 =	vadd.f32 $-1.200000000e+01, v9;
	v9 =	vpop (erf)  }
0x14d: {  	v4 =	vmul.f32 $1.442695020e+00, v4;
	v5 =	vadd.f32 v9, v5;
	v9 =	vld [tilespmem:s22+$0x1B00];
	(erf) = vpow2.f32 v7  }
0x14e: {  	v7 =	vadd.f32 $-1.200000000e+01, v8;
	v8 =	vpop (erf)  }
0x14f: {  	v6 =	vmul.f32 $1.442695020e+00, v6;
	v5 =	vadd.f32 v8, v5;
	v8 =	vld [tilespmem:s22+$0x1B80];
	(erf) = vpow2.f32 v4  }
0x150: {  	v4 =	vadd.f32 $-1.200000000e+01, v10;
	v10 =	vpop (erf)  }
0x151: {  	v7 =	vmul.f32 $1.442695020e+00, v7;
	v5 =	vadd.f32 v10, v5;
	v10 =	vld [tilespmem:s22+$0x2000];
	(erf) = vpow2.f32 v6  }
0x152: {  	v6 =	vadd.f32 $-1.200000000e+01, v9;
	v9 =	vpop (erf)  }
0x153: {  	v4 =	vmul.f32 $1.442695020e+00, v4;
	v5 =	vadd.f32 v9, v5;
	v9 =	vld [tilespmem:s22+$0x2080];
	(erf) = vpow2.f32 v7  }
0x154: {  	v7 =	vadd.f32 $-1.200000000e+01, v8;
	v8 =	vpop (erf)  }
0x155: {  	v6 =	vmul.f32 $1.442695020e+00, v6;
	v5 =	vadd.f32 v8, v5;
	v8 =	vld [tilespmem:s22+$0x2100];
	(erf) = vpow2.f32 v4  }
0x156: {  	v4 =	vadd.f32 $-1.200000000e+01, v10;
	v10 =	vpop (erf)  }
0x157: {  	v7 =	vmul.f32 $1.442695020e+00, v7;
	v5 =	vadd.f32 v10, v5;
	v10 =	vld [tilespmem:s22+$0x2180];
	(erf) = vpow2.f32 v6  }
0x158: {  	v6 =	vadd.f32 $-1.200000000e+01, v9;
	v9 =	vpop (erf)  }
0x159: {  	v4 =	vmul.f32 $1.442695020e+00, v4;
	v5 =	vadd.f32 v9, v5;
	v9 =	vld [tilespmem:s22+$0x2200];
	(erf) = vpow2.f32 v7  }
0x15a: {  	v7 =	vadd.f32 $-1.200000000e+01, v8;
	v8 =	vpop (erf)  }
0x15b: {  	v6 =	vmul.f32 $1.442695020e+00, v6;
	v5 =	vadd.f32 v8, v5;
	v8 =	vld [tilespmem:s22+$0x2280];
	(erf) = vpow2.f32 v4  }
0x15c: {  	v4 =	vadd.f32 $-1.200000000e+01, v10;
	v10 =	vpop (erf)  }
0x15d: {  	v7 =	vmul.f32 $1.442695020e+00, v7;
	v5 =	vadd.f32 v10, v5;
	v10 =	vld [tilespmem:s22+$0x2300];
	(erf) = vpow2.f32 v6  }
0x15e: {  	v6 =	vadd.f32 $-1.200000000e+01, v9;
	v9 =	vpop (erf)  }
0x15f: {  	v4 =	vmul.f32 $1.442695020e+00, v4;
	v5 =	vadd.f32 v9, v5;
	v9 =	vld [tilespmem:s22+$0x2380];
	(erf) = vpow2.f32 v7  }
0x160: {  	v7 =	vadd.f32 $-1.200000000e+01, v8;
	v8 =	vpop (erf)  }
0x161: {  	v6 =	vmul.f32 $1.442695020e+00, v6;
	v5 =	vadd.f32 v8, v5;
	(erf) = vpow2.f32 v4  }
0x162: {  	v4 =	vadd.f32 $-1.200000000e+01, v10;
	v8 =	vpop (erf)  }
0x163: {  	v10 =	vmul.f32 $1.442695020e+00, v7;
	v5 =	vadd.f32 v8, v5;
	(erf) = vpow2.f32 v6  }
0x164: {  	v6 =	vadd.f32 $-1.200000000e+01, v9;
	v8 =	vpop (erf)  }
0x165: {  	v5 =	vadd.f32 v8, v5;
	v8 =	vmul.f32 $1.442695020e+00, v4;
	(erf) = vpow2.f32 v10  }
0x166: {  	v7 =	vpop (erf)  }
0x167: {  	v6 =	vmul.f32 $1.442695020e+00, v6;
	v7 =	vadd.f32 v7, v5;
	(erf) = vpow2.f32 v8  }
0x168: {  	v4 =	vpop (erf)  }
0x169: {  	v4 =	vadd.f32 v4, v7;
	(erf) = vpow2.f32 v6  }
0x16a: {  	v5 =	vpop (erf)  }
0x16b: {  	v4 =	vadd.f32 v5, v4  }
0x16c: {  	v5 =	vpop (erf)  }
0x16d: {  	v4 =	vadd.f32 v5, v4  }
0x16e: {  	v5 =	vpop (erf)  }
0x16f: {  	v4 =	vadd.f32 v5, v4  }
.Ltmp0:
0x170: {  	v5 =	vpop (erf);
	(pc) =	sbr.rel @p0 .LBB2_3-.Ltmp0, $4  }
0x171: {  	v4 =	vadd.f32 v5, v4  }
0x172: {  	v5 =	vpop (erf)  }
0x173: {  	s3 =	sadd.s32 $0x80, s3;
	s0 =	sadd.s32 $0x10, s0;
	v4 =	vadd.f32 v5, v4  }
0x174: {  	s17 =	sadd.s32 $0x10, s17;
	s23 =	sand.u32 $0x400, s3;
	s22 =	sand.u32 $0x70, s31  }
0x175: {  	s3 =	sor.u32 s22, s23;
	[tilespmem:s0+$0x0] =	vst.add.f32.msk $0xffff, v4  }
0x176: {  	v4 =	vld [tilespmem:s3+$0x0];
	_ =	sdelay $0x1  }
0x177: {  	v5 =	vld [tilespmem:s3+$0x80];
	_ =	sdelay $0x1  }
0x178: {  	v6 =	vld [tilespmem:s3+$0x100]  }
0x179: {  	v4 =	vadd.f32 $-1.200000000e+01, v4  }
0x17a: {  	v7 =	vld [tilespmem:s3+$0x180]  }
0x17b: {  	v5 =	vadd.f32 $-1.200000000e+01, v5;
	v4 =	vmul.f32 $1.442695020e+00, v4  }
0x17c: {  	v8 =	vld [tilespmem:s3+$0x200]  }
0x17d: {  	v6 =	vadd.f32 $-1.200000000e+01, v6;
	v5 =	vmul.f32 $1.442695020e+00, v5;
	(erf) = vpow2.f32 v4  }
0x17e: {  	v4 =	vld [tilespmem:s3+$0x280]  }
0x17f: {  	v7 =	vadd.f32 $-1.200000000e+01, v7;
	v6 =	vmul.f32 $1.442695020e+00, v6;
	(erf) = vpow2.f32 v5  }
0x180: {  	v5 =	vld [tilespmem:s3+$0x300]  }
0x181: {  	v9 =	vld [tilespmem:s3+$0x380];
	v8 =	vadd.f32 $-1.200000000e+01, v8;
	v7 =	vmul.f32 $1.442695020e+00, v7;
	(erf) = vpow2.f32 v6;
	_ =	sdelay $0x1  }
0x182: {  	v6 =	vmul.f32 $1.442695020e+00, v8;
	(erf) = vpow2.f32 v7;
	v4 =	vadd.f32 $-1.200000000e+01, v4  }
0x183: {  	v50 =	vld [tilespmem:s3+$0x800]  }
0x184: {  	v7 =	vld [tilespmem:s3+$0x880];
	(erf) = vpow2.f32 v6;
	v5 =	vadd.f32 $-1.200000000e+01, v5;
	v4 =	vmul.f32 $1.442695020e+00, v4  }
0x185: {  	v6 =	vadd.f32 $-1.200000000e+01, v9;
	v51 =	vpop (erf)  }
0x186: {  	v10 =	vld [tilespmem:s3+$0x900];
	v5 =	vmul.f32 $1.442695020e+00, v5;
	(erf) = vpow2.f32 v4;
	v9 =	vadd.f32 $0.0e+00, v51  }
0x187: {  	v6 =	vmul.f32 $1.442695020e+00, v6;
	v52 =	vpop (erf)  }
0x188: {  	v53 =	vld [tilespmem:s3+$0x980];
	v4 =	vadd.f32 $-1.200000000e+01, v50;
	(erf) = vpow2.f32 v5;
	v8 =	vadd.f32 v52, v9  }
0x189: {  	v5 =	vadd.f32 $-1.200000000e+01, v7;
	v7 =	vpop (erf)  }
0x18a: {  	v54 =	vld [tilespmem:s3+$0xA00];
	v4 =	vmul.f32 $1.442695020e+00, v4;
	(erf) = vpow2.f32 v6;
	v7 =	vadd.f32 v7, v8  }
0x18b: {  	v6 =	vadd.f32 $-1.200000000e+01, v10;
	v55 =	vpop (erf)  }
0x18c: {  	v5 =	vmul.f32 $1.442695020e+00, v5;
	(erf) = vpow2.f32 v4;
	v7 =	vadd.f32 v55, v7  }
0x18d: {  	v56 =	vld [tilespmem:s3+$0xA80];
	v4 =	vadd.f32 $-1.200000000e+01, v53;
	v57 =	vpop (erf)  }
0x18e: {  	v58 =	vld [tilespmem:s3+$0xB00];
	v6 =	vmul.f32 $1.442695020e+00, v6;
	(erf) = vpow2.f32 v5;
	v7 =	vadd.f32 v57, v7  }
0x18f: {  	v5 =	vadd.f32 $-1.200000000e+01, v54;
	v59 =	vpop (erf)  }
0x190: {  	v60 =	vld [tilespmem:s3+$0xB80];
	v4 =	vmul.f32 $1.442695020e+00, v4;
	(erf) = vpow2.f32 v6;
	v7 =	vadd.f32 v59, v7  }
0x191: {  	v5 =	vmul.f32 $1.442695020e+00, v5;
	v61 =	vpop (erf)  }
0x192: {  	v62 =	vld [tilespmem:s3+$0x1000];
	v6 =	vadd.f32 $-1.200000000e+01, v56;
	(erf) = vpow2.f32 v4;
	v7 =	vadd.f32 v61, v7  }
0x193: {  	v4 =	vadd.f32 $-1.200000000e+01, v58;
	v63 =	vpop (erf)  }
0x194: {  	v12 =	vld [tilespmem:s3+$0x1080];
	v6 =	vmul.f32 $1.442695020e+00, v6;
	(erf) = vpow2.f32 v5;
	v7 =	vadd.f32 v63, v7  }
0x195: {  	v5 =	vadd.f32 $-1.200000000e+01, v60;
	v13 =	vpop (erf)  }
0x196: {  	v4 =	vmul.f32 $1.442695020e+00, v4;
	(erf) = vpow2.f32 v6;
	v7 =	vadd.f32 v13, v7  }
0x197: {  	v14 =	vld [tilespmem:s3+$0x1100];
	v6 =	vadd.f32 $-1.200000000e+01, v62;
	v15 =	vpop (erf)  }
0x198: {  	v16 =	vld [tilespmem:s3+$0x1180];
	v5 =	vmul.f32 $1.442695020e+00, v5;
	(erf) = vpow2.f32 v4;
	v7 =	vadd.f32 v15, v7  }
0x199: {  	v4 =	vadd.f32 $-1.200000000e+01, v12;
	v17 =	vpop (erf)  }
0x19a: {  	v18 =	vld [tilespmem:s3+$0x1200];
	v6 =	vmul.f32 $1.442695020e+00, v6;
	(erf) = vpow2.f32 v5;
	v7 =	vadd.f32 v17, v7  }
0x19b: {  	v4 =	vmul.f32 $1.442695020e+00, v4;
	v19 =	vpop (erf)  }
0x19c: {  	v20 =	vld [tilespmem:s3+$0x1280];
	v5 =	vadd.f32 $-1.200000000e+01, v14;
	(erf) = vpow2.f32 v6;
	v7 =	vadd.f32 v19, v7  }
0x19d: {  	v6 =	vadd.f32 $-1.200000000e+01, v16;
	v21 =	vpop (erf)  }
0x19e: {  	v22 =	vld [tilespmem:s3+$0x1300];
	v5 =	vmul.f32 $1.442695020e+00, v5;
	(erf) = vpow2.f32 v4;
	v7 =	vadd.f32 v21, v7  }
0x19f: {  	v4 =	vadd.f32 $-1.200000000e+01, v18;
	v23 =	vpop (erf)  }
0x1a0: {  	v6 =	vmul.f32 $1.442695020e+00, v6;
	(erf) = vpow2.f32 v5;
	v7 =	vadd.f32 v23, v7  }
0x1a1: {  	v24 =	vld [tilespmem:s3+$0x1380];
	v5 =	vadd.f32 $-1.200000000e+01, v20;
	v25 =	vpop (erf)  }
0x1a2: {  	v26 =	vld [tilespmem:s3+$0x1800];
	v4 =	vmul.f32 $1.442695020e+00, v4;
	(erf) = vpow2.f32 v6;
	v7 =	vadd.f32 v25, v7  }
0x1a3: {  	v6 =	vadd.f32 $-1.200000000e+01, v22;
	v27 =	vpop (erf)  }
0x1a4: {  	v28 =	vld [tilespmem:s3+$0x1880];
	v5 =	vmul.f32 $1.442695020e+00, v5;
	(erf) = vpow2.f32 v4;
	v7 =	vadd.f32 v27, v7  }
0x1a5: {  	v6 =	vmul.f32 $1.442695020e+00, v6;
	v29 =	vpop (erf)  }
0x1a6: {  	v30 =	vld [tilespmem:s3+$0x1900];
	v4 =	vadd.f32 $-1.200000000e+01, v24;
	(erf) = vpow2.f32 v5;
	v7 =	vadd.f32 v29, v7  }
0x1a7: {  	v5 =	vadd.f32 $-1.200000000e+01, v26;
	v31 =	vpop (erf)  }
0x1a8: {  	v32 =	vld [tilespmem:s3+$0x1980];
	v4 =	vmul.f32 $1.442695020e+00, v4;
	(erf) = vpow2.f32 v6;
	v7 =	vadd.f32 v31, v7  }
0x1a9: {  	v6 =	vadd.f32 $-1.200000000e+01, v28;
	v33 =	vpop (erf)  }
0x1aa: {  	v5 =	vmul.f32 $1.442695020e+00, v5;
	(erf) = vpow2.f32 v4;
	v7 =	vadd.f32 v33, v7  }
0x1ab: {  	v34 =	vld [tilespmem:s3+$0x1A00];
	v4 =	vadd.f32 $-1.200000000e+01, v30;
	v35 =	vpop (erf)  }
0x1ac: {  	v36 =	vld [tilespmem:s3+$0x1A80];
	v6 =	vmul.f32 $1.442695020e+00, v6;
	(erf) = vpow2.f32 v5;
	v7 =	vadd.f32 v35, v7  }
0x1ad: {  	v5 =	vadd.f32 $-1.200000000e+01, v32;
	v37 =	vpop (erf)  }
0x1ae: {  	v38 =	vld [tilespmem:s3+$0x1B00];
	v4 =	vmul.f32 $1.442695020e+00, v4;
	(erf) = vpow2.f32 v6;
	v7 =	vadd.f32 v37, v7  }
0x1af: {  	v5 =	vmul.f32 $1.442695020e+00, v5;
	v39 =	vpop (erf)  }
0x1b0: {  	v40 =	vld [tilespmem:s3+$0x1B80];
	v6 =	vadd.f32 $-1.200000000e+01, v34;
	(erf) = vpow2.f32 v4;
	v7 =	vadd.f32 v39, v7  }
0x1b1: {  	v4 =	vadd.f32 $-1.200000000e+01, v36;
	v41 =	vpop (erf)  }
0x1b2: {  	v42 =	vld [tilespmem:s3+$0x2000];
	v6 =	vmul.f32 $1.442695020e+00, v6;
	(erf) = vpow2.f32 v5;
	v7 =	vadd.f32 v41, v7  }
0x1b3: {  	v5 =	vadd.f32 $-1.200000000e+01, v38;
	v43 =	vpop (erf)  }
0x1b4: {  	v4 =	vmul.f32 $1.442695020e+00, v4;
	(erf) = vpow2.f32 v6;
	v7 =	vadd.f32 v43, v7  }
0x1b5: {  	v44 =	vld [tilespmem:s3+$0x2080];
	v6 =	vadd.f32 $-1.200000000e+01, v40;
	v45 =	vpop (erf)  }
0x1b6: {  	v46 =	vld [tilespmem:s3+$0x2100];
	v5 =	vmul.f32 $1.442695020e+00, v5;
	(erf) = vpow2.f32 v4;
	v7 =	vadd.f32 v45, v7  }
0x1b7: {  	v4 =	vadd.f32 $-1.200000000e+01, v42;
	v47 =	vpop (erf)  }
0x1b8: {  	v48 =	vld [tilespmem:s3+$0x2180];
	v6 =	vmul.f32 $1.442695020e+00, v6;
	(erf) = vpow2.f32 v5;
	v7 =	vadd.f32 v47, v7  }
0x1b9: {  	v4 =	vmul.f32 $1.442695020e+00, v4;
	v49 =	vpop (erf)  }
0x1ba: {  	v50 =	vld [tilespmem:s3+$0x2200];
	v5 =	vadd.f32 $-1.200000000e+01, v44;
	(erf) = vpow2.f32 v6;
	v7 =	vadd.f32 v49, v7  }
0x1bb: {  	v6 =	vadd.f32 $-1.200000000e+01, v46;
	v51 =	vpop (erf)  }
0x1bc: {  	v5 =	vmul.f32 $1.442695020e+00, v5;
	(erf) = vpow2.f32 v4;
	v7 =	vadd.f32 v51, v7  }
0x1bd: {  	v4 =	vadd.f32 $-1.200000000e+01, v48;
	v53 =	vpop (erf)  }
0x1be: {  	v52 =	vld [tilespmem:s3+$0x2280];
	v6 =	vmul.f32 $1.442695020e+00, v6;
	(erf) = vpow2.f32 v5;
	v7 =	vadd.f32 v53, v7  }
0x1bf: {  	v5 =	vadd.f32 $-1.200000000e+01, v50;
	v55 =	vpop (erf)  }
0x1c0: {  	v54 =	vld [tilespmem:s3+$0x2300];
	v56 =	vmul.f32 $1.442695020e+00, v4;
	(erf) = vpow2.f32 v6;
	v7 =	vadd.f32 v55, v7  }
0x1c1: {  	v57 =	vpop (erf)  }
0x1c2: {  	v11 =	vld [tilespmem:s3+$0x2380];
	v5 =	vmul.f32 $1.442695020e+00, v5;
	(erf) = vpow2.f32 v56;
	v7 =	vadd.f32 v57, v7  }
0x1c3: {  	v6 =	vadd.f32 $-1.200000000e+01, v52;
	v59 =	vpop (erf)  }
0x1c4: {  	s17 =	sadd.s32 $0x10, s30;
	(erf) = vpow2.f32 v5;
	v7 =	vadd.f32 v59, v7  }
0x1c5: {  	v58 =	vadd.f32 $-1.200000000e+01, v54;
	v4 =	vld [tilespmem:s17+$0x0];
	v6 =	vmul.f32 $1.442695020e+00, v6;
	v60 =	vpop (erf)  }
0x1c6: {  	v7 =	vadd.f32 v60, v7  }
0x1c7: {  	v8 =	vmul.f32 $1.442695020e+00, v58;
	v5 =	vadd.f32 $-1.200000000e+01, v11;
	(erf) = vpow2.f32 v6;
	v61 =	vpop (erf)  }
0x1c8: {  	v7 =	vadd.f32 v61, v7  }
0x1c9: {  	v5 =	vmul.f32 $1.442695020e+00, v5;
	(erf) = vpow2.f32 v8;
	v62 =	vpop (erf)  }
0x1ca: {  	v6 =	vsub.s32 v4, v2;
	v7 =	vadd.f32 v62, v7  }
0x1cb: {  	v63 =	vor.u32 s29, v0;
	vm0 =	vgt.s32 v6, $0x0;
	(erf) = vpow2.f32 v5;
	v12 =	vpop (erf)  }
0x1cc: {  	v6 =	vnsel vm0, $0x0, v6;
	v5 =	vmov s29;
	v7 =	vadd.f32 v12, v7  }
0x1cd: {  	v8 =	vand.u32 $0x7F, v63;
	v6 =	vmin.u32 v6, $0x27;
	v5 =	vshll.u32 v5, $0x3;
	v14 =	vpop (erf)  }
0x1ce: {  	v13 =	vshll.u32 v6, $0x8;
	v5 =	vand.u32 $0x400, v5;
	v7 =	vadd.f32 v14, v7  }
0x1cf: {  	v6 =	vshll.u32 v6, $0x7;
	v9 =	vand.u32 $0x3800, v13;
	v5 =	vor.u32 v5, v8  }
0x1d0: {  	v6 =	vand.u32 $0x380, v6;
	v5 =	vor.u32 v9, v5;
	v15 =	vpop (erf)  }
0x1d1: {  	v5 =	vor.u32 v6, v5;
	v6 =	vadd.f32 v15, v7  }
0x1d2: {  	v7 =	vpop (erf)  }
0x1d3: {  	v7 =	vadd.f32 v7, v6  }
0x1d4: {  	s2 =	sadd.s32 $0x10, s2;
	v16 =	vpop (erf)  }
0x1d5: {  	v6 =	vld [tilespmem:s2+$0x0];
	v8 =	vadd.f32 v16, v7  }
0x1d6: {  	s22 =	sadd.s32 $0x10, s0;
	v7 =	vld.idx.msk [tilespmem:v5+s4+$0x0], $0xffff  }
0x1d7: {  	s23 =	sadd.s32 $0x10, s17;
	[tilespmem:s22+$0x0] =	vst.add.f32.msk $0xffff, v8  }
0x1d8: {  	v5 =	vld [tilespmem:s23+$0x0];
	_ =	sdelay $0x4  }
0x1d9: {  	v17 =	vsub.s32 v5, v2  }
0x1da: {  	vm9 =	vgt.s32 v17, $0x0  }
0x1db: {  	v18 =	vmov s31;
	v8 =	vnsel vm9, $0x0, v17  }
0x1dc: {  	v19 =	vor.u32 s31, v0;
	v9 =	vshll.u32 v18, $0x3;
	v8 =	vmin.u32 v8, $0x27  }
0x1dd: {  	v10 =	vand.u32 $0x7F, v19;
	v9 =	vand.u32 $0x400, v9;
	v20 =	vshll.u32 v8, $0x8  }
0x1de: {  	v9 =	vor.u32 v9, v10;
	v8 =	vshll.u32 v8, $0x7;
	v11 =	vand.u32 $0x3800, v20  }
0x1df: {  	v8 =	vand.u32 $0x380, v8;
	v9 =	vor.u32 v11, v9  }
0x1e0: {  	s29 =	smul.u32 $0x140000, s26;
	v9 =	vor.u32 v8, v9;
	_ =	sdelay $0x1  }
0x1e1: {  	s3 =	sadd.s32 s8, s29  }
0x1e2: {  	s17 =	sshrl.u32 s3, $0x3;
	s2 =	sadd.s32 $0x10, s2  }
0x1e3: {  	s0 =	simm.s32 $0x0;
	v8 =	vld [tilespmem:s2+$0x0];
	s2 =	sadd.s32 s1, s17  }
0x1e4: {  	v9 =	vld.idx.msk [tilespmem:v9+s4+$0x0], $0xffff;
	[tilespmem:s0], [sflag:$0x1] =	stream.strided.gather [hbm4b:s2+s14], $0x2800, s15, s14, $0x38  }
0x1e5: {  	_ =	swait.ge [sflag:s21], $0x2800  }
0x1e6: {  	s22 =	sand.u32 $0x70, s0;
	s23 =	sand.u32 $0x400, s0;
	[sflag:s21] =	ssyncset.done $0x0  }
0x1e7: {  	s2 =	sor.u32 s22, s23;
	[sflag:s21] =	ssyncadd.s32 $0xFFFFD800  }
0x1e8: {  	v21 =	vld [tilespmem:s2+$0x2800];
	_ =	sdelay $0x1  }
0x1e9: {  	v22 =	vld [tilespmem:s2+$0x2880];
	_ =	sdelay $0x1  }
0x1ea: {  	v12 =	vld [tilespmem:s2+$0x2900]  }
0x1eb: {  	v10 =	vadd.f32 $-1.200000000e+01, v21  }
0x1ec: {  	v13 =	vld [tilespmem:s2+$0x2980]  }
0x1ed: {  	v11 =	vadd.f32 $-1.200000000e+01, v22;
	v10 =	vmul.f32 $1.442695020e+00, v10  }
0x1ee: {  	v14 =	vld [tilespmem:s2+$0x2A00]  }
0x1ef: {  	v12 =	vadd.f32 $-1.200000000e+01, v12;
	v11 =	vmul.f32 $1.442695020e+00, v11;
	(erf) = vpow2.f32 v10  }
0x1f0: {  	v23 =	vld [tilespmem:s2+$0x2A80]  }
0x1f1: {  	v13 =	vadd.f32 $-1.200000000e+01, v13;
	v12 =	vmul.f32 $1.442695020e+00, v12;
	(erf) = vpow2.f32 v11  }
0x1f2: {  	v24 =	vld [tilespmem:s2+$0x2B00]  }
0x1f3: {  	v15 =	vld [tilespmem:s2+$0x2B80];
	v14 =	vadd.f32 $-1.200000000e+01, v14;
	v13 =	vmul.f32 $1.442695020e+00, v13;
	(erf) = vpow2.f32 v12;
	_ =	sdelay $0x1  }
0x1f4: {  	v26 =	vld [tilespmem:s2+$0x3000];
	v25 =	vmul.f32 $1.442695020e+00, v14;
	v10 =	vadd.f32 $-1.200000000e+01, v23;
	(erf) = vpow2.f32 v13;
	_ =	sdelay $0x1  }
0x1f5: {  	v27 =	vld [tilespmem:s2+$0x3080];
	v11 =	vadd.f32 $-1.200000000e+01, v24;
	v10 =	vmul.f32 $1.442695020e+00, v10;
	(erf) = vpow2.f32 v25  }
0x1f6: {  	v28 =	vadd.f32 $-1.200000000e+01, v15;
	v29 =	vpop (erf)  }
0x1f7: {  	v16 =	vld [tilespmem:s2+$0x3100];
	v11 =	vmul.f32 $1.442695020e+00, v11;
	(erf) = vpow2.f32 v10;
	v15 =	vadd.f32 $0.0e+00, v29  }
0x1f8: {  	v30 =	vadd.f32 $-1.200000000e+01, v26;
	v31 =	vpop (erf)  }
0x1f9: {  	v32 =	vld [tilespmem:s2+$0x3180];
	v12 =	vmul.f32 $1.442695020e+00, v28;
	(erf) = vpow2.f32 v11;
	v14 =	vadd.f32 v31, v15  }
0x1fa: {  	v33 =	vadd.f32 $-1.200000000e+01, v27;
	v34 =	vpop (erf)  }
0x1fb: {  	v35 =	vld [tilespmem:s2+$0x3200];
	v10 =	vmul.f32 $1.442695020e+00, v30;
	(erf) = vpow2.f32 v12;
	v13 =	vadd.f32 v34, v14  }
0x1fc: {  	v36 =	vadd.f32 $-1.200000000e+01, v16;
	v37 =	vpop (erf)  }
0x1fd: {  	v38 =	vld [tilespmem:s2+$0x3280];
	v11 =	vmul.f32 $1.442695020e+00, v33;
	(erf) = vpow2.f32 v10;
	v13 =	vadd.f32 v37, v13  }
0x1fe: {  	v39 =	vadd.f32 $-1.200000000e+01, v32;
	v40 =	vpop (erf)  }
0x1ff: {  	v41 =	vld [tilespmem:s2+$0x3300];
	v12 =	vmul.f32 $1.442695020e+00, v36;
	(erf) = vpow2.f32 v11;
	v13 =	vadd.f32 v40, v13  }
0x200: {  	v42 =	vadd.f32 $-1.200000000e+01, v35;
	v43 =	vpop (erf)  }
0x201: {  	v44 =	vld [tilespmem:s2+$0x3380];
	v10 =	vmul.f32 $1.442695020e+00, v39;
	(erf) = vpow2.f32 v12;
	v13 =	vadd.f32 v43, v13  }
0x202: {  	v45 =	vadd.f32 $-1.200000000e+01, v38;
	v46 =	vpop (erf)  }
0x203: {  	v47 =	vld [tilespmem:s2+$0x3800];
	v11 =	vmul.f32 $1.442695020e+00, v42;
	(erf) = vpow2.f32 v10;
	v13 =	vadd.f32 v46, v13  }
0x204: {  	v48 =	vadd.f32 $-1.200000000e+01, v41;
	v49 =	vpop (erf)  }
0x205: {  	v50 =	vld [tilespmem:s2+$0x3880];
	v12 =	vmul.f32 $1.442695020e+00, v45;
	(erf) = vpow2.f32 v11;
	v13 =	vadd.f32 v49, v13  }
0x206: {  	v51 =	vadd.f32 $-1.200000000e+01, v44;
	v52 =	vpop (erf)  }
0x207: {  	v53 =	vld [tilespmem:s2+$0x3900];
	v10 =	vmul.f32 $1.442695020e+00, v48;
	(erf) = vpow2.f32 v12;
	v13 =	vadd.f32 v52, v13  }
0x208: {  	v54 =	vadd.f32 $-1.200000000e+01, v47;
	v55 =	vpop (erf)  }
0x209: {  	v56 =	vld [tilespmem:s2+$0x3980];
	v11 =	vmul.f32 $1.442695020e+00, v51;
	(erf) = vpow2.f32 v10;
	v13 =	vadd.f32 v55, v13  }
0x20a: {  	v57 =	vadd.f32 $-1.200000000e+01, v50;
	v58 =	vpop (erf)  }
0x20b: {  	v59 =	vld [tilespmem:s2+$0x3A00];
	v12 =	vmul.f32 $1.442695020e+00, v54;
	(erf) = vpow2.f32 v11;
	v13 =	vadd.f32 v58, v13  }
0x20c: {  	v60 =	vadd.f32 $-1.200000000e+01, v53;
	v61 =	vpop (erf)  }
0x20d: {  	v62 =	vld [tilespmem:s2+$0x3A80];
	v10 =	vmul.f32 $1.442695020e+00, v57;
	(erf) = vpow2.f32 v12;
	v13 =	vadd.f32 v61, v13  }
0x20e: {  	v63 =	vadd.f32 $-1.200000000e+01, v56;
	v20 =	vpop (erf)  }
0x20f: {  	v21 =	vld [tilespmem:s2+$0x3B00];
	v11 =	vmul.f32 $1.442695020e+00, v60;
	(erf) = vpow2.f32 v10;
	v13 =	vadd.f32 v20, v13  }
0x210: {  	v22 =	vadd.f32 $-1.200000000e+01, v59;
	v23 =	vpop (erf)  }
0x211: {  	v24 =	vld [tilespmem:s2+$0x3B80];
	v12 =	vmul.f32 $1.442695020e+00, v63;
	(erf) = vpow2.f32 v11;
	v13 =	vadd.f32 v23, v13  }
0x212: {  	v25 =	vadd.f32 $-1.200000000e+01, v62;
	v26 =	vpop (erf)  }
0x213: {  	v27 =	vld [tilespmem:s2+$0x4000];
	v10 =	vmul.f32 $1.442695020e+00, v22;
	(erf) = vpow2.f32 v12;
	v13 =	vadd.f32 v26, v13  }
0x214: {  	v28 =	vadd.f32 $-1.200000000e+01, v21;
	v29 =	vpop (erf)  }
0x215: {  	v30 =	vld [tilespmem:s2+$0x4080];
	v11 =	vmul.f32 $1.442695020e+00, v25;
	(erf) = vpow2.f32 v10;
	v13 =	vadd.f32 v29, v13  }
0x216: {  	v31 =	vadd.f32 $-1.200000000e+01, v24;
	v32 =	vpop (erf)  }
0x217: {  	v33 =	vld [tilespmem:s2+$0x4100];
	v12 =	vmul.f32 $1.442695020e+00, v28;
	(erf) = vpow2.f32 v11;
	v13 =	vadd.f32 v32, v13  }
0x218: {  	v34 =	vadd.f32 $-1.200000000e+01, v27;
	v35 =	vpop (erf)  }
0x219: {  	v36 =	vld [tilespmem:s2+$0x4180];
	v10 =	vmul.f32 $1.442695020e+00, v31;
	(erf) = vpow2.f32 v12;
	v13 =	vadd.f32 v35, v13  }
0x21a: {  	v37 =	vadd.f32 $-1.200000000e+01, v30;
	v38 =	vpop (erf)  }
0x21b: {  	v39 =	vld [tilespmem:s2+$0x4200];
	v11 =	vmul.f32 $1.442695020e+00, v34;
	(erf) = vpow2.f32 v10;
	v13 =	vadd.f32 v38, v13  }
0x21c: {  	v40 =	vadd.f32 $-1.200000000e+01, v33;
	v41 =	vpop (erf)  }
0x21d: {  	v42 =	vld [tilespmem:s2+$0x4280];
	v12 =	vmul.f32 $1.442695020e+00, v37;
	(erf) = vpow2.f32 v11;
	v13 =	vadd.f32 v41, v13  }
0x21e: {  	v43 =	vadd.f32 $-1.200000000e+01, v36;
	v44 =	vpop (erf)  }
0x21f: {  	v45 =	vld [tilespmem:s2+$0x4300];
	v10 =	vmul.f32 $1.442695020e+00, v40;
	(erf) = vpow2.f32 v12;
	v13 =	vadd.f32 v44, v13  }
0x220: {  	v46 =	vadd.f32 $-1.200000000e+01, v39;
	v47 =	vpop (erf)  }
0x221: {  	v48 =	vld [tilespmem:s2+$0x4380];
	v11 =	vmul.f32 $1.442695020e+00, v43;
	(erf) = vpow2.f32 v10;
	v13 =	vadd.f32 v47, v13  }
0x222: {  	v49 =	vadd.f32 $-1.200000000e+01, v42;
	v50 =	vpop (erf)  }
0x223: {  	v51 =	vld [tilespmem:s2+$0x4800];
	v12 =	vmul.f32 $1.442695020e+00, v46;
	(erf) = vpow2.f32 v11;
	v13 =	vadd.f32 v50, v13  }
0x224: {  	v52 =	vadd.f32 $-1.200000000e+01, v45;
	v53 =	vpop (erf)  }
0x225: {  	v54 =	vld [tilespmem:s2+$0x4880];
	v10 =	vmul.f32 $1.442695020e+00, v49;
	(erf) = vpow2.f32 v12;
	v13 =	vadd.f32 v53, v13  }
0x226: {  	v55 =	vadd.f32 $-1.200000000e+01, v48;
	v56 =	vpop (erf)  }
0x227: {  	v57 =	vld [tilespmem:s2+$0x4900];
	v11 =	vmul.f32 $1.442695020e+00, v52;
	(erf) = vpow2.f32 v10;
	v13 =	vadd.f32 v56, v13  }
0x228: {  	v58 =	vadd.f32 $-1.200000000e+01, v51;
	v59 =	vpop (erf)  }
0x229: {  	v60 =	vld [tilespmem:s2+$0x4980];
	v12 =	vmul.f32 $1.442695020e+00, v55;
	(erf) = vpow2.f32 v11;
	v13 =	vadd.f32 v59, v13  }
0x22a: {  	v61 =	vadd.f32 $-1.200000000e+01, v54;
	v62 =	vpop (erf)  }
0x22b: {  	v63 =	vld [tilespmem:s2+$0x4A00];
	v10 =	vmul.f32 $1.442695020e+00, v58;
	(erf) = vpow2.f32 v12;
	v13 =	vadd.f32 v62, v13  }
0x22c: {  	v20 =	vadd.f32 $-1.200000000e+01, v57;
	v21 =	vpop (erf)  }
0x22d: {  	v22 =	vld [tilespmem:s2+$0x4A80];
	v11 =	vmul.f32 $1.442695020e+00, v61;
	(erf) = vpow2.f32 v10;
	v13 =	vadd.f32 v21, v13  }
0x22e: {  	v23 =	vadd.f32 $-1.200000000e+01, v60;
	v24 =	vpop (erf)  }
0x22f: {  	v25 =	vld [tilespmem:s2+$0x4B00];
	v12 =	vmul.f32 $1.442695020e+00, v20;
	(erf) = vpow2.f32 v11;
	v13 =	vadd.f32 v24, v13  }
0x230: {  	v26 =	vadd.f32 $-1.200000000e+01, v63;
	v27 =	vpop (erf)  }
0x231: {  	v28 =	vld [tilespmem:s2+$0x4B80];
	v10 =	vmul.f32 $1.442695020e+00, v23;
	(erf) = vpow2.f32 v12;
	v13 =	vadd.f32 v27, v13  }
0x232: {  	v29 =	vadd.f32 $-1.200000000e+01, v22;
	v30 =	vpop (erf)  }
0x233: {  	v11 =	vmul.f32 $1.442695020e+00, v26;
	(erf) = vpow2.f32 v10;
	v13 =	vadd.f32 v30, v13  }
0x234: {  	v31 =	vadd.f32 $-1.200000000e+01, v25;
	v32 =	vpop (erf)  }
0x235: {  	v12 =	vmul.f32 $1.442695020e+00, v29;
	(erf) = vpow2.f32 v11;
	v13 =	vadd.f32 v32, v13  }
0x236: {  	v33 =	vadd.f32 $-1.200000000e+01, v28;
	v34 =	vpop (erf)  }
0x237: {  	v10 =	vmul.f32 $1.442695020e+00, v31;
	(erf) = vpow2.f32 v12;
	v13 =	vadd.f32 v34, v13  }
0x238: {  	v35 =	vpop (erf)  }
0x239: {  	v11 =	vmul.f32 $1.442695020e+00, v33;
	(erf) = vpow2.f32 v10;
	v12 =	vadd.f32 v35, v13  }
0x23a: {  	v36 =	vpop (erf)  }
0x23b: {  	(erf) = vpow2.f32 v11;
	v10 =	vadd.f32 v36, v12  }
0x23c: {  	v37 =	vpop (erf)  }
0x23d: {  	v10 =	vadd.f32 v37, v10  }
0x23e: {  	v38 =	vpop (erf)  }
0x23f: {  	v10 =	vadd.f32 v38, v10  }
0x240: {  	v39 =	vpop (erf)  }
0x241: {  	v10 =	vadd.f32 v39, v10  }
0x242: {  	v40 =	vpop (erf)  }
0x243: {  	v10 =	vadd.f32 v40, v10  }
0x244: {  	v41 =	vpop (erf)  }
0x245: {  	s30 =	simm.s32 $0x10;
	s3 =	simm.s32 $0x80;
	v10 =	vadd.f32 v41, v10  }
0x246: {  	s17 =	sand.u32 $0x70, s30;
	s22 =	simm.s32 $0x5600;
	s2 =	sand.u32 $0x400, s3  }
0x247: {  	s2 =	sor.u32 s17, s2;
	[tilespmem:s22+$0x0] =	vst.add.f32.msk $0xffff, v10  }
0x248: {  	v10 =	vld [tilespmem:s2+$0x2800];
	_ =	sdelay $0x1  }
0x249: {  	v42 =	vld [tilespmem:s2+$0x2880];
	_ =	sdelay $0x1  }
0x24a: {  	v43 =	vld [tilespmem:s2+$0x2900]  }
0x24b: {  	v10 =	vadd.f32 $-1.200000000e+01, v10  }
0x24c: {  	v44 =	vld [tilespmem:s2+$0x2980]  }
0x24d: {  	v11 =	vadd.f32 $-1.200000000e+01, v42;
	v10 =	vmul.f32 $1.442695020e+00, v10  }
0x24e: {  	v45 =	vld [tilespmem:s2+$0x2A00]  }
0x24f: {  	v12 =	vadd.f32 $-1.200000000e+01, v43;
	v11 =	vmul.f32 $1.442695020e+00, v11;
	(erf) = vpow2.f32 v10  }
0x250: {  	v46 =	vld [tilespmem:s2+$0x2A80]  }
0x251: {  	v13 =	vadd.f32 $-1.200000000e+01, v44;
	v12 =	vmul.f32 $1.442695020e+00, v12;
	(erf) = vpow2.f32 v11  }
0x252: {  	v47 =	vld [tilespmem:s2+$0x2B00]  }
0x253: {  	v48 =	vld [tilespmem:s2+$0x2B80];
	v14 =	vadd.f32 $-1.200000000e+01, v45;
	v13 =	vmul.f32 $1.442695020e+00, v13;
	(erf) = vpow2.f32 v12;
	_ =	sdelay $0x1  }
0x254: {  	v50 =	vld [tilespmem:s2+$0x3000];
	v49 =	vmul.f32 $1.442695020e+00, v14;
	v10 =	vadd.f32 $-1.200000000e+01, v46;
	(erf) = vpow2.f32 v13;
	_ =	sdelay $0x1  }
0x255: {  	v51 =	vld [tilespmem:s2+$0x3080];
	v11 =	vadd.f32 $-1.200000000e+01, v47;
	v10 =	vmul.f32 $1.442695020e+00, v10;
	(erf) = vpow2.f32 v49  }
0x256: {  	v52 =	vadd.f32 $-1.200000000e+01, v48;
	v53 =	vpop (erf)  }
0x257: {  	v54 =	vld [tilespmem:s2+$0x3100];
	v11 =	vmul.f32 $1.442695020e+00, v11;
	(erf) = vpow2.f32 v10;
	v15 =	vadd.f32 $0.0e+00, v53  }
0x258: {  	v55 =	vadd.f32 $-1.200000000e+01, v50;
	v56 =	vpop (erf)  }
0x259: {  	v57 =	vld [tilespmem:s2+$0x3180];
	v12 =	vmul.f32 $1.442695020e+00, v52;
	(erf) = vpow2.f32 v11;
	v14 =	vadd.f32 v56, v15  }
0x25a: {  	v58 =	vadd.f32 $-1.200000000e+01, v51;
	v59 =	vpop (erf)  }
0x25b: {  	v60 =	vld [tilespmem:s2+$0x3200];
	v10 =	vmul.f32 $1.442695020e+00, v55;
	(erf) = vpow2.f32 v12;
	v13 =	vadd.f32 v59, v14  }
0x25c: {  	v61 =	vadd.f32 $-1.200000000e+01, v54;
	v62 =	vpop (erf)  }
0x25d: {  	v63 =	vld [tilespmem:s2+$0x3280];
	v11 =	vmul.f32 $1.442695020e+00, v58;
	(erf) = vpow2.f32 v10;
	v13 =	vadd.f32 v62, v13  }
0x25e: {  	v19 =	vadd.f32 $-1.200000000e+01, v57;
	v20 =	vpop (erf)  }
0x25f: {  	v21 =	vld [tilespmem:s2+$0x3300];
	v12 =	vmul.f32 $1.442695020e+00, v61;
	(erf) = vpow2.f32 v11;
	v13 =	vadd.f32 v20, v13  }
0x260: {  	v22 =	vadd.f32 $-1.200000000e+01, v60;
	v23 =	vpop (erf)  }
0x261: {  	v24 =	vld [tilespmem:s2+$0x3380];
	v10 =	vmul.f32 $1.442695020e+00, v19;
	(erf) = vpow2.f32 v12;
	v13 =	vadd.f32 v23, v13  }
0x262: {  	v25 =	vadd.f32 $-1.200000000e+01, v63;
	v26 =	vpop (erf)  }
0x263: {  	v27 =	vld [tilespmem:s2+$0x3800];
	v11 =	vmul.f32 $1.442695020e+00, v22;
	(erf) = vpow2.f32 v10;
	v13 =	vadd.f32 v26, v13  }
0x264: {  	v28 =	vadd.f32 $-1.200000000e+01, v21;
	v29 =	vpop (erf)  }
0x265: {  	v30 =	vld [tilespmem:s2+$0x3880];
	v12 =	vmul.f32 $1.442695020e+00, v25;
	(erf) = vpow2.f32 v11;
	v13 =	vadd.f32 v29, v13  }
0x266: {  	v31 =	vadd.f32 $-1.200000000e+01, v24;
	v32 =	vpop (erf)  }
0x267: {  	v33 =	vld [tilespmem:s2+$0x3900];
	v10 =	vmul.f32 $1.442695020e+00, v28;
	(erf) = vpow2.f32 v12;
	v13 =	vadd.f32 v32, v13  }
0x268: {  	v34 =	vadd.f32 $-1.200000000e+01, v27;
	v35 =	vpop (erf)  }
0x269: {  	v36 =	vld [tilespmem:s2+$0x3980];
	v11 =	vmul.f32 $1.442695020e+00, v31;
	(erf) = vpow2.f32 v10;
	v13 =	vadd.f32 v35, v13  }
0x26a: {  	v37 =	vadd.f32 $-1.200000000e+01, v30;
	v38 =	vpop (erf)  }
0x26b: {  	v39 =	vld [tilespmem:s2+$0x3A00];
	v12 =	vmul.f32 $1.442695020e+00, v34;
	(erf) = vpow2.f32 v11;
	v13 =	vadd.f32 v38, v13  }
0x26c: {  	v40 =	vadd.f32 $-1.200000000e+01, v33;
	v41 =	vpop (erf)  }
0x26d: {  	v42 =	vld [tilespmem:s2+$0x3A80];
	v10 =	vmul.f32 $1.442695020e+00, v37;
	(erf) = vpow2.f32 v12;
	v13 =	vadd.f32 v41, v13  }
0x26e: {  	v43 =	vadd.f32 $-1.200000000e+01, v36;
	v44 =	vpop (erf)  }
0x26f: {  	v45 =	vld [tilespmem:s2+$0x3B00];
	v11 =	vmul.f32 $1.442695020e+00, v40;
	(erf) = vpow2.f32 v10;
	v13 =	vadd.f32 v44, v13  }
0x270: {  	v46 =	vadd.f32 $-1.200000000e+01, v39;
	v47 =	vpop (erf)  }
0x271: {  	v48 =	vld [tilespmem:s2+$0x3B80];
	v12 =	vmul.f32 $1.442695020e+00, v43;
	(erf) = vpow2.f32 v11;
	v13 =	vadd.f32 v47, v13  }
0x272: {  	v49 =	vadd.f32 $-1.200000000e+01, v42;
	v50 =	vpop (erf)  }
0x273: {  	v51 =	vld [tilespmem:s2+$0x4000];
	v10 =	vmul.f32 $1.442695020e+00, v46;
	(erf) = vpow2.f32 v12;
	v13 =	vadd.f32 v50, v13  }
0x274: {  	v52 =	vadd.f32 $-1.200000000e+01, v45;
	v53 =	vpop (erf)  }
0x275: {  	v54 =	vld [tilespmem:s2+$0x4080];
	v11 =	vmul.f32 $1.442695020e+00, v49;
	(erf) = vpow2.f32 v10;
	v13 =	vadd.f32 v53, v13  }
0x276: {  	v55 =	vadd.f32 $-1.200000000e+01, v48;
	v56 =	vpop (erf)  }
0x277: {  	v57 =	vld [tilespmem:s2+$0x4100];
	v12 =	vmul.f32 $1.442695020e+00, v52;
	(erf) = vpow2.f32 v11;
	v13 =	vadd.f32 v56, v13  }
0x278: {  	v58 =	vadd.f32 $-1.200000000e+01, v51;
	v59 =	vpop (erf)  }
0x279: {  	v60 =	vld [tilespmem:s2+$0x4180];
	v10 =	vmul.f32 $1.442695020e+00, v55;
	(erf) = vpow2.f32 v12;
	v13 =	vadd.f32 v59, v13  }
0x27a: {  	v61 =	vadd.f32 $-1.200000000e+01, v54;
	v62 =	vpop (erf)  }
0x27b: {  	v63 =	vld [tilespmem:s2+$0x4200];
	v11 =	vmul.f32 $1.442695020e+00, v58;
	(erf) = vpow2.f32 v10;
	v13 =	vadd.f32 v62, v13  }
0x27c: {  	v18 =	vadd.f32 $-1.200000000e+01, v57;
	v19 =	vpop (erf)  }
0x27d: {  	v12 =	vmul.f32 $1.442695020e+00, v61;
	(erf) = vpow2.f32 v11;
	v13 =	vadd.f32 v19, v13  }
0x27e: {  	v21 =	vadd.f32 $-1.200000000e+01, v60;
	v20 =	vld [tilespmem:s2+$0x4280];
	v22 =	vpop (erf)  }
0x27f: {  	v23 =	vld [tilespmem:s2+$0x4300];
	v10 =	vmul.f32 $1.442695020e+00, v18;
	(erf) = vpow2.f32 v12;
	v13 =	vadd.f32 v22, v13  }
0x280: {  	v16 =	vadd.f32 $-1.200000000e+01, v63;
	v17 =	vpop (erf)  }
0x281: {  	s31 =	simm.s32 $0x5000;
	v25 =	vld [tilespmem:s2+$0x4380];
	v11 =	vmul.f32 $1.442695020e+00, v21;
	(erf) = vpow2.f32 v10;
	v13 =	vadd.f32 v17, v13  }
0x282: {  	v24 =	vld [tilespmem:s31+$0x0];
	v28 =	vmul.f32 $1.442695020e+00, v16;
	v27 =	vpop (erf)  }
0x283: {  	v37 =	vld [tilespmem:s2+$0x4900];
	v26 =	vadd.f32 $-1.200000000e+01, v20;
	(erf) = vpow2.f32 v11;
	v13 =	vadd.f32 v27, v13  }
0x284: {  	v29 =	vld [tilespmem:s2+$0x4800];
	v30 =	vadd.f32 $-1.200000000e+01, v23;
	v31 =	vpop (erf)  }
0x285: {  	v18 =	vld [tilespmem:s2+$0x4880];
	v10 =	vmul.f32 $1.442695020e+00, v26;
	(erf) = vpow2.f32 v28;
	v13 =	vadd.f32 v31, v13  }
0x286: {  	v33 =	vadd.f32 $-1.200000000e+01, v25;
	v34 =	vpop (erf)  }
0x287: {  	v11 =	vmul.f32 $1.442695020e+00, v30;
	(erf) = vpow2.f32 v10;
	v13 =	vadd.f32 v34, v13  }
0x288: {  	v48 =	vld [tilespmem:s2+$0x4A80];
	v15 =	vmul.f32 $1.442695020e+00, v33;
	v36 =	vpop (erf)  }
0x289: {  	v40 =	vld [tilespmem:s2+$0x4980];
	v35 =	vadd.f32 $-1.200000000e+01, v29;
	(erf) = vpow2.f32 v11;
	v13 =	vadd.f32 v36, v13  }
0x28a: {  	v32 =	vsub.s32 v24, v1;
	v45 =	vadd.f32 $-1.200000000e+01, v37;
	v18 =	vadd.f32 $-1.200000000e+01, v18;
	v39 =	vpop (erf)  }
0x28b: {  	v10 =	vmul.f32 $1.442695020e+00, v35;
	(erf) = vpow2.f32 v15;
	v13 =	vadd.f32 v39, v13  }
0x28c: {  	v42 =	vor.u32 s0, v0;
	vm10 =	vgt.s32 v32, $0x0;
	v43 =	vld [tilespmem:s2+$0x4A00];
	v14 =	vmul.f32 $1.442695020e+00, v45;
	v19 =	vpop (erf)  }
0x28d: {  	v46 =	vmul.f32 $1.442695020e+00, v18;
	(erf) = vpow2.f32 v10;
	v13 =	vadd.f32 v19, v13  }
0x28e: {  	v38 =	vnsel vm10, $0x0, v32;
	v16 =	vadd.f32 $-1.200000000e+01, v40;
	v18 =	vadd.f32 $-1.200000000e+01, v48;
	v47 =	vpop (erf)  }
0x28f: {  	v41 =	vmov s0;
	(erf) = vpow2.f32 v46;
	v13 =	vadd.f32 v47, v13  }
0x290: {  	v44 =	vshll.u32 v41, $0x3;
	v16 =	vmul.f32 $1.442695020e+00, v16;
	v56 =	vmul.f32 $1.442695020e+00, v18;
	v49 =	vpop (erf)  }
0x291: {  	v51 =	vld [tilespmem:s2+$0x4B00];
	(erf) = vpow2.f32 v14;
	v19 =	vadd.f32 $-1.200000000e+01, v43;
	v13 =	vadd.f32 v49, v13  }
0x292: {  	v11 =	vmin.u32 v38, $0x27;
	v15 =	vand.u32 $0x7F, v42;
	v10 =	vand.u32 $0x400, v44;
	v52 =	vpop (erf)  }
0x293: {  	v53 =	vld [tilespmem:s2+$0x4B80];
	(erf) = vpow2.f32 v16;
	v19 =	vmul.f32 $1.442695020e+00, v19;
	v13 =	vadd.f32 v52, v13  }
0x294: {  	v50 =	vshll.u32 v11, $0x8;
	v11 =	vshll.u32 v11, $0x7;
	v10 =	vor.u32 v10, v15;
	v54 =	vpop (erf)  }
0x295: {  	v15 =	vand.u32 $0x3800, v50;
	(erf) = vpow2.f32 v19;
	v13 =	vadd.f32 v54, v13  }
0x296: {  	v55 =	vadd.f32 $-1.200000000e+01, v51;
	v11 =	vand.u32 $0x380, v11;
	v10 =	vor.u32 v15, v10;
	v57 =	vpop (erf)  }
0x297: {  	v10 =	vor.u32 v11, v10;
	(erf) = vpow2.f32 v56;
	v58 =	vadd.f32 v57, v13  }
0x298: {  	v60 =	vmul.f32 $1.442695020e+00, v55;
	v59 =	vadd.f32 $-1.200000000e+01, v53;
	v61 =	vpop (erf)  }
0x299: {  	v11 =	vadd.f32 v61, v58  }
0x29a: {  	v7 =	vsub.f32 $1.200000000e+01, v7;
	v62 =	vpop (erf);
	(erf) = vpow2.f32 v60;
	v13 =	vmul.f32 $1.442695020e+00, v59  }
0x29b: {  	vm11 =	vge.s32 v4, v2;
	vm1 =	vlt.s32 v4, v1;
	v11 =	vadd.f32 v62, v11  }
0x29c: {  	v4 =	vmul.f32 v7, v6;
	v7 =	vsub.f32 $1.200000000e+01, v9;
	v10 =	vld.idx.msk [tilespmem:v10+s16+$0x0], $0xffff;
	v6 =	vpop (erf);
	(erf) = vpow2.f32 v13  }
0x29d: {  	s2 =	simm.s32 $0x5500;
	v6 =	vadd.f32 v6, v11  }
0x29e: {  	vm0 =	vmand vm11, vm1;
	vm12 =	vge.s32 v5, v2;
	v63 =	vld [tilespmem:s2+$0x0];
	v2 =	vpop (erf)  }
0x29f: {  	v4 =	vnsel vm0, $0x0, v4;
	v6 =	vadd.f32 v2, v6  }
0x2a0: {  	vm13 =	vlt.s32 v5, v1;
	v3 =	vadd.f32 v4, v3;
	v5 =	vmul.f32 v7, v8;
	v7 =	vpop (erf)  }
0x2a1: {  	vm0 =	vmand vm12, vm13;
	s23 =	sadd.s32 $0x50, s28;
	v4 =	vsub.f32 $1.200000000e+01, v10;
	v6 =	vadd.f32 v7, v6  }
0x2a2: {  	v5 =	vnsel vm0, $0x0, v5;
	v2 =	vmov s23  }
0x2a3: {  	vm14 =	vge.s32 v24, v1;
	v4 =	vmul.f32 v4, v63;
	vm15 =	vlt.s32 v24, v2;
	v7 =	vpop (erf)  }
0x2a4: {  	v3 =	vadd.f32 v5, v3;
	vm0 =	vmand vm14, vm15;
	v5 =	vadd.f32 v7, v6  }
0x2a5: {  	v4 =	vnsel vm0, $0x0, v4;
	v6 =	vpop (erf)  }
0x2a6: {  	s28 =	simm.s32 $0x20;
	s3 =	simm.s32 $0x100;
	s17 =	simm.s32 $0x30;
	v3 =	vadd.f32 v4, v3;
	v4 =	vadd.f32 v6, v5  }
0x2a7: {  	s22 =	sand.u32 $0x70, s28;
	s0 =	simm.s32 $0x5610;
	s23 =	sand.u32 $0x400, s3  }
.LBB2_5:
0x2a8: {  	p0 =	sne.s32 s17, $0xF0;
	s22 =	sor.u32 s22, s23;
	[tilespmem:s0+$0x0] =	vst.add.f32.msk $0xffff, v4  }
0x2a9: {  	s31 =	sadd.s32 $0x10, s31;
	v4 =	vld [tilespmem:s22+$0x2800]  }
0x2aa: {  	v5 =	vld [tilespmem:s31+$0x0]  }
0x2ab: {  	s2 =	sadd.s32 $0x10, s2;
	v6 =	vld [tilespmem:s22+$0x2880]  }
0x2ac: {  	v7 =	vld [tilespmem:s2+$0x0]  }
0x2ad: {  	v8 =	vld [tilespmem:s22+$0x2900]  }
0x2ae: {  	v4 =	vadd.f32 $-1.200000000e+01, v4  }
0x2af: {  	v9 =	vld [tilespmem:s22+$0x2980];
	vm0 =	vge.s32 v5, v1;
	vm1 =	vlt.s32 v5, v2;
	v5 =	vsub.s32 v5, v1  }
0x2b0: {  	v4 =	vmul.f32 $1.442695020e+00, v4;
	v6 =	vadd.f32 $-1.200000000e+01, v6;
	vm2 =	vgt.s32 v5, $0x0  }
0x2b1: {  	v11 =	vmov s30;
	v12 =	vor.u32 s30, v0;
	s30 =	smov.u32 s28;
	s28 =	smov.u32 s17;
	v10 =	vld [tilespmem:s22+$0x2A00];
	v5 =	vnsel vm2, $0x0, v5  }
0x2b2: {  	v6 =	vmul.f32 $1.442695020e+00, v6;
	v8 =	vadd.f32 $-1.200000000e+01, v8;
	(erf) = vpow2.f32 v4  }
0x2b3: {  	v12 =	vand.u32 $0x7F, v12;
	v11 =	vshll.u32 v11, $0x3;
	v5 =	vmin.u32 v5, $0x27;
	v4 =	vld [tilespmem:s22+$0x2A80]  }
0x2b4: {  	v8 =	vmul.f32 $1.442695020e+00, v8;
	v9 =	vadd.f32 $-1.200000000e+01, v9;
	(erf) = vpow2.f32 v6  }
0x2b5: {  	v11 =	vand.u32 $0x400, v11;
	v13 =	vshll.u32 v5, $0x8;
	v5 =	vshll.u32 v5, $0x7;
	v6 =	vld [tilespmem:s22+$0x2B00]  }
0x2b6: {  	v9 =	vmul.f32 $1.442695020e+00, v9;
	v10 =	vadd.f32 $-1.200000000e+01, v10;
	v14 =	vld [tilespmem:s22+$0x2B80];
	(erf) = vpow2.f32 v8  }
0x2b7: {  	v11 =	vor.u32 v11, v12;
	v5 =	vand.u32 $0x380, v5;
	v8 =	vand.u32 $0x3800, v13  }
0x2b8: {  	v10 =	vmul.f32 $1.442695020e+00, v10;
	v4 =	vadd.f32 $-1.200000000e+01, v4;
	v12 =	vld [tilespmem:s22+$0x3000];
	(erf) = vpow2.f32 v9  }
0x2b9: {  	vm0 =	vmand vm0, vm1;
	v8 =	vor.u32 v8, v11  }
0x2ba: {  	v4 =	vmul.f32 $1.442695020e+00, v4;
	v6 =	vadd.f32 $-1.200000000e+01, v6;
	v9 =	vld [tilespmem:s22+$0x3080];
	(erf) = vpow2.f32 v10  }
0x2bb: {  	v5 =	vor.u32 v5, v8;
	v10 =	vadd.f32 $-1.200000000e+01, v14;
	v11 =	vpop (erf)  }
0x2bc: {  	v8 =	vadd.f32 $0.0e+00, v11;
	v6 =	vmul.f32 $1.442695020e+00, v6;
	v11 =	vld [tilespmem:s22+$0x3100];
	(erf) = vpow2.f32 v4  }
0x2bd: {  	v4 =	vadd.f32 $-1.200000000e+01, v12;
	v12 =	vpop (erf)  }
0x2be: {  	v10 =	vmul.f32 $1.442695020e+00, v10;
	v8 =	vadd.f32 v12, v8;
	v12 =	vld [tilespmem:s22+$0x3180];
	(erf) = vpow2.f32 v6  }
0x2bf: {  	v6 =	vadd.f32 $-1.200000000e+01, v9;
	v9 =	vpop (erf)  }
0x2c0: {  	v4 =	vmul.f32 $1.442695020e+00, v4;
	v8 =	vadd.f32 v9, v8;
	v9 =	vld [tilespmem:s22+$0x3200];
	(erf) = vpow2.f32 v10  }
0x2c1: {  	v10 =	vadd.f32 $-1.200000000e+01, v11;
	v11 =	vpop (erf);
	v5 =	vld.idx.msk [tilespmem:v5+s16+$0x0], $0xffff  }
0x2c2: {  	v6 =	vmul.f32 $1.442695020e+00, v6;
	v8 =	vadd.f32 v11, v8;
	v11 =	vld [tilespmem:s22+$0x3280];
	(erf) = vpow2.f32 v4  }
0x2c3: {  	v4 =	vadd.f32 $-1.200000000e+01, v12;
	v12 =	vpop (erf)  }
0x2c4: {  	v10 =	vmul.f32 $1.442695020e+00, v10;
	v8 =	vadd.f32 v12, v8;
	v12 =	vld [tilespmem:s22+$0x3300];
	(erf) = vpow2.f32 v6  }
0x2c5: {  	v6 =	vadd.f32 $-1.200000000e+01, v9;
	v9 =	vpop (erf)  }
0x2c6: {  	v4 =	vmul.f32 $1.442695020e+00, v4;
	v8 =	vadd.f32 v9, v8;
	v9 =	vld [tilespmem:s22+$0x3380];
	(erf) = vpow2.f32 v10  }
0x2c7: {  	v5 =	vsub.f32 $1.200000000e+01, v5;
	v10 =	vadd.f32 $-1.200000000e+01, v11;
	v11 =	vpop (erf)  }
0x2c8: {  	v6 =	vmul.f32 $1.442695020e+00, v6;
	v8 =	vadd.f32 v11, v8;
	v11 =	vld [tilespmem:s22+$0x3800];
	(erf) = vpow2.f32 v4  }
0x2c9: {  	v5 =	vmul.f32 v5, v7;
	v4 =	vadd.f32 $-1.200000000e+01, v12;
	v12 =	vpop (erf)  }
0x2ca: {  	v7 =	vadd.f32 v12, v8;
	v8 =	vmul.f32 $1.442695020e+00, v10;
	v10 =	vld [tilespmem:s22+$0x3880];
	(erf) = vpow2.f32 v6  }
0x2cb: {  	v5 =	vnsel vm0, $0x0, v5;
	v6 =	vadd.f32 $-1.200000000e+01, v9;
	v9 =	vpop (erf)  }
0x2cc: {  	v4 =	vmul.f32 $1.442695020e+00, v4;
	v7 =	vadd.f32 v9, v7;
	v9 =	vld [tilespmem:s22+$0x3900];
	(erf) = vpow2.f32 v8  }
0x2cd: {  	v3 =	vadd.f32 v5, v3;
	v8 =	vadd.f32 $-1.200000000e+01, v11;
	v11 =	vpop (erf)  }
0x2ce: {  	v6 =	vmul.f32 $1.442695020e+00, v6;
	v5 =	vadd.f32 v11, v7;
	v7 =	vld [tilespmem:s22+$0x3980];
	(erf) = vpow2.f32 v4  }
0x2cf: {  	v4 =	vadd.f32 $-1.200000000e+01, v10;
	v10 =	vpop (erf)  }
0x2d0: {  	v11 =	vmul.f32 $1.442695020e+00, v8;
	v5 =	vadd.f32 v10, v5;
	v10 =	vld [tilespmem:s22+$0x3A00];
	(erf) = vpow2.f32 v6  }
0x2d1: {  	v6 =	vadd.f32 $-1.200000000e+01, v9;
	v9 =	vpop (erf)  }
0x2d2: {  	v4 =	vmul.f32 $1.442695020e+00, v4;
	v5 =	vadd.f32 v9, v5;
	v9 =	vld [tilespmem:s22+$0x3A80];
	(erf) = vpow2.f32 v11  }
0x2d3: {  	v7 =	vadd.f32 $-1.200000000e+01, v7;
	v8 =	vpop (erf)  }
0x2d4: {  	v6 =	vmul.f32 $1.442695020e+00, v6;
	v5 =	vadd.f32 v8, v5;
	v8 =	vld [tilespmem:s22+$0x3B00];
	(erf) = vpow2.f32 v4  }
0x2d5: {  	v4 =	vadd.f32 $-1.200000000e+01, v10;
	v10 =	vpop (erf)  }
0x2d6: {  	v7 =	vmul.f32 $1.442695020e+00, v7;
	v5 =	vadd.f32 v10, v5;
	v10 =	vld [tilespmem:s22+$0x3B80];
	(erf) = vpow2.f32 v6  }
0x2d7: {  	v6 =	vadd.f32 $-1.200000000e+01, v9;
	v9 =	vpop (erf)  }
0x2d8: {  	v4 =	vmul.f32 $1.442695020e+00, v4;
	v5 =	vadd.f32 v9, v5;
	v9 =	vld [tilespmem:s22+$0x4000];
	(erf) = vpow2.f32 v7  }
0x2d9: {  	v7 =	vadd.f32 $-1.200000000e+01, v8;
	v8 =	vpop (erf)  }
0x2da: {  	v6 =	vmul.f32 $1.442695020e+00, v6;
	v5 =	vadd.f32 v8, v5;
	v8 =	vld [tilespmem:s22+$0x4080];
	(erf) = vpow2.f32 v4  }
0x2db: {  	v4 =	vadd.f32 $-1.200000000e+01, v10;
	v10 =	vpop (erf)  }
0x2dc: {  	v7 =	vmul.f32 $1.442695020e+00, v7;
	v5 =	vadd.f32 v10, v5;
	v10 =	vld [tilespmem:s22+$0x4100];
	(erf) = vpow2.f32 v6  }
0x2dd: {  	v6 =	vadd.f32 $-1.200000000e+01, v9;
	v9 =	vpop (erf)  }
0x2de: {  	v4 =	vmul.f32 $1.442695020e+00, v4;
	v5 =	vadd.f32 v9, v5;
	v9 =	vld [tilespmem:s22+$0x4180];
	(erf) = vpow2.f32 v7  }
0x2df: {  	v7 =	vadd.f32 $-1.200000000e+01, v8;
	v8 =	vpop (erf)  }
0x2e0: {  	v6 =	vmul.f32 $1.442695020e+00, v6;
	v5 =	vadd.f32 v8, v5;
	v8 =	vld [tilespmem:s22+$0x4200];
	(erf) = vpow2.f32 v4  }
0x2e1: {  	v4 =	vadd.f32 $-1.200000000e+01, v10;
	v10 =	vpop (erf)  }
0x2e2: {  	v7 =	vmul.f32 $1.442695020e+00, v7;
	v5 =	vadd.f32 v10, v5;
	v10 =	vld [tilespmem:s22+$0x4280];
	(erf) = vpow2.f32 v6  }
0x2e3: {  	v6 =	vadd.f32 $-1.200000000e+01, v9;
	v9 =	vpop (erf)  }
0x2e4: {  	v4 =	vmul.f32 $1.442695020e+00, v4;
	v5 =	vadd.f32 v9, v5;
	v9 =	vld [tilespmem:s22+$0x4300];
	(erf) = vpow2.f32 v7  }
0x2e5: {  	v7 =	vadd.f32 $-1.200000000e+01, v8;
	v8 =	vpop (erf)  }
0x2e6: {  	v6 =	vmul.f32 $1.442695020e+00, v6;
	v5 =	vadd.f32 v8, v5;
	v8 =	vld [tilespmem:s22+$0x4380];
	(erf) = vpow2.f32 v4  }
0x2e7: {  	v4 =	vadd.f32 $-1.200000000e+01, v10;
	v10 =	vpop (erf)  }
0x2e8: {  	v7 =	vmul.f32 $1.442695020e+00, v7;
	v5 =	vadd.f32 v10, v5;
	v10 =	vld [tilespmem:s22+$0x4800];
	(erf) = vpow2.f32 v6  }
0x2e9: {  	v6 =	vadd.f32 $-1.200000000e+01, v9;
	v9 =	vpop (erf)  }
0x2ea: {  	v4 =	vmul.f32 $1.442695020e+00, v4;
	v5 =	vadd.f32 v9, v5;
	v9 =	vld [tilespmem:s22+$0x4880];
	(erf) = vpow2.f32 v7  }
0x2eb: {  	v7 =	vadd.f32 $-1.200000000e+01, v8;
	v8 =	vpop (erf)  }
0x2ec: {  	v6 =	vmul.f32 $1.442695020e+00, v6;
	v5 =	vadd.f32 v8, v5;
	v8 =	vld [tilespmem:s22+$0x4900];
	(erf) = vpow2.f32 v4  }
0x2ed: {  	v4 =	vadd.f32 $-1.200000000e+01, v10;
	v10 =	vpop (erf)  }
0x2ee: {  	v7 =	vmul.f32 $1.442695020e+00, v7;
	v5 =	vadd.f32 v10, v5;
	v10 =	vld [tilespmem:s22+$0x4980];
	(erf) = vpow2.f32 v6  }
0x2ef: {  	v6 =	vadd.f32 $-1.200000000e+01, v9;
	v9 =	vpop (erf)  }
0x2f0: {  	v4 =	vmul.f32 $1.442695020e+00, v4;
	v5 =	vadd.f32 v9, v5;
	v9 =	vld [tilespmem:s22+$0x4A00];
	(erf) = vpow2.f32 v7  }
0x2f1: {  	v7 =	vadd.f32 $-1.200000000e+01, v8;
	v8 =	vpop (erf)  }
0x2f2: {  	v6 =	vmul.f32 $1.442695020e+00, v6;
	v5 =	vadd.f32 v8, v5;
	v8 =	vld [tilespmem:s22+$0x4A80];
	(erf) = vpow2.f32 v4  }
0x2f3: {  	v4 =	vadd.f32 $-1.200000000e+01, v10;
	v10 =	vpop (erf)  }
0x2f4: {  	v7 =	vmul.f32 $1.442695020e+00, v7;
	v5 =	vadd.f32 v10, v5;
	v10 =	vld [tilespmem:s22+$0x4B00];
	(erf) = vpow2.f32 v6  }
0x2f5: {  	v6 =	vadd.f32 $-1.200000000e+01, v9;
	v9 =	vpop (erf)  }
0x2f6: {  	v4 =	vmul.f32 $1.442695020e+00, v4;
	v5 =	vadd.f32 v9, v5;
	v9 =	vld [tilespmem:s22+$0x4B80];
	(erf) = vpow2.f32 v7  }
0x2f7: {  	v7 =	vadd.f32 $-1.200000000e+01, v8;
	v8 =	vpop (erf)  }
0x2f8: {  	v6 =	vmul.f32 $1.442695020e+00, v6;
	v5 =	vadd.f32 v8, v5;
	(erf) = vpow2.f32 v4  }
0x2f9: {  	v4 =	vadd.f32 $-1.200000000e+01, v10;
	v8 =	vpop (erf)  }
0x2fa: {  	v10 =	vmul.f32 $1.442695020e+00, v7;
	v5 =	vadd.f32 v8, v5;
	(erf) = vpow2.f32 v6  }
0x2fb: {  	v6 =	vadd.f32 $-1.200000000e+01, v9;
	v8 =	vpop (erf)  }
0x2fc: {  	v5 =	vadd.f32 v8, v5;
	v8 =	vmul.f32 $1.442695020e+00, v4;
	(erf) = vpow2.f32 v10  }
0x2fd: {  	v7 =	vpop (erf)  }
0x2fe: {  	v6 =	vmul.f32 $1.442695020e+00, v6;
	v7 =	vadd.f32 v7, v5;
	(erf) = vpow2.f32 v8  }
0x2ff: {  	v4 =	vpop (erf)  }
0x300: {  	v4 =	vadd.f32 v4, v7;
	(erf) = vpow2.f32 v6  }
0x301: {  	v5 =	vpop (erf)  }
0x302: {  	v4 =	vadd.f32 v5, v4  }
0x303: {  	v5 =	vpop (erf)  }
0x304: {  	v4 =	vadd.f32 v5, v4  }
0x305: {  	v5 =	vpop (erf)  }
0x306: {  	v4 =	vadd.f32 v5, v4  }
.Ltmp1:
0x307: {  	v5 =	vpop (erf);
	(pc) =	sbr.rel @p0 .LBB2_5-.Ltmp1, $4  }
0x308: {  	v4 =	vadd.f32 v5, v4  }
0x309: {  	v5 =	vpop (erf)  }
0x30a: {  	s3 =	sadd.s32 $0x80, s3;
	s0 =	sadd.s32 $0x10, s0;
	v4 =	vadd.f32 v5, v4  }
0x30b: {  	s17 =	sadd.s32 $0x10, s17;
	s23 =	sand.u32 $0x400, s3;
	s22 =	sand.u32 $0x70, s28  }
0x30c: {  	s3 =	sor.u32 s22, s23;
	[tilespmem:s0+$0x0] =	vst.add.f32.msk $0xffff, v4  }
0x30d: {  	v4 =	vld [tilespmem:s3+$0x2800];
	_ =	sdelay $0x1  }
0x30e: {  	v5 =	vld [tilespmem:s3+$0x2880];
	_ =	sdelay $0x1  }
0x30f: {  	v6 =	vld [tilespmem:s3+$0x2900]  }
0x310: {  	v4 =	vadd.f32 $-1.200000000e+01, v4  }
0x311: {  	v7 =	vld [tilespmem:s3+$0x2980]  }
0x312: {  	v5 =	vadd.f32 $-1.200000000e+01, v5;
	v4 =	vmul.f32 $1.442695020e+00, v4  }
0x313: {  	v8 =	vld [tilespmem:s3+$0x2A00]  }
0x314: {  	v6 =	vadd.f32 $-1.200000000e+01, v6;
	v5 =	vmul.f32 $1.442695020e+00, v5;
	(erf) = vpow2.f32 v4  }
0x315: {  	v4 =	vld [tilespmem:s3+$0x2A80]  }
0x316: {  	v7 =	vadd.f32 $-1.200000000e+01, v7;
	v6 =	vmul.f32 $1.442695020e+00, v6;
	(erf) = vpow2.f32 v5  }
0x317: {  	v5 =	vld [tilespmem:s3+$0x2B00]  }
0x318: {  	v9 =	vld [tilespmem:s3+$0x2B80];
	v8 =	vadd.f32 $-1.200000000e+01, v8;
	v7 =	vmul.f32 $1.442695020e+00, v7;
	(erf) = vpow2.f32 v6;
	_ =	sdelay $0x1  }
0x319: {  	v25 =	vmul.f32 $1.442695020e+00, v8;
	(erf) = vpow2.f32 v7;
	v4 =	vadd.f32 $-1.200000000e+01, v4  }
0x31a: {  	v26 =	vld [tilespmem:s3+$0x3000]  }
0x31b: {  	v27 =	vld [tilespmem:s3+$0x3080];
	(erf) = vpow2.f32 v25;
	v5 =	vadd.f32 $-1.200000000e+01, v5;
	v4 =	vmul.f32 $1.442695020e+00, v4  }
0x31c: {  	v28 =	vadd.f32 $-1.200000000e+01, v9;
	v29 =	vpop (erf)  }
0x31d: {  	v10 =	vld [tilespmem:s3+$0x3100];
	v5 =	vmul.f32 $1.442695020e+00, v5;
	(erf) = vpow2.f32 v4;
	v9 =	vadd.f32 $0.0e+00, v29  }
0x31e: {  	v6 =	vmul.f32 $1.442695020e+00, v28;
	v30 =	vpop (erf)  }
0x31f: {  	v4 =	vadd.f32 $-1.200000000e+01, v26;
	(erf) = vpow2.f32 v5;
	v8 =	vadd.f32 v30, v9  }
0x320: {  	v31 =	vld [tilespmem:s3+$0x3180];
	v5 =	vadd.f32 $-1.200000000e+01, v27;
	v32 =	vpop (erf)  }
0x321: {  	v33 =	vld [tilespmem:s3+$0x3200];
	v4 =	vmul.f32 $1.442695020e+00, v4;
	(erf) = vpow2.f32 v6;
	v7 =	vadd.f32 v32, v8  }
0x322: {  	v34 =	vadd.f32 $-1.200000000e+01, v10;
	v35 =	vpop (erf)  }
0x323: {  	v36 =	vld [tilespmem:s3+$0x3280];
	v5 =	vmul.f32 $1.442695020e+00, v5;
	(erf) = vpow2.f32 v4;
	v7 =	vadd.f32 v35, v7  }
0x324: {  	v6 =	vmul.f32 $1.442695020e+00, v34;
	v37 =	vpop (erf)  }
0x325: {  	v4 =	vadd.f32 $-1.200000000e+01, v31;
	(erf) = vpow2.f32 v5;
	v7 =	vadd.f32 v37, v7  }
0x326: {  	v38 =	vld [tilespmem:s3+$0x3300];
	v5 =	vadd.f32 $-1.200000000e+01, v33;
	v39 =	vpop (erf)  }
0x327: {  	v40 =	vld [tilespmem:s3+$0x3380];
	v4 =	vmul.f32 $1.442695020e+00, v4;
	(erf) = vpow2.f32 v6;
	v7 =	vadd.f32 v39, v7  }
0x328: {  	v41 =	vadd.f32 $-1.200000000e+01, v36;
	v42 =	vpop (erf)  }
0x329: {  	v43 =	vld [tilespmem:s3+$0x3800];
	v5 =	vmul.f32 $1.442695020e+00, v5;
	(erf) = vpow2.f32 v4;
	v7 =	vadd.f32 v42, v7  }
0x32a: {  	v6 =	vmul.f32 $1.442695020e+00, v41;
	v44 =	vpop (erf)  }
0x32b: {  	v45 =	vld [tilespmem:s3+$0x3880];
	v4 =	vadd.f32 $-1.200000000e+01, v38;
	(erf) = vpow2.f32 v5;
	v7 =	vadd.f32 v44, v7  }
0x32c: {  	v5 =	vadd.f32 $-1.200000000e+01, v40;
	v46 =	vpop (erf)  }
0x32d: {  	v4 =	vmul.f32 $1.442695020e+00, v4;
	(erf) = vpow2.f32 v6;
	v7 =	vadd.f32 v46, v7  }
0x32e: {  	v47 =	vld [tilespmem:s3+$0x3900];
	v48 =	vadd.f32 $-1.200000000e+01, v43;
	v49 =	vpop (erf)  }
0x32f: {  	v50 =	vld [tilespmem:s3+$0x3980];
	v5 =	vmul.f32 $1.442695020e+00, v5;
	(erf) = vpow2.f32 v4;
	v7 =	vadd.f32 v49, v7  }
0x330: {  	v4 =	vadd.f32 $-1.200000000e+01, v45;
	v51 =	vpop (erf)  }
0x331: {  	v6 =	vmul.f32 $1.442695020e+00, v48;
	(erf) = vpow2.f32 v5;
	v7 =	vadd.f32 v51, v7  }
0x332: {  	v52 =	vld [tilespmem:s3+$0x3A00];
	v4 =	vmul.f32 $1.442695020e+00, v4;
	v53 =	vpop (erf)  }
0x333: {  	v54 =	vld [tilespmem:s3+$0x3A80];
	v5 =	vadd.f32 $-1.200000000e+01, v47;
	(erf) = vpow2.f32 v6;
	v7 =	vadd.f32 v53, v7  }
0x334: {  	v55 =	vadd.f32 $-1.200000000e+01, v50;
	v56 =	vpop (erf)  }
0x335: {  	v57 =	vld [tilespmem:s3+$0x3B00];
	v5 =	vmul.f32 $1.442695020e+00, v5;
	(erf) = vpow2.f32 v4;
	v7 =	vadd.f32 v56, v7  }
0x336: {  	v6 =	vmul.f32 $1.442695020e+00, v55;
	v58 =	vpop (erf)  }
0x337: {  	v4 =	vadd.f32 $-1.200000000e+01, v52;
	(erf) = vpow2.f32 v5;
	v7 =	vadd.f32 v58, v7  }
0x338: {  	v59 =	vld [tilespmem:s3+$0x3B80];
	v5 =	vadd.f32 $-1.200000000e+01, v54;
	v60 =	vpop (erf)  }
0x339: {  	v61 =	vld [tilespmem:s3+$0x4000];
	v4 =	vmul.f32 $1.442695020e+00, v4;
	(erf) = vpow2.f32 v6;
	v7 =	vadd.f32 v60, v7  }
0x33a: {  	v62 =	vadd.f32 $-1.200000000e+01, v57;
	v63 =	vpop (erf)  }
0x33b: {  	v12 =	vld [tilespmem:s3+$0x4080];
	v5 =	vmul.f32 $1.442695020e+00, v5;
	(erf) = vpow2.f32 v4;
	v7 =	vadd.f32 v63, v7  }
0x33c: {  	v6 =	vmul.f32 $1.442695020e+00, v62;
	v13 =	vpop (erf)  }
0x33d: {  	v4 =	vadd.f32 $-1.200000000e+01, v59;
	(erf) = vpow2.f32 v5;
	v7 =	vadd.f32 v13, v7  }
0x33e: {  	v14 =	vld [tilespmem:s3+$0x4100];
	v5 =	vadd.f32 $-1.200000000e+01, v61;
	v15 =	vpop (erf)  }
0x33f: {  	v16 =	vld [tilespmem:s3+$0x4180];
	v4 =	vmul.f32 $1.442695020e+00, v4;
	(erf) = vpow2.f32 v6;
	v7 =	vadd.f32 v15, v7  }
0x340: {  	v17 =	vadd.f32 $-1.200000000e+01, v12;
	v18 =	vpop (erf)  }
0x341: {  	v19 =	vld [tilespmem:s3+$0x4200];
	v5 =	vmul.f32 $1.442695020e+00, v5;
	(erf) = vpow2.f32 v4;
	v7 =	vadd.f32 v18, v7  }
0x342: {  	v6 =	vmul.f32 $1.442695020e+00, v17;
	v20 =	vpop (erf)  }
0x343: {  	v4 =	vadd.f32 $-1.200000000e+01, v14;
	(erf) = vpow2.f32 v5;
	v7 =	vadd.f32 v20, v7  }
0x344: {  	v21 =	vld [tilespmem:s3+$0x4280];
	v5 =	vadd.f32 $-1.200000000e+01, v16;
	v22 =	vpop (erf)  }
0x345: {  	v23 =	vld [tilespmem:s3+$0x4300];
	v4 =	vmul.f32 $1.442695020e+00, v4;
	(erf) = vpow2.f32 v6;
	v7 =	vadd.f32 v22, v7  }
0x346: {  	v24 =	vadd.f32 $-1.200000000e+01, v19;
	v25 =	vpop (erf)  }
0x347: {  	v26 =	vld [tilespmem:s3+$0x4380];
	v5 =	vmul.f32 $1.442695020e+00, v5;
	(erf) = vpow2.f32 v4;
	v7 =	vadd.f32 v25, v7  }
0x348: {  	v6 =	vmul.f32 $1.442695020e+00, v24;
	v27 =	vpop (erf)  }
0x349: {  	v28 =	vld [tilespmem:s3+$0x4800];
	v4 =	vadd.f32 $-1.200000000e+01, v21;
	(erf) = vpow2.f32 v5;
	v7 =	vadd.f32 v27, v7  }
0x34a: {  	v5 =	vadd.f32 $-1.200000000e+01, v23;
	v29 =	vpop (erf)  }
0x34b: {  	v4 =	vmul.f32 $1.442695020e+00, v4;
	(erf) = vpow2.f32 v6;
	v7 =	vadd.f32 v29, v7  }
0x34c: {  	v30 =	vld [tilespmem:s3+$0x4880];
	v31 =	vadd.f32 $-1.200000000e+01, v26;
	v32 =	vpop (erf)  }
0x34d: {  	v33 =	vld [tilespmem:s3+$0x4900];
	v5 =	vmul.f32 $1.442695020e+00, v5;
	(erf) = vpow2.f32 v4;
	v7 =	vadd.f32 v32, v7  }
0x34e: {  	v4 =	vadd.f32 $-1.200000000e+01, v28;
	v34 =	vpop (erf)  }
0x34f: {  	v6 =	vmul.f32 $1.442695020e+00, v31;
	(erf) = vpow2.f32 v5;
	v7 =	vadd.f32 v34, v7  }
0x350: {  	v35 =	vld [tilespmem:s3+$0x4980];
	v4 =	vmul.f32 $1.442695020e+00, v4;
	v36 =	vpop (erf)  }
0x351: {  	v37 =	vld [tilespmem:s3+$0x4A00];
	v5 =	vadd.f32 $-1.200000000e+01, v30;
	(erf) = vpow2.f32 v6;
	v7 =	vadd.f32 v36, v7  }
0x352: {  	v38 =	vadd.f32 $-1.200000000e+01, v33;
	v39 =	vpop (erf)  }
0x353: {  	v40 =	vld [tilespmem:s3+$0x4A80];
	v5 =	vmul.f32 $1.442695020e+00, v5;
	(erf) = vpow2.f32 v4;
	v7 =	vadd.f32 v39, v7  }
0x354: {  	v6 =	vmul.f32 $1.442695020e+00, v38;
	v41 =	vpop (erf)  }
0x355: {  	v42 =	vld [tilespmem:s3+$0x4B00];
	v4 =	vadd.f32 $-1.200000000e+01, v35;
	(erf) = vpow2.f32 v5;
	v7 =	vadd.f32 v41, v7  }
0x356: {  	v5 =	vadd.f32 $-1.200000000e+01, v37;
	v43 =	vpop (erf)  }
0x357: {  	v4 =	vmul.f32 $1.442695020e+00, v4;
	(erf) = vpow2.f32 v6;
	v7 =	vadd.f32 v43, v7  }
0x358: {  	s22 =	sadd.s32 $0x10, s31;
	v44 =	vld [tilespmem:s3+$0x4B80];
	v45 =	vadd.f32 $-1.200000000e+01, v40;
	v46 =	vpop (erf)  }
0x359: {  	v11 =	vld [tilespmem:s22+$0x0];
	v5 =	vmul.f32 $1.442695020e+00, v5;
	(erf) = vpow2.f32 v4;
	v7 =	vadd.f32 v46, v7  }
0x35a: {  	v4 =	vadd.f32 $-1.200000000e+01, v42;
	v47 =	vpop (erf)  }
0x35b: {  	v6 =	vmul.f32 $1.442695020e+00, v45;
	(erf) = vpow2.f32 v5;
	v7 =	vadd.f32 v47, v7  }
0x35c: {  	v48 =	vpop (erf);
	v4 =	vmul.f32 $1.442695020e+00, v4  }
0x35d: {  	v5 =	vadd.f32 $-1.200000000e+01, v44;
	(erf) = vpow2.f32 v6;
	v7 =	vadd.f32 v48, v7  }
0x35e: {  	v49 =	vsub.s32 v11, v1;
	v50 =	vpop (erf)  }
0x35f: {  	v5 =	vmul.f32 $1.442695020e+00, v5;
	(erf) = vpow2.f32 v4;
	v7 =	vadd.f32 v50, v7  }
0x360: {  	vm0 =	vgt.s32 v49, $0x0;
	v4 =	vpop (erf)  }
0x361: {  	v6 =	vnsel vm0, $0x0, v49;
	(erf) = vpow2.f32 v5;
	v4 =	vadd.f32 v4, v7  }
0x362: {  	v51 =	vor.u32 s30, v0;
	v6 =	vmin.u32 v6, $0x27;
	v5 =	vmov s30;
	v52 =	vpop (erf)  }
0x363: {  	v53 =	vshll.u32 v6, $0x8;
	v5 =	vshll.u32 v5, $0x3;
	v4 =	vadd.f32 v52, v4  }
0x364: {  	v6 =	vshll.u32 v6, $0x7;
	v5 =	vand.u32 $0x400, v5;
	v54 =	vpop (erf);
	v7 =	vand.u32 $0x7F, v51  }
0x365: {  	v8 =	vand.u32 $0x3800, v53;
	v5 =	vor.u32 v5, v7;
	v4 =	vadd.f32 v54, v4  }
0x366: {  	v6 =	vand.u32 $0x380, v6;
	v55 =	vpop (erf);
	v5 =	vor.u32 v8, v5  }
0x367: {  	v5 =	vor.u32 v6, v5;
	v4 =	vadd.f32 v55, v4  }
0x368: {  	v56 =	vpop (erf)  }
0x369: {  	v4 =	vadd.f32 v56, v4  }
0x36a: {  	s2 =	sadd.s32 $0x10, s2;
	v57 =	vpop (erf)  }
0x36b: {  	v58 =	vld [tilespmem:s2+$0x0];
	v4 =	vadd.f32 v57, v4  }
0x36c: {  	s23 =	sadd.s32 $0x10, s0;
	v5 =	vld.idx.msk [tilespmem:v5+s16+$0x0], $0xffff  }
0x36d: {  	s30 =	sadd.s32 $0x10, s22;
	[tilespmem:s23+$0x0] =	vst.add.f32.msk $0xffff, v4  }
0x36e: {  	v4 =	vld [tilespmem:s30+$0x0];
	_ =	sdelay $0x4  }
0x36f: {  	v59 =	vsub.s32 v4, v1  }
0x370: {  	vm12 =	vgt.s32 v59, $0x0  }
0x371: {  	v60 =	vmov s28;
	v6 =	vnsel vm12, $0x0, v59  }
0x372: {  	v61 =	vor.u32 s28, v0;
	v8 =	vshll.u32 v60, $0x3;
	v6 =	vmin.u32 v6, $0x27  }
0x373: {  	v9 =	vand.u32 $0x7F, v61;
	v8 =	vand.u32 $0x400, v8;
	v62 =	vshll.u32 v6, $0x8  }
0x374: {  	v8 =	vor.u32 v8, v9;
	v6 =	vshll.u32 v6, $0x7;
	v10 =	vand.u32 $0x3800, v62  }
0x375: {  	v6 =	vand.u32 $0x380, v6;
	v8 =	vor.u32 v10, v8  }
0x376: {  	v6 =	vor.u32 v6, v8;
	_ =	sdelay $0x4  }
0x377: {  	v6 =	vld.idx.msk [tilespmem:v6+s16+$0x0], $0xffff  }
0x378: {  	s31 =	sadd.s32 $0x10, s2  }
0x379: {  	v5 =	vsub.f32 $1.200000000e+01, v5;
	v63 =	vld [tilespmem:s31+$0x0];
	_ =	sdelay $0x1  }
0x37a: {  	vm13 =	vge.s32 v11, v1;
	vm1 =	vlt.s32 v11, v2;
	v5 =	vmul.f32 v5, v58  }
0x37b: {  	p0 =	seq.s32 s26, $0xB;
	vm0 =	vmand vm13, vm1;
	v6 =	vsub.f32 $1.200000000e+01, v6  }
.Ltmp2:
0x37c: {  	v5 =	vnsel vm0, $0x0, v5;
	(pc) =	sbr.rel @p0 .LBB2_8-.Ltmp2, $4  }
0x37d: {  	vm14 =	vge.s32 v4, v1;
	vm15 =	vlt.s32 v4, v2;
	v1 =	vmul.f32 v6, v63  }
0x37e: {  	v2 =	vadd.f32 v5, v3;
	vm0 =	vmand vm14, vm15  }
0x37f: {  	v1 =	vnsel vm0, $0x0, v1  }
0x380: {  	v3 =	vadd.f32 v1, v2  }
.Ltmp3:
0x381: {  	(pc) =	sbr.rel .LBB2_2-.Ltmp3, $4  }
0x382: {  	s0 =	sadd.s32 s9, s29  }
0x383: {  	s0 =	sshrl.u32 s0, $0x3  }
0x384: {  	s26 =	sadd.s32 $0x1, s26;
	s0 =	sadd.s32 s1, s0  }
0x385: {  	[tilespmem:s16], [sflag:$0x2] =	stream.strided.gather [hbm4b:s0+s14], $0x2800, s15, s14, $0x38;
	[tilespmem:$0x5780] =	vst v63  }
.LBB2_8:
0x386: {  	_ =	swait.ge [sflag:s20], $0x2800;
	s0 =	simm.s32 $0x0  }
0x387: {  	[sflag:s20] =	ssyncset.done $0x0;
	s2 =	sand.u32 $0x70, s0;
	s3 =	sand.u32 $0x400, s0  }
0x388: {  	[sflag:s20] =	ssyncadd.s32 $0xFFFFD800;
	s2 =	sor.u32 s2, s3  }
0x389: {  	v1 =	vld [tilespmem:s2+$0x0];
	_ =	sdelay $0x1  }
0x38a: {  	v2 =	vld [tilespmem:s2+$0x80];
	_ =	sdelay $0x1  }
0x38b: {  	v4 =	vld [tilespmem:s2+$0x100]  }
0x38c: {  	v1 =	vadd.f32 $-1.200000000e+01, v1  }
0x38d: {  	v5 =	vld [tilespmem:s2+$0x180]  }
0x38e: {  	v2 =	vadd.f32 $-1.200000000e+01, v2;
	v1 =	vmul.f32 $1.442695020e+00, v1  }
0x38f: {  	v6 =	vld [tilespmem:s2+$0x200]  }
0x390: {  	v4 =	vadd.f32 $-1.200000000e+01, v4;
	v2 =	vmul.f32 $1.442695020e+00, v2;
	(erf) = vpow2.f32 v1  }
0x391: {  	v1 =	vld [tilespmem:s2+$0x280]  }
0x392: {  	v5 =	vadd.f32 $-1.200000000e+01, v5;
	v4 =	vmul.f32 $1.442695020e+00, v4;
	(erf) = vpow2.f32 v2  }
0x393: {  	v2 =	vld [tilespmem:s2+$0x300]  }
0x394: {  	v7 =	vld [tilespmem:s2+$0x380];
	v6 =	vadd.f32 $-1.200000000e+01, v6;
	v5 =	vmul.f32 $1.442695020e+00, v5;
	(erf) = vpow2.f32 v4;
	_ =	sdelay $0x1  }
0x395: {  	v52 =	vmul.f32 $1.442695020e+00, v6;
	(erf) = vpow2.f32 v5;
	v1 =	vadd.f32 $-1.200000000e+01, v1  }
0x396: {  	v53 =	vld [tilespmem:s2+$0x800]  }
0x397: {  	v54 =	vld [tilespmem:s2+$0x880];
	(erf) = vpow2.f32 v52;
	v2 =	vadd.f32 $-1.200000000e+01, v2;
	v1 =	vmul.f32 $1.442695020e+00, v1  }
0x398: {  	v55 =	vadd.f32 $-1.200000000e+01, v7;
	v56 =	vpop (erf)  }
0x399: {  	v8 =	vld [tilespmem:s2+$0x900];
	v2 =	vmul.f32 $1.442695020e+00, v2;
	(erf) = vpow2.f32 v1;
	v7 =	vadd.f32 $0.0e+00, v56  }
0x39a: {  	v4 =	vmul.f32 $1.442695020e+00, v55;
	v57 =	vpop (erf)  }
0x39b: {  	v1 =	vadd.f32 $-1.200000000e+01, v53;
	(erf) = vpow2.f32 v2;
	v6 =	vadd.f32 v57, v7  }
0x39c: {  	v58 =	vld [tilespmem:s2+$0x980];
	v2 =	vadd.f32 $-1.200000000e+01, v54;
	v59 =	vpop (erf)  }
0x39d: {  	v60 =	vld [tilespmem:s2+$0xA00];
	v1 =	vmul.f32 $1.442695020e+00, v1;
	(erf) = vpow2.f32 v4;
	v5 =	vadd.f32 v59, v6  }
0x39e: {  	v61 =	vadd.f32 $-1.200000000e+01, v8;
	v62 =	vpop (erf)  }
0x39f: {  	v63 =	vld [tilespmem:s2+$0xA80];
	v2 =	vmul.f32 $1.442695020e+00, v2;
	(erf) = vpow2.f32 v1;
	v5 =	vadd.f32 v62, v5  }
0x3a0: {  	v4 =	vmul.f32 $1.442695020e+00, v61;
	v11 =	vpop (erf)  }
0x3a1: {  	v1 =	vadd.f32 $-1.200000000e+01, v58;
	(erf) = vpow2.f32 v2;
	v5 =	vadd.f32 v11, v5  }
0x3a2: {  	v12 =	vld [tilespmem:s2+$0xB00];
	v2 =	vadd.f32 $-1.200000000e+01, v60;
	v13 =	vpop (erf)  }
0x3a3: {  	v14 =	vld [tilespmem:s2+$0xB80];
	v1 =	vmul.f32 $1.442695020e+00, v1;
	(erf) = vpow2.f32 v4;
	v5 =	vadd.f32 v13, v5  }
0x3a4: {  	v15 =	vadd.f32 $-1.200000000e+01, v63;
	v16 =	vpop (erf)  }
0x3a5: {  	v17 =	vld [tilespmem:s2+$0x1000];
	v2 =	vmul.f32 $1.442695020e+00, v2;
	(erf) = vpow2.f32 v1;
	v5 =	vadd.f32 v16, v5  }
0x3a6: {  	v4 =	vmul.f32 $1.442695020e+00, v15;
	v18 =	vpop (erf)  }
0x3a7: {  	v19 =	vld [tilespmem:s2+$0x1080];
	v1 =	vadd.f32 $-1.200000000e+01, v12;
	(erf) = vpow2.f32 v2;
	v5 =	vadd.f32 v18, v5  }
0x3a8: {  	v2 =	vadd.f32 $-1.200000000e+01, v14;
	v20 =	vpop (erf)  }
0x3a9: {  	v1 =	vmul.f32 $1.442695020e+00, v1;
	(erf) = vpow2.f32 v4;
	v5 =	vadd.f32 v20, v5  }
0x3aa: {  	v21 =	vld [tilespmem:s2+$0x1100];
	v22 =	vadd.f32 $-1.200000000e+01, v17;
	v23 =	vpop (erf)  }
0x3ab: {  	v24 =	vld [tilespmem:s2+$0x1180];
	v2 =	vmul.f32 $1.442695020e+00, v2;
	(erf) = vpow2.f32 v1;
	v5 =	vadd.f32 v23, v5  }
0x3ac: {  	v1 =	vadd.f32 $-1.200000000e+01, v19;
	v25 =	vpop (erf)  }
0x3ad: {  	v4 =	vmul.f32 $1.442695020e+00, v22;
	(erf) = vpow2.f32 v2;
	v5 =	vadd.f32 v25, v5  }
0x3ae: {  	v26 =	vld [tilespmem:s2+$0x1200];
	v1 =	vmul.f32 $1.442695020e+00, v1;
	v27 =	vpop (erf)  }
0x3af: {  	v28 =	vld [tilespmem:s2+$0x1280];
	v2 =	vadd.f32 $-1.200000000e+01, v21;
	(erf) = vpow2.f32 v4;
	v5 =	vadd.f32 v27, v5  }
0x3b0: {  	v29 =	vadd.f32 $-1.200000000e+01, v24;
	v30 =	vpop (erf)  }
0x3b1: {  	v31 =	vld [tilespmem:s2+$0x1300];
	v2 =	vmul.f32 $1.442695020e+00, v2;
	(erf) = vpow2.f32 v1;
	v5 =	vadd.f32 v30, v5  }
0x3b2: {  	v4 =	vmul.f32 $1.442695020e+00, v29;
	v32 =	vpop (erf)  }
0x3b3: {  	v1 =	vadd.f32 $-1.200000000e+01, v26;
	(erf) = vpow2.f32 v2;
	v5 =	vadd.f32 v32, v5  }
0x3b4: {  	v33 =	vld [tilespmem:s2+$0x1380];
	v2 =	vadd.f32 $-1.200000000e+01, v28;
	v34 =	vpop (erf)  }
0x3b5: {  	v35 =	vld [tilespmem:s2+$0x1800];
	v1 =	vmul.f32 $1.442695020e+00, v1;
	(erf) = vpow2.f32 v4;
	v5 =	vadd.f32 v34, v5  }
0x3b6: {  	v36 =	vadd.f32 $-1.200000000e+01, v31;
	v37 =	vpop (erf)  }
0x3b7: {  	v38 =	vld [tilespmem:s2+$0x1880];
	v2 =	vmul.f32 $1.442695020e+00, v2;
	(erf) = vpow2.f32 v1;
	v5 =	vadd.f32 v37, v5  }
0x3b8: {  	v4 =	vmul.f32 $1.442695020e+00, v36;
	v39 =	vpop (erf)  }
0x3b9: {  	v1 =	vadd.f32 $-1.200000000e+01, v33;
	(erf) = vpow2.f32 v2;
	v5 =	vadd.f32 v39, v5  }
0x3ba: {  	v40 =	vld [tilespmem:s2+$0x1900];
	v2 =	vadd.f32 $-1.200000000e+01, v35;
	v41 =	vpop (erf)  }
0x3bb: {  	v42 =	vld [tilespmem:s2+$0x1980];
	v1 =	vmul.f32 $1.442695020e+00, v1;
	(erf) = vpow2.f32 v4;
	v5 =	vadd.f32 v41, v5  }
0x3bc: {  	v43 =	vadd.f32 $-1.200000000e+01, v38;
	v44 =	vpop (erf)  }
0x3bd: {  	v45 =	vld [tilespmem:s2+$0x1A00];
	v2 =	vmul.f32 $1.442695020e+00, v2;
	(erf) = vpow2.f32 v1;
	v5 =	vadd.f32 v44, v5  }
0x3be: {  	v4 =	vmul.f32 $1.442695020e+00, v43;
	v46 =	vpop (erf)  }
0x3bf: {  	v1 =	vadd.f32 $-1.200000000e+01, v40;
	(erf) = vpow2.f32 v2;
	v5 =	vadd.f32 v46, v5  }
0x3c0: {  	v47 =	vld [tilespmem:s2+$0x1A80];
	v2 =	vadd.f32 $-1.200000000e+01, v42;
	v48 =	vpop (erf)  }
0x3c1: {  	v49 =	vld [tilespmem:s2+$0x1B00];
	v1 =	vmul.f32 $1.442695020e+00, v1;
	(erf) = vpow2.f32 v4;
	v5 =	vadd.f32 v48, v5  }
0x3c2: {  	v50 =	vadd.f32 $-1.200000000e+01, v45;
	v51 =	vpop (erf)  }
0x3c3: {  	v52 =	vld [tilespmem:s2+$0x1B80];
	v2 =	vmul.f32 $1.442695020e+00, v2;
	(erf) = vpow2.f32 v1;
	v5 =	vadd.f32 v51, v5  }
0x3c4: {  	v4 =	vmul.f32 $1.442695020e+00, v50;
	v53 =	vpop (erf)  }
0x3c5: {  	v54 =	vld [tilespmem:s2+$0x2000];
	v1 =	vadd.f32 $-1.200000000e+01, v47;
	(erf) = vpow2.f32 v2;
	v5 =	vadd.f32 v53, v5  }
0x3c6: {  	v2 =	vadd.f32 $-1.200000000e+01, v49;
	v55 =	vpop (erf)  }
0x3c7: {  	v1 =	vmul.f32 $1.442695020e+00, v1;
	(erf) = vpow2.f32 v4;
	v5 =	vadd.f32 v55, v5  }
0x3c8: {  	v56 =	vld [tilespmem:s2+$0x2080];
	v57 =	vadd.f32 $-1.200000000e+01, v52;
	v58 =	vpop (erf)  }
0x3c9: {  	v59 =	vld [tilespmem:s2+$0x2100];
	v2 =	vmul.f32 $1.442695020e+00, v2;
	(erf) = vpow2.f32 v1;
	v5 =	vadd.f32 v58, v5  }
0x3ca: {  	v1 =	vadd.f32 $-1.200000000e+01, v54;
	v60 =	vpop (erf)  }
0x3cb: {  	v4 =	vmul.f32 $1.442695020e+00, v57;
	(erf) = vpow2.f32 v2;
	v5 =	vadd.f32 v60, v5  }
0x3cc: {  	v61 =	vld [tilespmem:s2+$0x2180];
	v1 =	vmul.f32 $1.442695020e+00, v1;
	v62 =	vpop (erf)  }
0x3cd: {  	v63 =	vld [tilespmem:s2+$0x2200];
	v2 =	vadd.f32 $-1.200000000e+01, v56;
	(erf) = vpow2.f32 v4;
	v5 =	vadd.f32 v62, v5  }
0x3ce: {  	v12 =	vadd.f32 $-1.200000000e+01, v59;
	v13 =	vpop (erf)  }
0x3cf: {  	v14 =	vld [tilespmem:s2+$0x2280];
	v2 =	vmul.f32 $1.442695020e+00, v2;
	(erf) = vpow2.f32 v1;
	v5 =	vadd.f32 v13, v5  }
0x3d0: {  	v4 =	vmul.f32 $1.442695020e+00, v12;
	v15 =	vpop (erf)  }
0x3d1: {  	v16 =	vld [tilespmem:s2+$0x2300];
	v1 =	vadd.f32 $-1.200000000e+01, v61;
	(erf) = vpow2.f32 v2;
	v5 =	vadd.f32 v15, v5  }
0x3d2: {  	v2 =	vadd.f32 $-1.200000000e+01, v63;
	v17 =	vpop (erf)  }
0x3d3: {  	v18 =	vld [tilespmem:s2+$0x2380];
	v1 =	vmul.f32 $1.442695020e+00, v1;
	(erf) = vpow2.f32 v4;
	v5 =	vadd.f32 v17, v5  }
0x3d4: {  	v19 =	vadd.f32 $-1.200000000e+01, v14;
	v20 =	vpop (erf)  }
0x3d5: {  	v2 =	vmul.f32 $1.442695020e+00, v2;
	(erf) = vpow2.f32 v1;
	v5 =	vadd.f32 v20, v5  }
0x3d6: {  	v1 =	vadd.f32 $-1.200000000e+01, v16;
	v21 =	vpop (erf)  }
0x3d7: {  	v4 =	vmul.f32 $1.442695020e+00, v19;
	(erf) = vpow2.f32 v2;
	v5 =	vadd.f32 v21, v5  }
0x3d8: {  	v2 =	vadd.f32 $-1.200000000e+01, v18;
	v22 =	vpop (erf);
	v1 =	vmul.f32 $1.442695020e+00, v1  }
0x3d9: {  	(erf) = vpow2.f32 v4;
	v5 =	vadd.f32 v22, v5  }
0x3da: {  	v2 =	vmul.f32 $1.442695020e+00, v2;
	v23 =	vpop (erf)  }
0x3db: {  	(erf) = vpow2.f32 v1;
	v4 =	vadd.f32 v23, v5  }
0x3dc: {  	v1 =	vpop (erf)  }
0x3dd: {  	(erf) = vpow2.f32 v2;
	v1 =	vadd.f32 v1, v4  }
0x3de: {  	v2 =	vpop (erf)  }
0x3df: {  	v1 =	vadd.f32 v2, v1  }
0x3e0: {  	v2 =	vpop (erf)  }
0x3e1: {  	v1 =	vadd.f32 v2, v1  }
0x3e2: {  	v2 =	vpop (erf)  }
0x3e3: {  	v1 =	vadd.f32 v2, v1  }
0x3e4: {  	v2 =	vpop (erf)  }
0x3e5: {  	v1 =	vadd.f32 v2, v1  }
0x3e6: {  	v2 =	vpop (erf)  }
0x3e7: {  	s26 =	simm.s32 $0x10;
	s30 =	simm.s32 $0x80;
	v1 =	vadd.f32 v2, v1  }
0x3e8: {  	s31 =	simm.s32 $0x5600;
	s17 =	sand.u32 $0x70, s26;
	s2 =	sand.u32 $0x400, s30  }
0x3e9: {  	s2 =	sor.u32 s17, s2;
	[tilespmem:s31+$0x0] =	vst.add.f32.msk $0xffff, v1  }
0x3ea: {  	v1 =	vld [tilespmem:s2+$0x0];
	_ =	sdelay $0x1  }
0x3eb: {  	v2 =	vld [tilespmem:s2+$0x80];
	_ =	sdelay $0x1  }
0x3ec: {  	v24 =	vld [tilespmem:s2+$0x100]  }
0x3ed: {  	v1 =	vadd.f32 $-1.200000000e+01, v1  }
0x3ee: {  	v25 =	vld [tilespmem:s2+$0x180]  }
0x3ef: {  	v2 =	vadd.f32 $-1.200000000e+01, v2;
	v1 =	vmul.f32 $1.442695020e+00, v1  }
0x3f0: {  	v26 =	vld [tilespmem:s2+$0x200]  }
0x3f1: {  	v4 =	vadd.f32 $-1.200000000e+01, v24;
	v2 =	vmul.f32 $1.442695020e+00, v2;
	(erf) = vpow2.f32 v1  }
0x3f2: {  	v1 =	vld [tilespmem:s2+$0x280]  }
0x3f3: {  	v5 =	vadd.f32 $-1.200000000e+01, v25;
	v4 =	vmul.f32 $1.442695020e+00, v4;
	(erf) = vpow2.f32 v2  }
0x3f4: {  	v2 =	vld [tilespmem:s2+$0x300]  }
0x3f5: {  	v27 =	vld [tilespmem:s2+$0x380];
	v6 =	vadd.f32 $-1.200000000e+01, v26;
	v5 =	vmul.f32 $1.442695020e+00, v5;
	(erf) = vpow2.f32 v4;
	_ =	sdelay $0x1  }
0x3f6: {  	v28 =	vmul.f32 $1.442695020e+00, v6;
	(erf) = vpow2.f32 v5;
	v1 =	vadd.f32 $-1.200000000e+01, v1  }
0x3f7: {  	v29 =	vld [tilespmem:s2+$0x800]  }
0x3f8: {  	v30 =	vld [tilespmem:s2+$0x880];
	(erf) = vpow2.f32 v28;
	v2 =	vadd.f32 $-1.200000000e+01, v2;
	v1 =	vmul.f32 $1.442695020e+00, v1  }
0x3f9: {  	v31 =	vadd.f32 $-1.200000000e+01, v27;
	v32 =	vpop (erf)  }
0x3fa: {  	v33 =	vld [tilespmem:s2+$0x900];
	v2 =	vmul.f32 $1.442695020e+00, v2;
	(erf) = vpow2.f32 v1;
	v7 =	vadd.f32 $0.0e+00, v32  }
0x3fb: {  	v4 =	vmul.f32 $1.442695020e+00, v31;
	v34 =	vpop (erf)  }
0x3fc: {  	v1 =	vadd.f32 $-1.200000000e+01, v29;
	(erf) = vpow2.f32 v2;
	v6 =	vadd.f32 v34, v7  }
0x3fd: {  	v35 =	vld [tilespmem:s2+$0x980];
	v2 =	vadd.f32 $-1.200000000e+01, v30;
	v36 =	vpop (erf)  }
0x3fe: {  	v37 =	vld [tilespmem:s2+$0xA00];
	v1 =	vmul.f32 $1.442695020e+00, v1;
	(erf) = vpow2.f32 v4;
	v5 =	vadd.f32 v36, v6  }
0x3ff: {  	v38 =	vadd.f32 $-1.200000000e+01, v33;
	v39 =	vpop (erf)  }
0x400: {  	v40 =	vld [tilespmem:s2+$0xA80];
	v2 =	vmul.f32 $1.442695020e+00, v2;
	(erf) = vpow2.f32 v1;
	v5 =	vadd.f32 v39, v5  }
0x401: {  	v4 =	vmul.f32 $1.442695020e+00, v38;
	v41 =	vpop (erf)  }
0x402: {  	v1 =	vadd.f32 $-1.200000000e+01, v35;
	(erf) = vpow2.f32 v2;
	v5 =	vadd.f32 v41, v5  }
0x403: {  	v42 =	vld [tilespmem:s2+$0xB00];
	v2 =	vadd.f32 $-1.200000000e+01, v37;
	v43 =	vpop (erf)  }
0x404: {  	v44 =	vld [tilespmem:s2+$0xB80];
	v1 =	vmul.f32 $1.442695020e+00, v1;
	(erf) = vpow2.f32 v4;
	v5 =	vadd.f32 v43, v5  }
0x405: {  	v45 =	vadd.f32 $-1.200000000e+01, v40;
	v46 =	vpop (erf)  }
0x406: {  	v47 =	vld [tilespmem:s2+$0x1000];
	v2 =	vmul.f32 $1.442695020e+00, v2;
	(erf) = vpow2.f32 v1;
	v5 =	vadd.f32 v46, v5  }
0x407: {  	v4 =	vmul.f32 $1.442695020e+00, v45;
	v48 =	vpop (erf)  }
0x408: {  	v49 =	vld [tilespmem:s2+$0x1080];
	v1 =	vadd.f32 $-1.200000000e+01, v42;
	(erf) = vpow2.f32 v2;
	v5 =	vadd.f32 v48, v5  }
0x409: {  	v2 =	vadd.f32 $-1.200000000e+01, v44;
	v50 =	vpop (erf)  }
0x40a: {  	v1 =	vmul.f32 $1.442695020e+00, v1;
	(erf) = vpow2.f32 v4;
	v5 =	vadd.f32 v50, v5  }
0x40b: {  	v51 =	vld [tilespmem:s2+$0x1100];
	v52 =	vadd.f32 $-1.200000000e+01, v47;
	v53 =	vpop (erf)  }
0x40c: {  	v54 =	vld [tilespmem:s2+$0x1180];
	v2 =	vmul.f32 $1.442695020e+00, v2;
	(erf) = vpow2.f32 v1;
	v5 =	vadd.f32 v53, v5  }
0x40d: {  	v1 =	vadd.f32 $-1.200000000e+01, v49;
	v55 =	vpop (erf)  }
0x40e: {  	v4 =	vmul.f32 $1.442695020e+00, v52;
	(erf) = vpow2.f32 v2;
	v5 =	vadd.f32 v55, v5  }
0x40f: {  	v56 =	vld [tilespmem:s2+$0x1200];
	v1 =	vmul.f32 $1.442695020e+00, v1;
	v57 =	vpop (erf)  }
0x410: {  	v58 =	vld [tilespmem:s2+$0x1280];
	v2 =	vadd.f32 $-1.200000000e+01, v51;
	(erf) = vpow2.f32 v4;
	v5 =	vadd.f32 v57, v5  }
0x411: {  	v59 =	vadd.f32 $-1.200000000e+01, v54;
	v60 =	vpop (erf)  }
0x412: {  	v61 =	vld [tilespmem:s2+$0x1300];
	v2 =	vmul.f32 $1.442695020e+00, v2;
	(erf) = vpow2.f32 v1;
	v5 =	vadd.f32 v60, v5  }
0x413: {  	v4 =	vmul.f32 $1.442695020e+00, v59;
	v62 =	vpop (erf)  }
0x414: {  	v1 =	vadd.f32 $-1.200000000e+01, v56;
	(erf) = vpow2.f32 v2;
	v5 =	vadd.f32 v62, v5  }
0x415: {  	v63 =	vld [tilespmem:s2+$0x1380];
	v2 =	vadd.f32 $-1.200000000e+01, v58;
	v12 =	vpop (erf)  }
0x416: {  	v13 =	vld [tilespmem:s2+$0x1800];
	v1 =	vmul.f32 $1.442695020e+00, v1;
	(erf) = vpow2.f32 v4;
	v5 =	vadd.f32 v12, v5  }
0x417: {  	v14 =	vadd.f32 $-1.200000000e+01, v61;
	v15 =	vpop (erf)  }
0x418: {  	v16 =	vld [tilespmem:s2+$0x1880];
	v2 =	vmul.f32 $1.442695020e+00, v2;
	(erf) = vpow2.f32 v1;
	v5 =	vadd.f32 v15, v5  }
0x419: {  	v4 =	vmul.f32 $1.442695020e+00, v14;
	v17 =	vpop (erf)  }
0x41a: {  	v1 =	vadd.f32 $-1.200000000e+01, v63;
	(erf) = vpow2.f32 v2;
	v5 =	vadd.f32 v17, v5  }
0x41b: {  	v18 =	vld [tilespmem:s2+$0x1900];
	v2 =	vadd.f32 $-1.200000000e+01, v13;
	v19 =	vpop (erf)  }
0x41c: {  	v20 =	vld [tilespmem:s2+$0x1980];
	v1 =	vmul.f32 $1.442695020e+00, v1;
	(erf) = vpow2.f32 v4;
	v5 =	vadd.f32 v19, v5  }
0x41d: {  	v21 =	vadd.f32 $-1.200000000e+01, v16;
	v22 =	vpop (erf)  }
0x41e: {  	v23 =	vld [tilespmem:s2+$0x1A00];
	v2 =	vmul.f32 $1.442695020e+00, v2;
	(erf) = vpow2.f32 v1;
	v5 =	vadd.f32 v22, v5  }
0x41f: {  	v4 =	vmul.f32 $1.442695020e+00, v21;
	v24 =	vpop (erf)  }
0x420: {  	v1 =	vadd.f32 $-1.200000000e+01, v18;
	(erf) = vpow2.f32 v2;
	v5 =	vadd.f32 v24, v5  }
0x421: {  	v25 =	vld [tilespmem:s2+$0x1A80];
	v6 =	vadd.f32 $-1.200000000e+01, v20;
	v9 =	vpop (erf)  }
0x422: {  	v26 =	vld [tilespmem:s2+$0x1B00];
	v1 =	vmul.f32 $1.442695020e+00, v1;
	(erf) = vpow2.f32 v4;
	v5 =	vadd.f32 v9, v5  }
0x423: {  	v27 =	vadd.f32 $-1.200000000e+01, v23;
	v31 =	vld [tilespmem:s2+$0x2000];
	v28 =	vpop (erf)  }
0x424: {  	v29 =	vld [tilespmem:s2+$0x1B80];
	v6 =	vmul.f32 $1.442695020e+00, v6;
	(erf) = vpow2.f32 v1;
	v5 =	vadd.f32 v28, v5  }
0x425: {  	v4 =	vmul.f32 $1.442695020e+00, v27;
	v30 =	vpop (erf)  }
0x426: {  	v1 =	vadd.f32 $-1.200000000e+01, v25;
	(erf) = vpow2.f32 v6;
	v5 =	vadd.f32 v30, v5  }
0x427: {  	s28 =	simm.s32 $0x5000;
	v32 =	vadd.f32 $-1.200000000e+01, v26;
	v37 =	vld [tilespmem:s2+$0x2100];
	v33 =	vpop (erf)  }
0x428: {  	v2 =	vld [tilespmem:s28+$0x0];
	v1 =	vmul.f32 $1.442695020e+00, v1;
	(erf) = vpow2.f32 v4;
	v5 =	vadd.f32 v33, v5  }
0x429: {  	v34 =	vld [tilespmem:s2+$0x2080];
	v7 =	vadd.f32 $-1.200000000e+01, v31;
	v35 =	vadd.f32 $-1.200000000e+01, v29;
	v36 =	vpop (erf)  }
0x42a: {  	v6 =	vmul.f32 $1.442695020e+00, v32;
	(erf) = vpow2.f32 v1;
	v5 =	vadd.f32 v36, v5  }
0x42b: {  	v11 =	vor.u32 s0, v0;
	v40 =	vld [tilespmem:s2+$0x2200];
	v7 =	vmul.f32 $1.442695020e+00, v7;
	v10 =	vpop (erf)  }
0x42c: {  	v45 =	vld [tilespmem:s2+$0x2300];
	v4 =	vmul.f32 $1.442695020e+00, v35;
	(erf) = vpow2.f32 v6;
	v5 =	vadd.f32 v10, v5  }
0x42d: {  	v38 =	vld [tilespmem:s2+$0x2180];
	v39 =	vmov s0;
	v8 =	vadd.f32 $-1.200000000e+01, v37;
	v2 =	vadd.s32 $0xFFFFFC40, v2;
	v12 =	vpop (erf)  }
0x42e: {  	v43 =	vld [tilespmem:s2+$0x2280];
	v9 =	vadd.f32 $-1.200000000e+01, v34;
	(erf) = vpow2.f32 v4;
	v5 =	vadd.f32 v12, v5  }
0x42f: {  	v41 =	vand.u32 $0x7F, v11;
	v8 =	vmul.f32 $1.442695020e+00, v8;
	vm0 =	vgt.s32 v2, $0x0;
	v42 =	vpop (erf)  }
0x430: {  	v48 =	vld [tilespmem:s2+$0x2380];
	v9 =	vmul.f32 $1.442695020e+00, v9;
	(erf) = vpow2.f32 v7;
	v5 =	vadd.f32 v42, v5  }
0x431: {  	v46 =	vadd.f32 $-1.200000000e+01, v40;
	v52 =	vadd.f32 $-1.200000000e+01, v45;
	v1 =	vnsel vm0, $0x0, v2;
	v13 =	vpop (erf)  }
0x432: {  	(erf) = vpow2.f32 v9;
	v10 =	vadd.f32 $-1.200000000e+01, v38;
	v5 =	vadd.f32 v13, v5  }
0x433: {  	v49 =	vadd.f32 $-1.200000000e+01, v43;
	v51 =	vmul.f32 $1.442695020e+00, v46;
	v1 =	vmin.u32 v1, $0x27;
	v47 =	vpop (erf)  }
0x434: {  	(erf) = vpow2.f32 v8;
	v10 =	vmul.f32 $1.442695020e+00, v10;
	v5 =	vadd.f32 v47, v5  }
0x435: {  	v54 =	vadd.f32 $-1.200000000e+01, v48;
	v44 =	vshll.u32 v1, $0x8;
	v6 =	vshll.u32 v39, $0x3;
	v50 =	vpop (erf)  }
0x436: {  	v6 =	vand.u32 $0x400, v6;
	(erf) = vpow2.f32 v10;
	v5 =	vadd.f32 v50, v5  }
0x437: {  	v1 =	vshll.u32 v1, $0x7;
	v7 =	vand.u32 $0x3800, v44;
	v4 =	vor.u32 v6, v41;
	v53 =	vpop (erf)  }
0x438: {  	v6 =	vmul.f32 $1.442695020e+00, v49;
	(erf) = vpow2.f32 v51;
	v5 =	vadd.f32 v53, v5  }
0x439: {  	v1 =	vand.u32 $0x380, v1;
	v4 =	vor.u32 v7, v4;
	v7 =	vmul.f32 $1.442695020e+00, v52;
	v55 =	vpop (erf)  }
0x43a: {  	v1 =	vor.u32 v1, v4;
	(erf) = vpow2.f32 v6;
	v5 =	vadd.f32 v55, v5  }
0x43b: {  	v56 =	vpop (erf)  }
0x43c: {  	v4 =	vmul.f32 $1.442695020e+00, v54;
	(erf) = vpow2.f32 v7;
	v5 =	vadd.f32 v56, v5  }
0x43d: {  	v57 =	vpop (erf)  }
0x43e: {  	(erf) = vpow2.f32 v4;
	v5 =	vadd.f32 v57, v5  }
0x43f: {  	v1 =	vld.idx.msk [tilespmem:v1+s4+$0x0], $0xffff;
	v58 =	vpop (erf)  }
0x440: {  	s2 =	simm.s32 $0x5500;
	v4 =	vadd.f32 v58, v5  }
0x441: {  	v59 =	vld [tilespmem:s2+$0x0];
	v60 =	vpop (erf)  }
0x442: {  	v4 =	vadd.f32 v60, v4  }
0x443: {  	v61 =	vpop (erf)  }
0x444: {  	v1 =	vsub.f32 $1.200000000e+01, v1;
	v4 =	vadd.f32 v61, v4  }
0x445: {  	v62 =	vpop (erf)  }
0x446: {  	vm15 =	vlt.u32 v2, $0x28;
	v1 =	vmul.f32 v1, v59;
	v2 =	vadd.f32 v62, v4  }
0x447: {  	s29 =	simm.s32 $0x20;
	v63 =	vpop (erf)  }
0x448: {  	s22 =	sand.u32 $0x70, s29;
	s3 =	simm.s32 $0x100;
	v1 =	vnsel vm15, $0x0, v1;
	v2 =	vadd.f32 v63, v2  }
0x449: {  	s23 =	sand.u32 $0x400, s3;
	s17 =	simm.s32 $0x30;
	s0 =	simm.s32 $0x5610;
	v1 =	vadd.f32 v1, v3  }
.LBB2_9:
0x44a: {  	p0 =	sne.s32 s17, $0xF0;
	s22 =	sor.u32 s22, s23;
	[tilespmem:s0+$0x0] =	vst.add.f32.msk $0xffff, v2  }
0x44b: {  	s28 =	sadd.s32 $0x10, s28;
	v2 =	vld [tilespmem:s22+$0x0]  }
0x44c: {  	v3 =	vld [tilespmem:s28+$0x0]  }
0x44d: {  	s2 =	sadd.s32 $0x10, s2;
	v4 =	vld [tilespmem:s22+$0x80]  }
0x44e: {  	v5 =	vld [tilespmem:s2+$0x0]  }
0x44f: {  	v6 =	vld [tilespmem:s22+$0x100]  }
0x450: {  	v2 =	vadd.f32 $-1.200000000e+01, v2  }
0x451: {  	v7 =	vld [tilespmem:s22+$0x180];
	v3 =	vadd.s32 $0xFFFFFC40, v3  }
0x452: {  	v2 =	vmul.f32 $1.442695020e+00, v2;
	v4 =	vadd.f32 $-1.200000000e+01, v4;
	vm0 =	vgt.s32 v3, $0x0  }
0x453: {  	v10 =	vmov s26;
	v11 =	vor.u32 s26, v0;
	s26 =	smov.u32 s29;
	s29 =	smov.u32 s17;
	v8 =	vld [tilespmem:s22+$0x200];
	v9 =	vnsel vm0, $0x0, v3  }
0x454: {  	v4 =	vmul.f32 $1.442695020e+00, v4;
	v6 =	vadd.f32 $-1.200000000e+01, v6;
	(erf) = vpow2.f32 v2  }
0x455: {  	v11 =	vand.u32 $0x7F, v11;
	v10 =	vshll.u32 v10, $0x3;
	v9 =	vmin.u32 v9, $0x27;
	v2 =	vld [tilespmem:s22+$0x280]  }
0x456: {  	v6 =	vmul.f32 $1.442695020e+00, v6;
	v7 =	vadd.f32 $-1.200000000e+01, v7;
	(erf) = vpow2.f32 v4  }
0x457: {  	v10 =	vand.u32 $0x400, v10;
	v12 =	vshll.u32 v9, $0x8;
	v9 =	vshll.u32 v9, $0x7;
	v4 =	vld [tilespmem:s22+$0x300]  }
0x458: {  	v7 =	vmul.f32 $1.442695020e+00, v7;
	v8 =	vadd.f32 $-1.200000000e+01, v8;
	v13 =	vld [tilespmem:s22+$0x380];
	(erf) = vpow2.f32 v6  }
0x459: {  	v10 =	vor.u32 v10, v11;
	v9 =	vand.u32 $0x380, v9;
	v6 =	vand.u32 $0x3800, v12  }
0x45a: {  	v12 =	vmul.f32 $1.442695020e+00, v8;
	v2 =	vadd.f32 $-1.200000000e+01, v2;
	v11 =	vld [tilespmem:s22+$0x800];
	(erf) = vpow2.f32 v7  }
0x45b: {  	vm0 =	vlt.u32 v3, $0x28;
	v3 =	vor.u32 v6, v10  }
0x45c: {  	v2 =	vmul.f32 $1.442695020e+00, v2;
	v4 =	vadd.f32 $-1.200000000e+01, v4;
	v6 =	vld [tilespmem:s22+$0x880];
	(erf) = vpow2.f32 v12  }
0x45d: {  	v3 =	vor.u32 v9, v3;
	v7 =	vadd.f32 $-1.200000000e+01, v13;
	v8 =	vpop (erf)  }
0x45e: {  	v8 =	vadd.f32 $0.0e+00, v8;
	v4 =	vmul.f32 $1.442695020e+00, v4;
	v9 =	vld [tilespmem:s22+$0x900];
	(erf) = vpow2.f32 v2  }
0x45f: {  	v2 =	vadd.f32 $-1.200000000e+01, v11;
	v10 =	vpop (erf)  }
0x460: {  	v7 =	vmul.f32 $1.442695020e+00, v7;
	v8 =	vadd.f32 v10, v8;
	v10 =	vld [tilespmem:s22+$0x980];
	(erf) = vpow2.f32 v4  }
0x461: {  	v4 =	vadd.f32 $-1.200000000e+01, v6;
	v6 =	vpop (erf)  }
0x462: {  	v2 =	vmul.f32 $1.442695020e+00, v2;
	v6 =	vadd.f32 v6, v8;
	v8 =	vld [tilespmem:s22+$0xA00];
	(erf) = vpow2.f32 v7  }
0x463: {  	v7 =	vadd.f32 $-1.200000000e+01, v9;
	v9 =	vpop (erf);
	v3 =	vld.idx.msk [tilespmem:v3+s4+$0x0], $0xffff  }
0x464: {  	v4 =	vmul.f32 $1.442695020e+00, v4;
	v6 =	vadd.f32 v9, v6;
	v9 =	vld [tilespmem:s22+$0xA80];
	(erf) = vpow2.f32 v2  }
0x465: {  	v2 =	vadd.f32 $-1.200000000e+01, v10;
	v10 =	vpop (erf)  }
0x466: {  	v7 =	vmul.f32 $1.442695020e+00, v7;
	v6 =	vadd.f32 v10, v6;
	v10 =	vld [tilespmem:s22+$0xB00];
	(erf) = vpow2.f32 v4  }
0x467: {  	v4 =	vadd.f32 $-1.200000000e+01, v8;
	v8 =	vpop (erf)  }
0x468: {  	v2 =	vmul.f32 $1.442695020e+00, v2;
	v6 =	vadd.f32 v8, v6;
	v8 =	vld [tilespmem:s22+$0xB80];
	(erf) = vpow2.f32 v7  }
0x469: {  	v3 =	vsub.f32 $1.200000000e+01, v3;
	v7 =	vadd.f32 $-1.200000000e+01, v9;
	v9 =	vpop (erf)  }
0x46a: {  	v4 =	vmul.f32 $1.442695020e+00, v4;
	v6 =	vadd.f32 v9, v6;
	v9 =	vld [tilespmem:s22+$0x1000];
	(erf) = vpow2.f32 v2  }
0x46b: {  	v3 =	vmul.f32 v3, v5;
	v2 =	vadd.f32 $-1.200000000e+01, v10;
	v10 =	vpop (erf)  }
0x46c: {  	v5 =	vadd.f32 v10, v6;
	v6 =	vmul.f32 $1.442695020e+00, v7;
	v7 =	vld [tilespmem:s22+$0x1080];
	(erf) = vpow2.f32 v4  }
0x46d: {  	v3 =	vnsel vm0, $0x0, v3;
	v4 =	vadd.f32 $-1.200000000e+01, v8;
	v8 =	vpop (erf)  }
0x46e: {  	v2 =	vmul.f32 $1.442695020e+00, v2;
	v5 =	vadd.f32 v8, v5;
	v8 =	vld [tilespmem:s22+$0x1100];
	(erf) = vpow2.f32 v6  }
0x46f: {  	v1 =	vadd.f32 v3, v1;
	v6 =	vadd.f32 $-1.200000000e+01, v9;
	v9 =	vpop (erf)  }
0x470: {  	v4 =	vmul.f32 $1.442695020e+00, v4;
	v3 =	vadd.f32 v9, v5;
	v5 =	vld [tilespmem:s22+$0x1180];
	(erf) = vpow2.f32 v2  }
0x471: {  	v2 =	vadd.f32 $-1.200000000e+01, v7;
	v7 =	vpop (erf)  }
0x472: {  	v9 =	vmul.f32 $1.442695020e+00, v6;
	v3 =	vadd.f32 v7, v3;
	v7 =	vld [tilespmem:s22+$0x1200];
	(erf) = vpow2.f32 v4  }
0x473: {  	v4 =	vadd.f32 $-1.200000000e+01, v8;
	v8 =	vpop (erf)  }
0x474: {  	v2 =	vmul.f32 $1.442695020e+00, v2;
	v3 =	vadd.f32 v8, v3;
	v8 =	vld [tilespmem:s22+$0x1280];
	(erf) = vpow2.f32 v9  }
0x475: {  	v5 =	vadd.f32 $-1.200000000e+01, v5;
	v6 =	vpop (erf)  }
0x476: {  	v4 =	vmul.f32 $1.442695020e+00, v4;
	v3 =	vadd.f32 v6, v3;
	v6 =	vld [tilespmem:s22+$0x1300];
	(erf) = vpow2.f32 v2  }
0x477: {  	v2 =	vadd.f32 $-1.200000000e+01, v7;
	v7 =	vpop (erf)  }
0x478: {  	v5 =	vmul.f32 $1.442695020e+00, v5;
	v3 =	vadd.f32 v7, v3;
	v7 =	vld [tilespmem:s22+$0x1380];
	(erf) = vpow2.f32 v4  }
0x479: {  	v4 =	vadd.f32 $-1.200000000e+01, v8;
	v8 =	vpop (erf)  }
0x47a: {  	v2 =	vmul.f32 $1.442695020e+00, v2;
	v3 =	vadd.f32 v8, v3;
	v8 =	vld [tilespmem:s22+$0x1800];
	(erf) = vpow2.f32 v5  }
0x47b: {  	v5 =	vadd.f32 $-1.200000000e+01, v6;
	v6 =	vpop (erf)  }
0x47c: {  	v4 =	vmul.f32 $1.442695020e+00, v4;
	v3 =	vadd.f32 v6, v3;
	v6 =	vld [tilespmem:s22+$0x1880];
	(erf) = vpow2.f32 v2  }
0x47d: {  	v2 =	vadd.f32 $-1.200000000e+01, v7;
	v7 =	vpop (erf)  }
0x47e: {  	v5 =	vmul.f32 $1.442695020e+00, v5;
	v3 =	vadd.f32 v7, v3;
	v7 =	vld [tilespmem:s22+$0x1900];
	(erf) = vpow2.f32 v4  }
0x47f: {  	v4 =	vadd.f32 $-1.200000000e+01, v8;
	v8 =	vpop (erf)  }
0x480: {  	v2 =	vmul.f32 $1.442695020e+00, v2;
	v3 =	vadd.f32 v8, v3;
	v8 =	vld [tilespmem:s22+$0x1980];
	(erf) = vpow2.f32 v5  }
0x481: {  	v5 =	vadd.f32 $-1.200000000e+01, v6;
	v6 =	vpop (erf)  }
0x482: {  	v4 =	vmul.f32 $1.442695020e+00, v4;
	v3 =	vadd.f32 v6, v3;
	v6 =	vld [tilespmem:s22+$0x1A00];
	(erf) = vpow2.f32 v2  }
0x483: {  	v2 =	vadd.f32 $-1.200000000e+01, v7;
	v7 =	vpop (erf)  }
0x484: {  	v5 =	vmul.f32 $1.442695020e+00, v5;
	v3 =	vadd.f32 v7, v3;
	v7 =	vld [tilespmem:s22+$0x1A80];
	(erf) = vpow2.f32 v4  }
0x485: {  	v4 =	vadd.f32 $-1.200000000e+01, v8;
	v8 =	vpop (erf)  }
0x486: {  	v2 =	vmul.f32 $1.442695020e+00, v2;
	v3 =	vadd.f32 v8, v3;
	v8 =	vld [tilespmem:s22+$0x1B00];
	(erf) = vpow2.f32 v5  }
0x487: {  	v5 =	vadd.f32 $-1.200000000e+01, v6;
	v6 =	vpop (erf)  }
0x488: {  	v4 =	vmul.f32 $1.442695020e+00, v4;
	v3 =	vadd.f32 v6, v3;
	v6 =	vld [tilespmem:s22+$0x1B80];
	(erf) = vpow2.f32 v2  }
0x489: {  	v2 =	vadd.f32 $-1.200000000e+01, v7;
	v7 =	vpop (erf)  }
0x48a: {  	v5 =	vmul.f32 $1.442695020e+00, v5;
	v3 =	vadd.f32 v7, v3;
	v7 =	vld [tilespmem:s22+$0x2000];
	(erf) = vpow2.f32 v4  }
0x48b: {  	v4 =	vadd.f32 $-1.200000000e+01, v8;
	v8 =	vpop (erf)  }
0x48c: {  	v2 =	vmul.f32 $1.442695020e+00, v2;
	v3 =	vadd.f32 v8, v3;
	v8 =	vld [tilespmem:s22+$0x2080];
	(erf) = vpow2.f32 v5  }
0x48d: {  	v5 =	vadd.f32 $-1.200000000e+01, v6;
	v6 =	vpop (erf)  }
0x48e: {  	v4 =	vmul.f32 $1.442695020e+00, v4;
	v3 =	vadd.f32 v6, v3;
	v6 =	vld [tilespmem:s22+$0x2100];
	(erf) = vpow2.f32 v2  }
0x48f: {  	v2 =	vadd.f32 $-1.200000000e+01, v7;
	v7 =	vpop (erf)  }
0x490: {  	v5 =	vmul.f32 $1.442695020e+00, v5;
	v3 =	vadd.f32 v7, v3;
	v7 =	vld [tilespmem:s22+$0x2180];
	(erf) = vpow2.f32 v4  }
0x491: {  	v4 =	vadd.f32 $-1.200000000e+01, v8;
	v8 =	vpop (erf)  }
0x492: {  	v2 =	vmul.f32 $1.442695020e+00, v2;
	v3 =	vadd.f32 v8, v3;
	v8 =	vld [tilespmem:s22+$0x2200];
	(erf) = vpow2.f32 v5  }
0x493: {  	v5 =	vadd.f32 $-1.200000000e+01, v6;
	v6 =	vpop (erf)  }
0x494: {  	v4 =	vmul.f32 $1.442695020e+00, v4;
	v3 =	vadd.f32 v6, v3;
	v6 =	vld [tilespmem:s22+$0x2280];
	(erf) = vpow2.f32 v2  }
0x495: {  	v2 =	vadd.f32 $-1.200000000e+01, v7;
	v7 =	vpop (erf)  }
0x496: {  	v5 =	vmul.f32 $1.442695020e+00, v5;
	v3 =	vadd.f32 v7, v3;
	v7 =	vld [tilespmem:s22+$0x2300];
	(erf) = vpow2.f32 v4  }
0x497: {  	v4 =	vadd.f32 $-1.200000000e+01, v8;
	v8 =	vpop (erf)  }
0x498: {  	v2 =	vmul.f32 $1.442695020e+00, v2;
	v3 =	vadd.f32 v8, v3;
	v8 =	vld [tilespmem:s22+$0x2380];
	(erf) = vpow2.f32 v5  }
0x499: {  	v5 =	vadd.f32 $-1.200000000e+01, v6;
	v6 =	vpop (erf)  }
0x49a: {  	v4 =	vmul.f32 $1.442695020e+00, v4;
	v3 =	vadd.f32 v6, v3;
	(erf) = vpow2.f32 v2  }
0x49b: {  	v2 =	vadd.f32 $-1.200000000e+01, v7;
	v6 =	vpop (erf)  }
0x49c: {  	v7 =	vmul.f32 $1.442695020e+00, v5;
	v3 =	vadd.f32 v6, v3;
	(erf) = vpow2.f32 v4  }
0x49d: {  	v4 =	vadd.f32 $-1.200000000e+01, v8;
	v6 =	vpop (erf)  }
0x49e: {  	v3 =	vadd.f32 v6, v3;
	v6 =	vmul.f32 $1.442695020e+00, v2;
	(erf) = vpow2.f32 v7  }
0x49f: {  	v5 =	vpop (erf)  }
0x4a0: {  	v4 =	vmul.f32 $1.442695020e+00, v4;
	v5 =	vadd.f32 v5, v3;
	(erf) = vpow2.f32 v6  }
0x4a1: {  	v2 =	vpop (erf)  }
0x4a2: {  	v2 =	vadd.f32 v2, v5;
	(erf) = vpow2.f32 v4  }
0x4a3: {  	v3 =	vpop (erf)  }
0x4a4: {  	v2 =	vadd.f32 v3, v2  }
0x4a5: {  	v3 =	vpop (erf)  }
0x4a6: {  	v2 =	vadd.f32 v3, v2  }
0x4a7: {  	v3 =	vpop (erf)  }
0x4a8: {  	v2 =	vadd.f32 v3, v2  }
.Ltmp4:
0x4a9: {  	v3 =	vpop (erf);
	(pc) =	sbr.rel @p0 .LBB2_9-.Ltmp4, $4  }
0x4aa: {  	v2 =	vadd.f32 v3, v2  }
0x4ab: {  	v3 =	vpop (erf)  }
0x4ac: {  	s3 =	sadd.s32 $0x80, s3;
	s0 =	sadd.s32 $0x10, s0;
	v2 =	vadd.f32 v3, v2  }
0x4ad: {  	s17 =	sadd.s32 $0x10, s17;
	s23 =	sand.u32 $0x400, s3;
	s22 =	sand.u32 $0x70, s29  }
0x4ae: {  	s3 =	sor.u32 s22, s23;
	[tilespmem:s0+$0x0] =	vst.add.f32.msk $0xffff, v2  }
0x4af: {  	v2 =	vld [tilespmem:s3+$0x0];
	_ =	sdelay $0x1  }
0x4b0: {  	v3 =	vld [tilespmem:s3+$0x80];
	_ =	sdelay $0x1  }
0x4b1: {  	v4 =	vld [tilespmem:s3+$0x100]  }
0x4b2: {  	v2 =	vadd.f32 $-1.200000000e+01, v2  }
0x4b3: {  	v5 =	vld [tilespmem:s3+$0x180]  }
0x4b4: {  	v3 =	vadd.f32 $-1.200000000e+01, v3;
	v2 =	vmul.f32 $1.442695020e+00, v2  }
0x4b5: {  	v6 =	vld [tilespmem:s3+$0x200]  }
0x4b6: {  	v4 =	vadd.f32 $-1.200000000e+01, v4;
	v3 =	vmul.f32 $1.442695020e+00, v3;
	(erf) = vpow2.f32 v2  }
0x4b7: {  	v2 =	vld [tilespmem:s3+$0x280]  }
0x4b8: {  	v5 =	vadd.f32 $-1.200000000e+01, v5;
	v4 =	vmul.f32 $1.442695020e+00, v4;
	(erf) = vpow2.f32 v3  }
0x4b9: {  	v3 =	vld [tilespmem:s3+$0x300]  }
0x4ba: {  	v7 =	vld [tilespmem:s3+$0x380];
	v6 =	vadd.f32 $-1.200000000e+01, v6;
	v5 =	vmul.f32 $1.442695020e+00, v5;
	(erf) = vpow2.f32 v4;
	_ =	sdelay $0x1  }
0x4bb: {  	v22 =	vmul.f32 $1.442695020e+00, v6;
	(erf) = vpow2.f32 v5;
	v2 =	vadd.f32 $-1.200000000e+01, v2  }
0x4bc: {  	v23 =	vld [tilespmem:s3+$0x800]  }
0x4bd: {  	v24 =	vld [tilespmem:s3+$0x880];
	(erf) = vpow2.f32 v22;
	v3 =	vadd.f32 $-1.200000000e+01, v3;
	v2 =	vmul.f32 $1.442695020e+00, v2  }
0x4be: {  	v25 =	vadd.f32 $-1.200000000e+01, v7;
	v26 =	vpop (erf)  }
0x4bf: {  	v8 =	vld [tilespmem:s3+$0x900];
	v3 =	vmul.f32 $1.442695020e+00, v3;
	(erf) = vpow2.f32 v2;
	v7 =	vadd.f32 $0.0e+00, v26  }
0x4c0: {  	v4 =	vmul.f32 $1.442695020e+00, v25;
	v27 =	vpop (erf)  }
0x4c1: {  	v2 =	vadd.f32 $-1.200000000e+01, v23;
	(erf) = vpow2.f32 v3;
	v6 =	vadd.f32 v27, v7  }
0x4c2: {  	v28 =	vld [tilespmem:s3+$0x980];
	v3 =	vadd.f32 $-1.200000000e+01, v24;
	v29 =	vpop (erf)  }
0x4c3: {  	v30 =	vld [tilespmem:s3+$0xA00];
	v2 =	vmul.f32 $1.442695020e+00, v2;
	(erf) = vpow2.f32 v4;
	v5 =	vadd.f32 v29, v6  }
0x4c4: {  	v31 =	vadd.f32 $-1.200000000e+01, v8;
	v32 =	vpop (erf)  }
0x4c5: {  	v33 =	vld [tilespmem:s3+$0xA80];
	v3 =	vmul.f32 $1.442695020e+00, v3;
	(erf) = vpow2.f32 v2;
	v5 =	vadd.f32 v32, v5  }
0x4c6: {  	v4 =	vmul.f32 $1.442695020e+00, v31;
	v34 =	vpop (erf)  }
0x4c7: {  	v2 =	vadd.f32 $-1.200000000e+01, v28;
	(erf) = vpow2.f32 v3;
	v5 =	vadd.f32 v34, v5  }
0x4c8: {  	v35 =	vld [tilespmem:s3+$0xB00];
	v3 =	vadd.f32 $-1.200000000e+01, v30;
	v36 =	vpop (erf)  }
0x4c9: {  	v37 =	vld [tilespmem:s3+$0xB80];
	v2 =	vmul.f32 $1.442695020e+00, v2;
	(erf) = vpow2.f32 v4;
	v5 =	vadd.f32 v36, v5  }
0x4ca: {  	v38 =	vadd.f32 $-1.200000000e+01, v33;
	v39 =	vpop (erf)  }
0x4cb: {  	v40 =	vld [tilespmem:s3+$0x1000];
	v3 =	vmul.f32 $1.442695020e+00, v3;
	(erf) = vpow2.f32 v2;
	v5 =	vadd.f32 v39, v5  }
0x4cc: {  	v4 =	vmul.f32 $1.442695020e+00, v38;
	v41 =	vpop (erf)  }
0x4cd: {  	v42 =	vld [tilespmem:s3+$0x1080];
	v2 =	vadd.f32 $-1.200000000e+01, v35;
	(erf) = vpow2.f32 v3;
	v5 =	vadd.f32 v41, v5  }
0x4ce: {  	v3 =	vadd.f32 $-1.200000000e+01, v37;
	v43 =	vpop (erf)  }
0x4cf: {  	v2 =	vmul.f32 $1.442695020e+00, v2;
	(erf) = vpow2.f32 v4;
	v5 =	vadd.f32 v43, v5  }
0x4d0: {  	v44 =	vld [tilespmem:s3+$0x1100];
	v45 =	vadd.f32 $-1.200000000e+01, v40;
	v46 =	vpop (erf)  }
0x4d1: {  	v47 =	vld [tilespmem:s3+$0x1180];
	v3 =	vmul.f32 $1.442695020e+00, v3;
	(erf) = vpow2.f32 v2;
	v5 =	vadd.f32 v46, v5  }
0x4d2: {  	v2 =	vadd.f32 $-1.200000000e+01, v42;
	v48 =	vpop (erf)  }
0x4d3: {  	v4 =	vmul.f32 $1.442695020e+00, v45;
	(erf) = vpow2.f32 v3;
	v5 =	vadd.f32 v48, v5  }
0x4d4: {  	v49 =	vld [tilespmem:s3+$0x1200];
	v2 =	vmul.f32 $1.442695020e+00, v2;
	v50 =	vpop (erf)  }
0x4d5: {  	v51 =	vld [tilespmem:s3+$0x1280];
	v3 =	vadd.f32 $-1.200000000e+01, v44;
	(erf) = vpow2.f32 v4;
	v5 =	vadd.f32 v50, v5  }
0x4d6: {  	v52 =	vadd.f32 $-1.200000000e+01, v47;
	v53 =	vpop (erf)  }
0x4d7: {  	v54 =	vld [tilespmem:s3+$0x1300];
	v3 =	vmul.f32 $1.442695020e+00, v3;
	(erf) = vpow2.f32 v2;
	v5 =	vadd.f32 v53, v5  }
0x4d8: {  	v4 =	vmul.f32 $1.442695020e+00, v52;
	v55 =	vpop (erf)  }
0x4d9: {  	v2 =	vadd.f32 $-1.200000000e+01, v49;
	(erf) = vpow2.f32 v3;
	v5 =	vadd.f32 v55, v5  }
0x4da: {  	v56 =	vld [tilespmem:s3+$0x1380];
	v3 =	vadd.f32 $-1.200000000e+01, v51;
	v57 =	vpop (erf)  }
0x4db: {  	v58 =	vld [tilespmem:s3+$0x1800];
	v2 =	vmul.f32 $1.442695020e+00, v2;
	(erf) = vpow2.f32 v4;
	v5 =	vadd.f32 v57, v5  }
0x4dc: {  	v59 =	vadd.f32 $-1.200000000e+01, v54;
	v60 =	vpop (erf)  }
0x4dd: {  	v61 =	vld [tilespmem:s3+$0x1880];
	v3 =	vmul.f32 $1.442695020e+00, v3;
	(erf) = vpow2.f32 v2;
	v5 =	vadd.f32 v60, v5  }
0x4de: {  	v4 =	vmul.f32 $1.442695020e+00, v59;
	v62 =	vpop (erf)  }
0x4df: {  	v2 =	vadd.f32 $-1.200000000e+01, v56;
	(erf) = vpow2.f32 v3;
	v5 =	vadd.f32 v62, v5  }
0x4e0: {  	v63 =	vld [tilespmem:s3+$0x1900];
	v3 =	vadd.f32 $-1.200000000e+01, v58;
	v12 =	vpop (erf)  }
0x4e1: {  	v13 =	vld [tilespmem:s3+$0x1980];
	v2 =	vmul.f32 $1.442695020e+00, v2;
	(erf) = vpow2.f32 v4;
	v5 =	vadd.f32 v12, v5  }
0x4e2: {  	v14 =	vadd.f32 $-1.200000000e+01, v61;
	v15 =	vpop (erf)  }
0x4e3: {  	v16 =	vld [tilespmem:s3+$0x1A00];
	v3 =	vmul.f32 $1.442695020e+00, v3;
	(erf) = vpow2.f32 v2;
	v5 =	vadd.f32 v15, v5  }
0x4e4: {  	v4 =	vmul.f32 $1.442695020e+00, v14;
	v17 =	vpop (erf)  }
0x4e5: {  	v2 =	vadd.f32 $-1.200000000e+01, v63;
	(erf) = vpow2.f32 v3;
	v5 =	vadd.f32 v17, v5  }
0x4e6: {  	v18 =	vld [tilespmem:s3+$0x1A80];
	v3 =	vadd.f32 $-1.200000000e+01, v13;
	v19 =	vpop (erf)  }
0x4e7: {  	v20 =	vld [tilespmem:s3+$0x1B00];
	v2 =	vmul.f32 $1.442695020e+00, v2;
	(erf) = vpow2.f32 v4;
	v5 =	vadd.f32 v19, v5  }
0x4e8: {  	v21 =	vadd.f32 $-1.200000000e+01, v16;
	v22 =	vpop (erf)  }
0x4e9: {  	v23 =	vld [tilespmem:s3+$0x1B80];
	v3 =	vmul.f32 $1.442695020e+00, v3;
	(erf) = vpow2.f32 v2;
	v5 =	vadd.f32 v22, v5  }
0x4ea: {  	v4 =	vmul.f32 $1.442695020e+00, v21;
	v24 =	vpop (erf)  }
0x4eb: {  	v25 =	vld [tilespmem:s3+$0x2000];
	v2 =	vadd.f32 $-1.200000000e+01, v18;
	(erf) = vpow2.f32 v3;
	v5 =	vadd.f32 v24, v5  }
0x4ec: {  	v3 =	vadd.f32 $-1.200000000e+01, v20;
	v26 =	vpop (erf)  }
0x4ed: {  	v2 =	vmul.f32 $1.442695020e+00, v2;
	(erf) = vpow2.f32 v4;
	v5 =	vadd.f32 v26, v5  }
0x4ee: {  	v27 =	vld [tilespmem:s3+$0x2080];
	v28 =	vadd.f32 $-1.200000000e+01, v23;
	v29 =	vpop (erf)  }
0x4ef: {  	v30 =	vld [tilespmem:s3+$0x2100];
	v3 =	vmul.f32 $1.442695020e+00, v3;
	(erf) = vpow2.f32 v2;
	v5 =	vadd.f32 v29, v5  }
0x4f0: {  	v2 =	vadd.f32 $-1.200000000e+01, v25;
	v31 =	vpop (erf)  }
0x4f1: {  	v4 =	vmul.f32 $1.442695020e+00, v28;
	(erf) = vpow2.f32 v3;
	v5 =	vadd.f32 v31, v5  }
0x4f2: {  	v32 =	vld [tilespmem:s3+$0x2180];
	v2 =	vmul.f32 $1.442695020e+00, v2;
	v33 =	vpop (erf)  }
0x4f3: {  	v34 =	vld [tilespmem:s3+$0x2200];
	v3 =	vadd.f32 $-1.200000000e+01, v27;
	(erf) = vpow2.f32 v4;
	v5 =	vadd.f32 v33, v5  }
0x4f4: {  	v35 =	vadd.f32 $-1.200000000e+01, v30;
	v36 =	vpop (erf)  }
0x4f5: {  	v37 =	vld [tilespmem:s3+$0x2280];
	v3 =	vmul.f32 $1.442695020e+00, v3;
	(erf) = vpow2.f32 v2;
	v5 =	vadd.f32 v36, v5  }
0x4f6: {  	v4 =	vmul.f32 $1.442695020e+00, v35;
	v38 =	vpop (erf)  }
0x4f7: {  	v39 =	vld [tilespmem:s3+$0x2300];
	v2 =	vadd.f32 $-1.200000000e+01, v32;
	(erf) = vpow2.f32 v3;
	v5 =	vadd.f32 v38, v5  }
0x4f8: {  	v3 =	vadd.f32 $-1.200000000e+01, v34;
	v40 =	vpop (erf)  }
0x4f9: {  	v2 =	vmul.f32 $1.442695020e+00, v2;
	(erf) = vpow2.f32 v4;
	v5 =	vadd.f32 v40, v5  }
0x4fa: {  	s23 =	sadd.s32 $0x10, s28;
	v41 =	vld [tilespmem:s3+$0x2380];
	v42 =	vadd.f32 $-1.200000000e+01, v37;
	v43 =	vpop (erf)  }
0x4fb: {  	v9 =	vld [tilespmem:s23+$0x0];
	v3 =	vmul.f32 $1.442695020e+00, v3;
	(erf) = vpow2.f32 v2;
	v5 =	vadd.f32 v43, v5  }
0x4fc: {  	v2 =	vadd.f32 $-1.200000000e+01, v39;
	v44 =	vpop (erf)  }
0x4fd: {  	v4 =	vmul.f32 $1.442695020e+00, v42;
	(erf) = vpow2.f32 v3;
	v5 =	vadd.f32 v44, v5  }
0x4fe: {  	v45 =	vpop (erf);
	v2 =	vmul.f32 $1.442695020e+00, v2  }
0x4ff: {  	v3 =	vadd.f32 $-1.200000000e+01, v41;
	(erf) = vpow2.f32 v4;
	v5 =	vadd.f32 v45, v5  }
0x500: {  	v46 =	vadd.s32 $0xFFFFFC40, v9;
	v47 =	vpop (erf)  }
0x501: {  	v3 =	vmul.f32 $1.442695020e+00, v3;
	(erf) = vpow2.f32 v2;
	v5 =	vadd.f32 v47, v5  }
0x502: {  	vm0 =	vgt.s32 v46, $0x0;
	v2 =	vpop (erf)  }
0x503: {  	v48 =	vnsel vm0, $0x0, v46;
	(erf) = vpow2.f32 v3;
	v2 =	vadd.f32 v2, v5  }
0x504: {  	v49 =	vor.u32 s26, v0;
	v6 =	vmin.u32 v48, $0x27;
	v3 =	vmov s26;
	v50 =	vpop (erf)  }
0x505: {  	v51 =	vshll.u32 v6, $0x8;
	v3 =	vshll.u32 v3, $0x3;
	v2 =	vadd.f32 v50, v2  }
0x506: {  	v6 =	vshll.u32 v6, $0x7;
	v3 =	vand.u32 $0x400, v3;
	v52 =	vpop (erf);
	v5 =	vand.u32 $0x7F, v49  }
0x507: {  	v7 =	vand.u32 $0x3800, v51;
	v3 =	vor.u32 v3, v5;
	v2 =	vadd.f32 v52, v2  }
0x508: {  	v53 =	vand.u32 $0x380, v6;
	v54 =	vpop (erf);
	v3 =	vor.u32 v7, v3  }
0x509: {  	v3 =	vor.u32 v53, v3;
	v2 =	vadd.f32 v54, v2  }
0x50a: {  	v55 =	vpop (erf)  }
0x50b: {  	v2 =	vadd.f32 v55, v2  }
0x50c: {  	s2 =	sadd.s32 $0x10, s2;
	v56 =	vpop (erf)  }
0x50d: {  	v57 =	vld [tilespmem:s2+$0x0];
	v2 =	vadd.f32 v56, v2  }
0x50e: {  	s26 =	sadd.s32 $0x10, s0;
	v3 =	vld.idx.msk [tilespmem:v3+s4+$0x0], $0xffff  }
0x50f: {  	s28 =	sadd.s32 $0x10, s23;
	[tilespmem:s26+$0x0] =	vst.add.f32.msk $0xffff, v2  }
0x510: {  	v2 =	vld [tilespmem:s28+$0x0];
	_ =	sdelay $0x4  }
0x511: {  	v2 =	vadd.s32 $0xFFFFFC40, v2  }
0x512: {  	vm13 =	vgt.s32 v2, $0x0  }
0x513: {  	v59 =	vmov s29;
	v58 =	vnsel vm13, $0x0, v2  }
0x514: {  	v60 =	vor.u32 s29, v0;
	v7 =	vshll.u32 v59, $0x3;
	v5 =	vmin.u32 v58, $0x27  }
0x515: {  	v8 =	vand.u32 $0x7F, v60;
	v7 =	vand.u32 $0x400, v7;
	v61 =	vshll.u32 v5, $0x8  }
0x516: {  	v7 =	vor.u32 v7, v8;
	v5 =	vshll.u32 v5, $0x7;
	v9 =	vand.u32 $0x3800, v61  }
0x517: {  	v5 =	vand.u32 $0x380, v5;
	v7 =	vor.u32 v9, v7  }
0x518: {  	v5 =	vor.u32 v5, v7;
	_ =	sdelay $0x4  }
0x519: {  	v5 =	vld.idx.msk [tilespmem:v5+s4+$0x0], $0xffff  }
0x51a: {  	s29 =	sadd.s32 $0x10, s2  }
0x51b: {  	v62 =	vld [tilespmem:s29+$0x0]  }
0x51c: {  	v3 =	vsub.f32 $1.200000000e+01, v3;
	_ =	sdelay $0x1  }
0x51d: {  	v3 =	vmul.f32 v3, v57;
	v5 =	vsub.f32 $1.200000000e+01, v5  }
0x51e: {  	vm14 =	vlt.u32 v46, $0x28  }
0x51f: {  	v3 =	vnsel vm14, $0x0, v3;
	v63 =	vmul.f32 v5, v62  }
0x520: {  	v1 =	vadd.f32 v3, v1;
	vm15 =	vlt.u32 v2, $0x28  }
0x521: {  	v2 =	vnsel vm15, $0x0, v63  }
0x522: {  	v1 =	vadd.f32 v2, v1;
	_ =	sdelay $0x1  }
0x523: {  	s30 =	simm.s32 $0x5500;
	[tilespmem:$0x5700] =	vst v1  }
0x524: {  	[hbm4b:s10+s4] =	stream.linear.scatter [tilespmem:s30], [sflag:$0x3], $0x100, $0x38;
	[tilespmem:$0x5780] =	vst v63  }
0x525: {  	_ =	swait.ge [sflag:s18], $0x100  }
0x526: {  	[sflag:s18] =	ssyncset.done $0x0  }
0x527: {  	s31 =	simm.s32 $0x5600;
	[sflag:s18] =	ssyncadd.s32 $0xFFFFFF00  }
0x528: {  	[hbm4b:s11+s4] =	stream.linear.scatter [tilespmem:s31], [sflag:$0x3], $0x100, $0x38;
	[tilespmem:$0x5780] =	vst v63  }
0x529: {  	s25 =	sadd.s32 $0x1, s25;
	_ =	swait.ge [sflag:s18], $0x100  }
0x52a: {  	p0 =	sne.s32 s25, s13;
	[sflag:s18] =	ssyncset.done $0x0  }
.Ltmp5:
0x52b: {  	[sflag:s18] =	ssyncadd.s32 $0xFFFFFF00;
	(pc) =	sbr.rel @p0 .LBB2_1-.Ltmp5, $4  }
0x52c: {  	[hbm4b:s12+s4] =	stream.linear.scatter [tilespmem:s24], [sflag:$0x3], $0x80, $0x38;
	[tilespmem:$0x5780] =	vst v63  }
0x52d: {  	_ =	swait.ge [sflag:s18], $0x80  }
0x52e: {  	[sflag:s18] =	ssyncset.done $0x0  }
0x52f: {  	[sflag:s18] =	ssyncadd.s32 $0xFFFFFF80  }
0x530: {  	_ =	sfence.sel $0x180000  }
0x531: {  	[bflag:$0x0] =	sbarrier.arrive $0xFFFF  }
0x532: {  	_ =	strace $0x90000047  }
0x533: {  	s0 =	stileid.u32;
	[bflag:$0x2] =	sbarrier.arrive $0xFFFF  }
0x534: {  	p0 =	sne.s32 s0, $0x0;
	s0 =	rddreg [dreg:$0x4]  }
0x535: {  	s0 =	sadd.s32 @!p0 $0x100000, s0  }
0x536: {  	[sflag:s0] =	ssyncadd.tile.s32 @!p0 $0x1;
	_ =	shalt  }
.Lfunc_end2:
_tile_overlayer_lowered:
.L_overlay_start_2:
0x537: {  	(tag) =	ssettag $0x2  }
0x538: {  	s0 =	rddreg [dreg:$0x0];
	s2 =	stileid.u32  }
0x539: {  	s1 =	rddreg [dreg:$0x1];
	p0 =	sne.s32 s2, $0x0  }
0x53a: {  	s3 =	rddreg [dreg:$0x2];
	[bflag:$0x3] =	sbarrier.arrive $0xFFFF;
	s2 =	simm.s32 @!p0 $0x1C03  }
0x53b: {  	[timem:s3], [sflag:s2] =	dma.local @!p0 [hbm:s0], s1  }
0x53c: {  	s0 =	simm.s32 @!p0 $0x3  }
0x53d: {  	_ =	swait.ge @!p0 [sflag:s0], s1  }
0x53e: {  	s1 =	ssub.s32 @!p0 $0x0, s1;
	[sflag:s0] =	ssyncset.done @!p0 $0x0  }
0x53f: {  	[sflag:s0] =	ssyncadd.s32 @!p0 s1  }
0x540: {  	[bflag:$0x3] =	sbarrier.arrive $0xFFFF  }
0x541: {  	_ =	shalt  }

</sc_bundles>
